<compile_context>
chip_gen: v7x
topology: tpu7x:2x2x1
jax: 0.10.2.dev20260603
libtpu: 0.0.44.dev20260713+nightly
codegen_flags: <defaults>
</compile_context>

<pallas_src>
import functools

import jax
import jax.numpy as jnp
from jax import lax
from jax.experimental import pallas as pl
from jax.experimental.pallas import tpu as pltpu
from jax.experimental.pallas import tpu_sc as plsc

_NC = 2
_NS = 16
_LANES = 16


def _build_kernel(B, L, V, D, NG, CB):
    NW = _NC * _NS
    bpt = B // NW
    rows_per_w = bpt * L
    n_chunks = bpt // CB
    C = CB * L
    CPAD = -(-C // _LANES) * _LANES
    RPB = 4
    SPB = 128 // NG

    mesh = plsc.VectorSubcoreMesh(
        core_axis_name="c", subcore_axis_name="s",
        num_cores=_NC, num_subcores=_NS)

    buf = lambda shape, dtype: [pltpu.VMEM(shape, dtype) for _ in range(2)]

    @functools.partial(
        pl.kernel,
        out_type=jax.ShapeDtypeStruct((B, L, D), jnp.float32),
        mesh=mesh,
        compiler_params=pltpu.CompilerParams(needs_layout_passes=False),
        scratch_types=[
            pltpu.VMEM((rows_per_w + CPAD,), jnp.int32),
            buf((CPAD,), jnp.int32),
            buf((CPAD,), jnp.int32),
            buf((CPAD, 128), jnp.int32),
            buf((CPAD, 128), jnp.float32),
            buf((C, D), jnp.float32),
            [pltpu.SemaphoreType.DMA for _ in range(2)],
            [pltpu.SemaphoreType.DMA for _ in range(2)],
            [pltpu.SemaphoreType.DMA for _ in range(2 * CB)],
        ],
    )
    def dequant(idx_hbm, w8_hbm, scl_hbm, out_hbm,
                idx_v, bidx_v, sidx_v, rows_v, sblk_v, out_v,
                gsem, ssem, osem):
        wblk_hbm = w8_hbm.bitcast(jnp.int32).reshape(V * D // 4 // 128, 128)
        wid = lax.axis_index("s") * _NC + lax.axis_index("c")
        base = wid * rows_per_w
        b0 = wid * bpt
        pltpu.sync_copy(idx_hbm.at[pl.ds(base, rows_per_w)],
                        idx_v.at[pl.ds(0, rows_per_w)])
        for t in range(CPAD // _LANES):
            idx_v[pl.ds(rows_per_w + t * _LANES, _LANES)] = jnp.zeros(
                (_LANES,), jnp.int32)

        def start_gathers(c, b):
            cbase = c * C

            @plsc.parallel_loop(0, CPAD // _LANES, unroll=4)
            def build_idx(t):
                iv = idx_v[pl.ds(cbase + t * _LANES, _LANES)]
                bidx_v[b][pl.ds(t * _LANES, _LANES)] = iv >> 2
                sidx_v[b][pl.ds(t * _LANES, _LANES)] = iv >> 5

            pltpu.async_copy(wblk_hbm.at[bidx_v[b]], rows_v[b], gsem[b])
            pltpu.async_copy(scl_hbm.at[sidx_v[b]], sblk_v[b], ssem[b])

        def compute_chunk(c, b):
            cbase = c * C

            @plsc.parallel_loop(0, C, unroll=4)
            def do_row(r):
                ivv = idx_v[pl.ds(cbase + r, _LANES)]
                iv0 = ivv[0]
                shl = 24 - 8 * (iv0 & (RPB - 1))
                off = (iv0 & (SPB - 1)) * NG
                cl = jnp.minimum(off, 128 - _LANES)
                delta = off - cl
                sv = sblk_v[b][r, pl.ds(cl, _LANES)]
                for t in range(8):
                    s = jnp.take(
                        sv, jnp.full((_LANES,), t // 2, jnp.int32) + delta,
                        axis=0)
                    w = rows_v[b][r, pl.ds(t * _LANES, _LANES)]
                    v = (w << shl) >> 24
                    y = v.astype(jnp.float32) * s
                    out_v[b][r, pl.ds(t * _LANES, _LANES)] = y

        start_gathers(0, 0)

        def do_pair(g2, _):
            for b in range(2):
                c = g2 * 2 + b
                pltpu.make_async_copy(
                    wblk_hbm.at[bidx_v[b]], rows_v[b], gsem[b]).wait()
                pltpu.make_async_copy(
                    scl_hbm.at[sidx_v[b]], sblk_v[b], ssem[b]).wait()

                @pl.when(c + 1 < n_chunks)
                def _():
                    start_gathers(c + 1, 1 - b)

                @pl.when(c >= 2)
                def _():
                    for k in range(CB):
                        pltpu.make_async_copy(
                            out_v[b].at[pl.ds(k * L, L)],
                            out_hbm.at[b0 + (c - 2) * CB + k],
                            osem[b * CB + k]).wait()

                compute_chunk(c, b)
                for k in range(CB):
                    pltpu.async_copy(
                        out_v[b].at[pl.ds(k * L, L)],
                        out_hbm.at[b0 + c * CB + k], osem[b * CB + k])
            return 0

        lax.fori_loop(0, n_chunks // 2, do_pair, 0, unroll=False)

        for b in range(2):
            c = n_chunks - 2 + b
            for k in range(CB):
                pltpu.make_async_copy(
                    out_v[b].at[pl.ds(k * L, L)],
                    out_hbm.at[b0 + c * CB + k], osem[b * CB + k]).wait()

    return dequant


@jax.jit
def kernel(indices, weight, scales):
    B, L = indices.shape
    V, D = weight.shape
    NG = scales.shape[1]
    N = B * L
    idx_flat = indices.reshape(N)
    scl_blocks = scales.reshape(V * NG // 128, 128)
    fn = _build_kernel(B, L, V, D, NG, CB=2)
    return fn(idx_flat, weight, scl_blocks)

# --- scband reference (transcript-rebuilt; emitter-appended) ---
"""Pipeline reference for scband-quantized-embedding-2731599200973 (READ-ONLY COPY).

The authoritative reference and input builder live on the scoring server;
editing this copy changes nothing except your own understanding.
"""

import jax, jax.numpy as jnp
import numpy as np

V = 1000000
D = 128
GROUPSIZE = 32
NG = D // GROUPSIZE  # groups_per_row = 4
B, L = 4096, 50


def setup_inputs(seed: int = 0) -> dict:
    key = jax.random.key(seed)
    k1, k2, k3 = jax.random.split(key, 3)
    indices = jax.random.randint(k1, (B, L), 0, V, dtype=jnp.int32)
    # int8 quantized weight buffer [V, D] (bitwidth=8 -> D * 8 // 8 = D bytes/row)
    weight = jax.random.randint(k2, (V, D), -128, 128, dtype=jnp.int8)
    # per-group scales [V, NG], float32
    scales = (jax.random.uniform(k3, (V, NG), dtype=jnp.float32) * 0.02 + 0.001)
    return {"indices": indices, "weight": weight, "scales": scales}


def reference(indices, weight, scales):
    # aoti_forward, bitwidth == 8 branch
    # scales = self.scales.view(weight.shape[0], -1) -> already [V, NG]
    result_weights = jnp.take(weight, indices, axis=0)          # [B, L, D] int8
    result_scales = jnp.take(scales, indices, axis=0)           # [B, L, NG]
    rw_view = result_weights.astype(result_scales.dtype).reshape(
        result_weights.shape[:-1] + (NG, -1))                   # [B, L, NG, GROUPSIZE]
    rs_view = result_scales.reshape(result_scales.shape[:-1] + (NG, 1))  # [B, L, NG, 1]
    r = rw_view * rs_view
    return r.reshape(indices.shape + (-1,))                      # [B, L, D]

if __name__ == "__main__":
    import jax
    _d = setup_inputs()
    print(jax.jit(kernel)(*tuple(_d.values())))

</pallas_src>

<mosaic_0001>
#map = affine_map<(d0, d1) -> (0)>
#map1 = affine_map<(d0, d1) -> (0, 0)>
#map2 = affine_map<(d0, d1) -> (0, 0, 0)>
module attributes {stable_mosaic.version = 14 : i64} {
  func.func @dequant(%arg0: i32, %arg1: i32, %arg2: memref<204800xi32, #tpu.memory_space<hbm>>, %arg3: memref<1000000x128xi8, #tpu.memory_space<hbm>>, %arg4: memref<31250x128xf32, #tpu.memory_space<hbm>>, %arg5: memref<4096x50x128xf32, #tpu.memory_space<hbm>>, %arg6: memref<6512xi32, #tpu.memory_space<vmem>>, %arg7: memref<112xi32, #tpu.memory_space<vmem>>, %arg8: memref<112xi32, #tpu.memory_space<vmem>>, %arg9: memref<112xi32, #tpu.memory_space<vmem>>, %arg10: memref<112xi32, #tpu.memory_space<vmem>>, %arg11: memref<112x128xi32, #tpu.memory_space<vmem>>, %arg12: memref<112x128xi32, #tpu.memory_space<vmem>>, %arg13: memref<112x128xf32, #tpu.memory_space<vmem>>, %arg14: memref<112x128xf32, #tpu.memory_space<vmem>>, %arg15: memref<100x128xf32, #tpu.memory_space<vmem>>, %arg16: memref<100x128xf32, #tpu.memory_space<vmem>>, %arg17: memref<!tpu.dma_semaphore, #tpu.memory_space<semaphore_mem>>, %arg18: memref<!tpu.dma_semaphore, #tpu.memory_space<semaphore_mem>>, %arg19: memref<!tpu.dma_semaphore, #tpu.memory_space<semaphore_mem>>, %arg20: memref<!tpu.dma_semaphore, #tpu.memory_space<semaphore_mem>>, %arg21: memref<!tpu.dma_semaphore, #tpu.memory_space<semaphore_mem>>, %arg22: memref<!tpu.dma_semaphore, #tpu.memory_space<semaphore_mem>>, %arg23: memref<!tpu.dma_semaphore, #tpu.memory_space<semaphore_mem>>, %arg24: memref<!tpu.dma_semaphore, #tpu.memory_space<semaphore_mem>>) attributes {dimension_semantics = [#tpu.dimension_semantics<core_parallel>, #tpu.dimension_semantics<subcore_parallel>], iteration_bounds = array<i64: 2, 16>, scalar_prefetch = 0 : i64, scratch_operands = 19 : i64, tpu.core_type = #tpu.core_type<sc_vector_subcore>, window_params = [{transform_indices = #map}, {transform_indices = #map1}, {transform_indices = #map1}, {transform_indices = #map2}]} {
    %mul3A = arith.constant 2 : i32
    %mul3A_0 = arith.muli %arg1, %mul3A : i32
    %add3A = arith.addi %mul3A_0, %arg0 : i32
    %mul3A_1 = arith.constant 6400 : i32
    %mul3A_2 = arith.muli %add3A, %mul3A_1 : i32
    %mul3A_3 = arith.constant 128 : i32
    %mul3A_4 = arith.muli %add3A, %mul3A_3 : i32
    "tpu.region"() ({
      %run_scoped3A = tpu.sem_alloc : memref<!tpu.dma_semaphore, #tpu.memory_space<semaphore_mem>>
      %dma_start3A_117 = arith.constant 0 : i32
      %dma_start3A_118 = tpu.memref_slice %arg6[%dma_start3A_117] : memref<6512xi32, #tpu.memory_space<vmem>> -> memref<6400xi32, #tpu.memory_space<vmem>>
      %dma_start3A_119 = tpu.memref_slice %arg2[%mul3A_2] : memref<204800xi32, #tpu.memory_space<hbm>> -> memref<6400xi32, #tpu.memory_space<hbm>>
      %dma_start3A_120 = arith.constant 0 : i32
      %dma_start3A_121 = tpu.memref_slice %arg6[%dma_start3A_120] : memref<6512xi32, #tpu.memory_space<vmem>> -> memref<6400xi32, #tpu.memory_space<vmem>>
      %dma_start3A_122 = tpu.memref_slice %arg2[%mul3A_2] : memref<204800xi32, #tpu.memory_space<hbm>> -> memref<6400xi32, #tpu.memory_space<hbm>>
      tpu.enqueue_dma source(%dma_start3A_122 : memref<6400xi32, #tpu.memory_space<hbm>>) target(%dma_start3A_121 : memref<6400xi32, #tpu.memory_space<vmem>>) target_semaphore(%run_scoped3A : memref<!tpu.dma_semaphore, #tpu.memory_space<semaphore_mem>>)
      %dma_wait3A_123 = arith.constant 0 : i32
      %dma_wait3A_124 = tpu.memref_slice %arg6[%dma_wait3A_123] : memref<6512xi32, #tpu.memory_space<vmem>> -> memref<6400xi32, #tpu.memory_space<vmem>>
      %dma_wait3A_125 = tpu.memref_slice %arg2[%mul3A_2] : memref<204800xi32, #tpu.memory_space<hbm>> -> memref<6400xi32, #tpu.memory_space<hbm>>
      %dma_wait3A_126 = arith.constant 0 : i32
      %dma_wait3A_127 = tpu.memref_slice %arg6[%dma_wait3A_126] : memref<6512xi32, #tpu.memory_space<vmem>> -> memref<6400xi32, #tpu.memory_space<vmem>>
      %dma_wait3A_128 = tpu.memref_slice %arg2[%mul3A_2] : memref<204800xi32, #tpu.memory_space<hbm>> -> memref<6400xi32, #tpu.memory_space<hbm>>
      tpu.wait_dma2 semaphore(%run_scoped3A : memref<!tpu.dma_semaphore, #tpu.memory_space<semaphore_mem>>) src(%dma_wait3A_128 : memref<6400xi32, #tpu.memory_space<hbm>>) dst(%dma_wait3A_127 : memref<6400xi32, #tpu.memory_space<vmem>>)
      tpu.yield
    }) : () -> ()
    %broadcast_in_dim3A = arith.constant 0 : i32
    %broadcast_in_dim3A_5 = vector.broadcast %broadcast_in_dim3A : i32 to vector<16xi32>
    %swap3A = arith.constant 6400 : index
    %swap3A_6 = tpu.vector_load %arg6[%swap3A] {strides = array<i32>} : memref<6512xi32, #tpu.memory_space<vmem>>, vector<16xi32>,
    tpu.vector_store %arg6[%swap3A], %broadcast_in_dim3A_5 {strides = array<i32>} : memref<6512xi32, #tpu.memory_space<vmem>>, vector<16xi32>,
    %broadcast_in_dim3A_7 = arith.constant 0 : i32
    %broadcast_in_dim3A_8 = vector.broadcast %broadcast_in_dim3A_7 : i32 to vector<16xi32>
    %swap3A_9 = arith.constant 6416 : index
    %swap3A_10 = tpu.vector_load %arg6[%swap3A_9] {strides = array<i32>} : memref<6512xi32, #tpu.memory_space<vmem>>, vector<16xi32>,
    tpu.vector_store %arg6[%swap3A_9], %broadcast_in_dim3A_8 {strides = array<i32>} : memref<6512xi32, #tpu.memory_space<vmem>>, vector<16xi32>,
    %broadcast_in_dim3A_11 = arith.constant 0 : i32
    %broadcast_in_dim3A_12 = vector.broadcast %broadcast_in_dim3A_11 : i32 to vector<16xi32>
    %swap3A_13 = arith.constant 6432 : index
    %swap3A_14 = tpu.vector_load %arg6[%swap3A_13] {strides = array<i32>} : memref<6512xi32, #tpu.memory_space<vmem>>, vector<16xi32>,
    tpu.vector_store %arg6[%swap3A_13], %broadcast_in_dim3A_12 {strides = array<i32>} : memref<6512xi32, #tpu.memory_space<vmem>>, vector<16xi32>,
    %broadcast_in_dim3A_15 = arith.constant 0 : i32
    %broadcast_in_dim3A_16 = vector.broadcast %broadcast_in_dim3A_15 : i32 to vector<16xi32>
    %swap3A_17 = arith.constant 6448 : index
    %swap3A_18 = tpu.vector_load %arg6[%swap3A_17] {strides = array<i32>} : memref<6512xi32, #tpu.memory_space<vmem>>, vector<16xi32>,
    tpu.vector_store %arg6[%swap3A_17], %broadcast_in_dim3A_16 {strides = array<i32>} : memref<6512xi32, #tpu.memory_space<vmem>>, vector<16xi32>,
    %broadcast_in_dim3A_19 = arith.constant 0 : i32
    %broadcast_in_dim3A_20 = vector.broadcast %broadcast_in_dim3A_19 : i32 to vector<16xi32>
    %swap3A_21 = arith.constant 6464 : index
    %swap3A_22 = tpu.vector_load %arg6[%swap3A_21] {strides = array<i32>} : memref<6512xi32, #tpu.memory_space<vmem>>, vector<16xi32>,
    tpu.vector_store %arg6[%swap3A_21], %broadcast_in_dim3A_20 {strides = array<i32>} : memref<6512xi32, #tpu.memory_space<vmem>>, vector<16xi32>,
    %broadcast_in_dim3A_23 = arith.constant 0 : i32
    %broadcast_in_dim3A_24 = vector.broadcast %broadcast_in_dim3A_23 : i32 to vector<16xi32>
    %swap3A_25 = arith.constant 6480 : index
    %swap3A_26 = tpu.vector_load %arg6[%swap3A_25] {strides = array<i32>} : memref<6512xi32, #tpu.memory_space<vmem>>, vector<16xi32>,
    tpu.vector_store %arg6[%swap3A_25], %broadcast_in_dim3A_24 {strides = array<i32>} : memref<6512xi32, #tpu.memory_space<vmem>>, vector<16xi32>,
    %broadcast_in_dim3A_27 = arith.constant 0 : i32
    %broadcast_in_dim3A_28 = vector.broadcast %broadcast_in_dim3A_27 : i32 to vector<16xi32>
    %swap3A_29 = arith.constant 6496 : index
    %swap3A_30 = tpu.vector_load %arg6[%swap3A_29] {strides = array<i32>} : memref<6512xi32, #tpu.memory_space<vmem>>, vector<16xi32>,
    tpu.vector_store %arg6[%swap3A_29], %broadcast_in_dim3A_28 {strides = array<i32>} : memref<6512xi32, #tpu.memory_space<vmem>>, vector<16xi32>,
    %parallel_loop3A = arith.constant 0 : i32
    %parallel_loop3A_31 = arith.constant 7 : i32
    %parallel_loop3A_32 = arith.constant 1 : i32
    scf.for %parallel_loop3A_117 = %parallel_loop3A to %parallel_loop3A_31 step %parallel_loop3A_32  : i32 {
      %parallel_loop3A_118 = arith.constant 16 : i32
      %parallel_loop3A_119 = arith.muli %parallel_loop3A_117, %parallel_loop3A_118 : i32
      %parallel_loop3A_120 = arith.constant 0 : i32
      %parallel_loop3A_121 = arith.addi %parallel_loop3A_120, %parallel_loop3A_119 : i32
      %parallel_loop3A_122 = arith.index_cast %parallel_loop3A_121 : i32 to index
      %parallel_loop3A_123 = tpu.vector_load %arg6[%parallel_loop3A_122] {strides = array<i32>} : memref<6512xi32, #tpu.memory_space<vmem>>, vector<16xi32>,
      %parallel_loop3A_124 = arith.constant 2 : i32
      %parallel_loop3A_125 = vector.broadcast %parallel_loop3A_124 : i32 to vector<16xi32>
      %parallel_loop3A_126 = arith.shrsi %parallel_loop3A_123, %parallel_loop3A_125 : vector<16xi32>
      %parallel_loop3A_127 = arith.constant 16 : i32
      %parallel_loop3A_128 = arith.muli %parallel_loop3A_117, %parallel_loop3A_127 : i32
      %parallel_loop3A_129 = arith.index_cast %parallel_loop3A_128 : i32 to index
      %parallel_loop3A_130 = tpu.vector_load %arg7[%parallel_loop3A_129] {strides = array<i32>} : memref<112xi32, #tpu.memory_space<vmem>>, vector<16xi32>,
      tpu.vector_store %arg7[%parallel_loop3A_129], %parallel_loop3A_126 {strides = array<i32>} : memref<112xi32, #tpu.memory_space<vmem>>, vector<16xi32>,
      %parallel_loop3A_131 = arith.constant 5 : i32
      %parallel_loop3A_132 = vector.broadcast %parallel_loop3A_131 : i32 to vector<16xi32>
      %parallel_loop3A_133 = arith.shrsi %parallel_loop3A_123, %parallel_loop3A_132 : vector<16xi32>
      %parallel_loop3A_134 = arith.constant 16 : i32
      %parallel_loop3A_135 = arith.muli %parallel_loop3A_117, %parallel_loop3A_134 : i32
      %parallel_loop3A_136 = arith.index_cast %parallel_loop3A_135 : i32 to index
      %parallel_loop3A_137 = tpu.vector_load %arg9[%parallel_loop3A_136] {strides = array<i32>} : memref<112xi32, #tpu.memory_space<vmem>>, vector<16xi32>,
      tpu.vector_store %arg9[%parallel_loop3A_136], %parallel_loop3A_133 {strides = array<i32>} : memref<112xi32, #tpu.memory_space<vmem>>, vector<16xi32>,
    } {sc.loop_unroll_factor = 4 : i64, sc.parallel_access}
    %dma_start3A = tpu.memref_bitcast %arg3 : memref<1000000x128xi8, #tpu.memory_space<hbm>> -> memref<250000x128xi32, #tpu.memory_space<hbm>>
    %dma_start3A_33 = tpu.memref_reshape %dma_start3A : memref<250000x128xi32, #tpu.memory_space<hbm>> -> memref<250000x128xi32, #tpu.memory_space<hbm>>
    %dma_start3A_34 = arith.constant 0 : i32
    %dma_start3A_35 = arith.constant 0 : i32
    %dma_start3A_36 = tpu.memref_slice %dma_start3A_33[%dma_start3A_34, %dma_start3A_35] : memref<250000x128xi32, #tpu.memory_space<hbm>> -> memref<250000x128xi32, #tpu.memory_space<hbm>>
    tpu.enqueue_indirect_dma source(%dma_start3A_36 : memref<250000x128xi32, #tpu.memory_space<hbm>>) target(%arg11 : memref<112x128xi32, #tpu.memory_space<vmem>>) offsets(%arg7 : memref<112xi32, #tpu.memory_space<vmem>>) semaphore(%arg17 : memref<!tpu.dma_semaphore, #tpu.memory_space<semaphore_mem>>)
    %dma_start3A_37 = arith.constant 0 : i32
    %dma_start3A_38 = arith.constant 0 : i32
    %dma_start3A_39 = tpu.memref_slice %arg4[%dma_start3A_37, %dma_start3A_38] : memref<31250x128xf32, #tpu.memory_space<hbm>> -> memref<31250x128xf32, #tpu.memory_space<hbm>>
    tpu.enqueue_indirect_dma source(%dma_start3A_39 : memref<31250x128xf32, #tpu.memory_space<hbm>>) target(%arg13 : memref<112x128xf32, #tpu.memory_space<vmem>>) offsets(%arg9 : memref<112xi32, #tpu.memory_space<vmem>>) semaphore(%arg19 : memref<!tpu.dma_semaphore, #tpu.memory_space<semaphore_mem>>)
    %scan3A = arith.constant 0 : i32
    %scan3A_40 = arith.constant 0 : i32
    %scan3A_41 = arith.constant 32 : i32
    %scan3A_42 = arith.addi %scan3A_40, %scan3A_41 : i32
    %scan3A_43 = arith.constant 1 : i32
    %scan3A_44 = scf.for %scan3A_117 = %scan3A_40 to %scan3A_42 step %scan3A_43 iter_args(%scan3A_118 = %scan3A) -> (i32)  : i32 {
      %mul3A_119 = arith.constant 2 : i32
      %mul3A_120 = arith.muli %scan3A_117, %mul3A_119 : i32
      %add3A_121 = arith.constant 0 : i32
      %add3A_122 = arith.addi %mul3A_120, %add3A_121 : i32
      %dma_wait3A_123 = tpu.memref_bitcast %arg3 : memref<1000000x128xi8, #tpu.memory_space<hbm>> -> memref<250000x128xi32, #tpu.memory_space<hbm>>
      %dma_wait3A_124 = tpu.memref_reshape %dma_wait3A_123 : memref<250000x128xi32, #tpu.memory_space<hbm>> -> memref<250000x128xi32, #tpu.memory_space<hbm>>
      %dma_wait3A_125 = arith.constant 0 : i32
      %dma_wait3A_126 = arith.constant 0 : i32
      %dma_wait3A_127 = tpu.memref_slice %dma_wait3A_124[%dma_wait3A_125, %dma_wait3A_126] : memref<250000x128xi32, #tpu.memory_space<hbm>> -> memref<250000x128xi32, #tpu.memory_space<hbm>>
      tpu.wait_indirect_dma semaphore(%arg17 : memref<!tpu.dma_semaphore, #tpu.memory_space<semaphore_mem>>) src(%dma_wait3A_127 : memref<250000x128xi32, #tpu.memory_space<hbm>>) dst(%arg11 : memref<112x128xi32, #tpu.memory_space<vmem>>)
      %dma_wait3A_128 = arith.constant 0 : i32
      %dma_wait3A_129 = arith.constant 0 : i32
      %dma_wait3A_130 = tpu.memref_slice %arg4[%dma_wait3A_128, %dma_wait3A_129] : memref<31250x128xf32, #tpu.memory_space<hbm>> -> memref<31250x128xf32, #tpu.memory_space<hbm>>
      tpu.wait_indirect_dma semaphore(%arg19 : memref<!tpu.dma_semaphore, #tpu.memory_space<semaphore_mem>>) src(%dma_wait3A_130 : memref<31250x128xf32, #tpu.memory_space<hbm>>) dst(%arg13 : memref<112x128xf32, #tpu.memory_space<vmem>>)
      %add3A_131 = arith.constant 1 : i32
      %add3A_132 = arith.addi %add3A_122, %add3A_131 : i32
      %lt3A = arith.constant 64 : i32
      %lt3A_133 = arith.cmpi slt, %add3A_132, %lt3A : i32
      %convert_element_type3A = arith.extui %lt3A_133 : i1 to i32
      %cond3A = arith.constant 0 : i32
      %cond3A_134 = arith.cmpi ne, %convert_element_type3A, %cond3A : i32
      scf.if %cond3A_134 {
        %add3A_250 = arith.constant 1 : i32
        %add3A_251 = arith.addi %add3A_122, %add3A_250 : i32
        %mul3A_252 = arith.constant 100 : i32
        %mul3A_253 = arith.muli %add3A_251, %mul3A_252 : i32
        %parallel_loop3A_254 = arith.constant 0 : i32
        %parallel_loop3A_255 = arith.constant 7 : i32
        %parallel_loop3A_256 = arith.constant 1 : i32
        scf.for %parallel_loop3A_265 = %parallel_loop3A_254 to %parallel_loop3A_255 step %parallel_loop3A_256  : i32 {
          %parallel_loop3A_266 = arith.constant 16 : i32
          %parallel_loop3A_267 = arith.muli %parallel_loop3A_265, %parallel_loop3A_266 : i32
          %parallel_loop3A_268 = arith.addi %mul3A_253, %parallel_loop3A_267 : i32
          %parallel_loop3A_269 = arith.index_cast %parallel_loop3A_268 : i32 to index
          %parallel_loop3A_270 = tpu.vector_load %arg6[%parallel_loop3A_269] {strides = array<i32>} : memref<6512xi32, #tpu.memory_space<vmem>>, vector<16xi32>,
          %parallel_loop3A_271 = arith.constant 2 : i32
          %parallel_loop3A_272 = vector.broadcast %parallel_loop3A_271 : i32 to vector<16xi32>
          %parallel_loop3A_273 = arith.shrsi %parallel_loop3A_270, %parallel_loop3A_272 : vector<16xi32>
          %parallel_loop3A_274 = arith.constant 16 : i32
          %parallel_loop3A_275 = arith.muli %parallel_loop3A_265, %parallel_loop3A_274 : i32
          %parallel_loop3A_276 = arith.index_cast %parallel_loop3A_275 : i32 to index
          %parallel_loop3A_277 = tpu.vector_load %arg8[%parallel_loop3A_276] {strides = array<i32>} : memref<112xi32, #tpu.memory_space<vmem>>, vector<16xi32>,
          tpu.vector_store %arg8[%parallel_loop3A_276], %parallel_loop3A_273 {strides = array<i32>} : memref<112xi32, #tpu.memory_space<vmem>>, vector<16xi32>,
          %parallel_loop3A_278 = arith.constant 5 : i32
          %parallel_loop3A_279 = vector.broadcast %parallel_loop3A_278 : i32 to vector<16xi32>
          %parallel_loop3A_280 = arith.shrsi %parallel_loop3A_270, %parallel_loop3A_279 : vector<16xi32>
          %parallel_loop3A_281 = arith.constant 16 : i32
          %parallel_loop3A_282 = arith.muli %parallel_loop3A_265, %parallel_loop3A_281 : i32
          %parallel_loop3A_283 = arith.index_cast %parallel_loop3A_282 : i32 to index
          %parallel_loop3A_284 = tpu.vector_load %arg10[%parallel_loop3A_283] {strides = array<i32>} : memref<112xi32, #tpu.memory_space<vmem>>, vector<16xi32>,
          tpu.vector_store %arg10[%parallel_loop3A_283], %parallel_loop3A_280 {strides = array<i32>} : memref<112xi32, #tpu.memory_space<vmem>>, vector<16xi32>,
        } {sc.loop_unroll_factor = 4 : i64, sc.parallel_access}
        %dma_start3A_257 = tpu.memref_bitcast %arg3 : memref<1000000x128xi8, #tpu.memory_space<hbm>> -> memref<250000x128xi32, #tpu.memory_space<hbm>>
        %dma_start3A_258 = tpu.memref_reshape %dma_start3A_257 : memref<250000x128xi32, #tpu.memory_space<hbm>> -> memref<250000x128xi32, #tpu.memory_space<hbm>>
        %dma_start3A_259 = arith.constant 0 : i32
        %dma_start3A_260 = arith.constant 0 : i32
        %dma_start3A_261 = tpu.memref_slice %dma_start3A_258[%dma_start3A_259, %dma_start3A_260] : memref<250000x128xi32, #tpu.memory_space<hbm>> -> memref<250000x128xi32, #tpu.memory_space<hbm>>
        tpu.enqueue_indirect_dma source(%dma_start3A_261 : memref<250000x128xi32, #tpu.memory_space<hbm>>) target(%arg12 : memref<112x128xi32, #tpu.memory_space<vmem>>) offsets(%arg8 : memref<112xi32, #tpu.memory_space<vmem>>) semaphore(%arg18 : memref<!tpu.dma_semaphore, #tpu.memory_space<semaphore_mem>>)
        %dma_start3A_262 = arith.constant 0 : i32
        %dma_start3A_263 = arith.constant 0 : i32
        %dma_start3A_264 = tpu.memref_slice %arg4[%dma_start3A_262, %dma_start3A_263] : memref<31250x128xf32, #tpu.memory_space<hbm>> -> memref<31250x128xf32, #tpu.memory_space<hbm>>
        tpu.enqueue_indirect_dma source(%dma_start3A_264 : memref<31250x128xf32, #tpu.memory_space<hbm>>) target(%arg14 : memref<112x128xf32, #tpu.memory_space<vmem>>) offsets(%arg10 : memref<112xi32, #tpu.memory_space<vmem>>) semaphore(%arg20 : memref<!tpu.dma_semaphore, #tpu.memory_space<semaphore_mem>>)
      } else {
      }
      %ge3A = arith.constant 2 : i32
      %ge3A_135 = arith.cmpi sge, %add3A_122, %ge3A : i32
      %convert_element_type3A_136 = arith.extui %ge3A_135 : i1 to i32
      %cond3A_137 = arith.constant 0 : i32
      %cond3A_138 = arith.cmpi ne, %convert_element_type3A_136, %cond3A_137 : i32
      scf.if %cond3A_138 {
        %sub3A = arith.constant 2 : i32
        %sub3A_250 = arith.subi %add3A_122, %sub3A : i32
        %mul3A_251 = arith.constant 2 : i32
        %mul3A_252 = arith.muli %sub3A_250, %mul3A_251 : i32
        %add3A_253 = arith.addi %mul3A_4, %mul3A_252 : i32
        %add3A_254 = arith.constant 0 : i32
        %add3A_255 = arith.addi %add3A_253, %add3A_254 : i32
        %dma_wait3A_256 = arith.constant 0 : i32
        %dma_wait3A_257 = arith.constant 0 : i32
        %dma_wait3A_258 = tpu.memref_slice %arg15[%dma_wait3A_256, %dma_wait3A_257] : memref<100x128xf32, #tpu.memory_space<vmem>> -> memref<50x128xf32, #tpu.memory_space<vmem>>
        %dma_wait3A_259 = arith.constant 0 : i32
        %dma_wait3A_260 = arith.constant 0 : i32
        %dma_wait3A_261 = tpu.memref_slice %arg5[%add3A_255, %dma_wait3A_259, %dma_wait3A_260] : memref<4096x50x128xf32, #tpu.memory_space<hbm>> -> memref<1x50x128xf32, #tpu.memory_space<hbm>>
        %dma_wait3A_262 = tpu.memref_squeeze %dma_wait3A_261 : memref<1x50x128xf32, #tpu.memory_space<hbm>> -> memref<50x128xf32, #tpu.memory_space<hbm>>
        %dma_wait3A_263 = arith.constant 0 : i32
        %dma_wait3A_264 = arith.constant 0 : i32
        %dma_wait3A_265 = tpu.memref_slice %arg5[%add3A_255, %dma_wait3A_263, %dma_wait3A_264] : memref<4096x50x128xf32, #tpu.memory_space<hbm>> -> memref<1x50x128xf32, #tpu.memory_space<hbm>>
        %dma_wait3A_266 = tpu.memref_squeeze %dma_wait3A_265 : memref<1x50x128xf32, #tpu.memory_space<hbm>> -> memref<50x128xf32, #tpu.memory_space<hbm>>
        %dma_wait3A_267 = arith.constant 0 : i32
        %dma_wait3A_268 = arith.constant 0 : i32
        %dma_wait3A_269 = tpu.memref_slice %arg15[%dma_wait3A_267, %dma_wait3A_268] : memref<100x128xf32, #tpu.memory_space<vmem>> -> memref<50x128xf32, #tpu.memory_space<vmem>>
        tpu.wait_dma2 semaphore(%arg21 : memref<!tpu.dma_semaphore, #tpu.memory_space<semaphore_mem>>) src(%dma_wait3A_269 : memref<50x128xf32, #tpu.memory_space<vmem>>) dst(%dma_wait3A_266 : memref<50x128xf32, #tpu.memory_space<hbm>>)
        %sub3A_270 = arith.constant 2 : i32
        %sub3A_271 = arith.subi %add3A_122, %sub3A_270 : i32
        %mul3A_272 = arith.constant 2 : i32
        %mul3A_273 = arith.muli %sub3A_271, %mul3A_272 : i32
        %add3A_274 = arith.addi %mul3A_4, %mul3A_273 : i32
        %add3A_275 = arith.constant 1 : i32
        %add3A_276 = arith.addi %add3A_274, %add3A_275 : i32
        %dma_wait3A_277 = arith.constant 50 : i32
        %dma_wait3A_278 = arith.constant 0 : i32
        %dma_wait3A_279 = tpu.memref_slice %arg15[%dma_wait3A_277, %dma_wait3A_278] : memref<100x128xf32, #tpu.memory_space<vmem>> -> memref<50x128xf32, #tpu.memory_space<vmem>>
        %dma_wait3A_280 = arith.constant 0 : i32
        %dma_wait3A_281 = arith.constant 0 : i32
        %dma_wait3A_282 = tpu.memref_slice %arg5[%add3A_276, %dma_wait3A_280, %dma_wait3A_281] : memref<4096x50x128xf32, #tpu.memory_space<hbm>> -> memref<1x50x128xf32, #tpu.memory_space<hbm>>
        %dma_wait3A_283 = tpu.memref_squeeze %dma_wait3A_282 : memref<1x50x128xf32, #tpu.memory_space<hbm>> -> memref<50x128xf32, #tpu.memory_space<hbm>>
        %dma_wait3A_284 = arith.constant 0 : i32
        %dma_wait3A_285 = arith.constant 0 : i32
        %dma_wait3A_286 = tpu.memref_slice %arg5[%add3A_276, %dma_wait3A_284, %dma_wait3A_285] : memref<4096x50x128xf32, #tpu.memory_space<hbm>> -> memref<1x50x128xf32, #tpu.memory_space<hbm>>
        %dma_wait3A_287 = tpu.memref_squeeze %dma_wait3A_286 : memref<1x50x128xf32, #tpu.memory_space<hbm>> -> memref<50x128xf32, #tpu.memory_space<hbm>>
        %dma_wait3A_288 = arith.constant 50 : i32
        %dma_wait3A_289 = arith.constant 0 : i32
        %dma_wait3A_290 = tpu.memref_slice %arg15[%dma_wait3A_288, %dma_wait3A_289] : memref<100x128xf32, #tpu.memory_space<vmem>> -> memref<50x128xf32, #tpu.memory_space<vmem>>
        tpu.wait_dma2 semaphore(%arg22 : memref<!tpu.dma_semaphore, #tpu.memory_space<semaphore_mem>>) src(%dma_wait3A_290 : memref<50x128xf32, #tpu.memory_space<vmem>>) dst(%dma_wait3A_287 : memref<50x128xf32, #tpu.memory_space<hbm>>)
      } else {
      }
      %mul3A_139 = arith.constant 100 : i32
      %mul3A_140 = arith.muli %add3A_122, %mul3A_139 : i32
      %parallel_loop3A_141 = arith.constant 0 : i32
      %parallel_loop3A_142 = arith.constant 100 : i32
      %parallel_loop3A_143 = arith.constant 1 : i32
      scf.for %parallel_loop3A_250 = %parallel_loop3A_141 to %parallel_loop3A_142 step %parallel_loop3A_143  : i32 {
        %parallel_loop3A_251 = arith.addi %mul3A_140, %parallel_loop3A_250 : i32
        %parallel_loop3A_252 = arith.index_cast %parallel_loop3A_251 : i32 to index
        %parallel_loop3A_253 = tpu.vector_load %arg6[%parallel_loop3A_252] {strides = array<i32>} : memref<6512xi32, #tpu.memory_space<vmem>>, vector<16xi32>,
        %parallel_loop3A_254 = vector.extract_strided_slice %parallel_loop3A_253 {offsets = [0], sizes = [1], strides = [1]} : vector<16xi32> to vector<1xi32>
        %parallel_loop3A_255 = vector.extract %parallel_loop3A_254[0] : i32 from vector<1xi32>
        %parallel_loop3A_256 = arith.constant 3 : i32
        %parallel_loop3A_257 = arith.andi %parallel_loop3A_255, %parallel_loop3A_256 : i32
        %parallel_loop3A_258 = arith.constant 8 : i32
        %parallel_loop3A_259 = arith.muli %parallel_loop3A_258, %parallel_loop3A_257 : i32
        %parallel_loop3A_260 = arith.constant 24 : i32
        %parallel_loop3A_261 = arith.subi %parallel_loop3A_260, %parallel_loop3A_259 : i32
        %parallel_loop3A_262 = arith.constant 31 : i32
        %parallel_loop3A_263 = arith.andi %parallel_loop3A_255, %parallel_loop3A_262 : i32
        %parallel_loop3A_264 = arith.constant 4 : i32
        %parallel_loop3A_265 = arith.muli %parallel_loop3A_263, %parallel_loop3A_264 : i32
        %parallel_loop3A_266 = arith.constant 112 : i32
        %parallel_loop3A_267 = arith.minsi %parallel_loop3A_265, %parallel_loop3A_266 : i32
        %parallel_loop3A_268 = arith.subi %parallel_loop3A_265, %parallel_loop3A_267 : i32
        %parallel_loop3A_269 = arith.index_cast %parallel_loop3A_250 : i32 to index
        %parallel_loop3A_270 = arith.index_cast %parallel_loop3A_267 : i32 to index
        %parallel_loop3A_271 = tpu.vector_load %arg13[%parallel_loop3A_269, %parallel_loop3A_270] {strides = array<i32>} : memref<112x128xf32, #tpu.memory_space<vmem>>, vector<16xf32>,
        %parallel_loop3A_272 = arith.constant 0 : i32
        %parallel_loop3A_273 = vector.broadcast %parallel_loop3A_272 : i32 to vector<16xi32>
        %parallel_loop3A_274 = vector.broadcast %parallel_loop3A_268 : i32 to vector<16xi32>
        %parallel_loop3A_275 = arith.addi %parallel_loop3A_273, %parallel_loop3A_274 : vector<16xi32>
        %parallel_loop3A_276 = arith.constant 0 : i32
        %parallel_loop3A_277 = vector.broadcast %parallel_loop3A_276 : i32 to vector<16xi32>
        %parallel_loop3A_278 = arith.cmpi slt, %parallel_loop3A_275, %parallel_loop3A_277 : vector<16xi32>
        %parallel_loop3A_279 = arith.constant 16 : i32
        %parallel_loop3A_280 = vector.broadcast %parallel_loop3A_279 : i32 to vector<16xi32>
        %parallel_loop3A_281 = arith.addi %parallel_loop3A_275, %parallel_loop3A_280 : vector<16xi32>
        %parallel_loop3A_282 = arith.select %parallel_loop3A_278, %parallel_loop3A_281, %parallel_loop3A_275 : vector<16xi1>, vector<16xi32>
        %parallel_loop3A_283 = vector.shape_cast %parallel_loop3A_282 : vector<16xi32> to vector<16x1xi32>
        %parallel_loop3A_284 = vector.shape_cast %parallel_loop3A_283 : vector<16x1xi32> to vector<16xi32>
        %parallel_loop3A_285 = tpu.dynamic_gather %parallel_loop3A_271[%parallel_loop3A_284] in [0] : vector<16xf32>, vector<16xi32> -> vector<16xf32>
        %parallel_loop3A_286 = arith.index_cast %parallel_loop3A_250 : i32 to index
        %parallel_loop3A_287 = arith.constant 0 : index
        %parallel_loop3A_288 = tpu.vector_load %arg11[%parallel_loop3A_286, %parallel_loop3A_287] {strides = array<i32>} : memref<112x128xi32, #tpu.memory_space<vmem>>, vector<16xi32>,
        %parallel_loop3A_289 = vector.broadcast %parallel_loop3A_261 : i32 to vector<16xi32>
        %parallel_loop3A_290 = arith.shli %parallel_loop3A_288, %parallel_loop3A_289 : vector<16xi32>
        %parallel_loop3A_291 = arith.constant 24 : i32
        %parallel_loop3A_292 = vector.broadcast %parallel_loop3A_291 : i32 to vector<16xi32>
        %parallel_loop3A_293 = arith.shrsi %parallel_loop3A_290, %parallel_loop3A_292 : vector<16xi32>
        %parallel_loop3A_294 = arith.sitofp %parallel_loop3A_293 : vector<16xi32> to vector<16xf32>
        %parallel_loop3A_295 = arith.mulf %parallel_loop3A_294, %parallel_loop3A_285 : vector<16xf32>
        %parallel_loop3A_296 = arith.index_cast %parallel_loop3A_250 : i32 to index
        %parallel_loop3A_297 = arith.constant 0 : index
        %parallel_loop3A_298 = tpu.vector_load %arg15[%parallel_loop3A_296, %parallel_loop3A_297] {strides = array<i32>} : memref<100x128xf32, #tpu.memory_space<vmem>>, vector<16xf32>,
        tpu.vector_store %arg15[%parallel_loop3A_296, %parallel_loop3A_297], %parallel_loop3A_295 {strides = array<i32>} : memref<100x128xf32, #tpu.memory_space<vmem>>, vector<16xf32>,
        %parallel_loop3A_299 = arith.constant 0 : i32
        %parallel_loop3A_300 = vector.broadcast %parallel_loop3A_299 : i32 to vector<16xi32>
        %parallel_loop3A_301 = vector.broadcast %parallel_loop3A_268 : i32 to vector<16xi32>
        %parallel_loop3A_302 = arith.addi %parallel_loop3A_300, %parallel_loop3A_301 : vector<16xi32>
        %parallel_loop3A_303 = arith.constant 0 : i32
        %parallel_loop3A_304 = vector.broadcast %parallel_loop3A_303 : i32 to vector<16xi32>
        %parallel_loop3A_305 = arith.cmpi slt, %parallel_loop3A_302, %parallel_loop3A_304 : vector<16xi32>
        %parallel_loop3A_306 = arith.constant 16 : i32
        %parallel_loop3A_307 = vector.broadcast %parallel_loop3A_306 : i32 to vector<16xi32>
        %parallel_loop3A_308 = arith.addi %parallel_loop3A_302, %parallel_loop3A_307 : vector<16xi32>
        %parallel_loop3A_309 = arith.select %parallel_loop3A_305, %parallel_loop3A_308, %parallel_loop3A_302 : vector<16xi1>, vector<16xi32>
        %parallel_loop3A_310 = vector.shape_cast %parallel_loop3A_309 : vector<16xi32> to vector<16x1xi32>
        %parallel_loop3A_311 = vector.shape_cast %parallel_loop3A_310 : vector<16x1xi32> to vector<16xi32>
        %parallel_loop3A_312 = tpu.dynamic_gather %parallel_loop3A_271[%parallel_loop3A_311] in [0] : vector<16xf32>, vector<16xi32> -> vector<16xf32>
        %parallel_loop3A_313 = arith.index_cast %parallel_loop3A_250 : i32 to index
        %parallel_loop3A_314 = arith.constant 16 : index
        %parallel_loop3A_315 = tpu.vector_load %arg11[%parallel_loop3A_313, %parallel_loop3A_314] {strides = array<i32>} : memref<112x128xi32, #tpu.memory_space<vmem>>, vector<16xi32>,
        %parallel_loop3A_316 = vector.broadcast %parallel_loop3A_261 : i32 to vector<16xi32>
        %parallel_loop3A_317 = arith.shli %parallel_loop3A_315, %parallel_loop3A_316 : vector<16xi32>
        %parallel_loop3A_318 = arith.constant 24 : i32
        %parallel_loop3A_319 = vector.broadcast %parallel_loop3A_318 : i32 to vector<16xi32>
        %parallel_loop3A_320 = arith.shrsi %parallel_loop3A_317, %parallel_loop3A_319 : vector<16xi32>
        %parallel_loop3A_321 = arith.sitofp %parallel_loop3A_320 : vector<16xi32> to vector<16xf32>
        %parallel_loop3A_322 = arith.mulf %parallel_loop3A_321, %parallel_loop3A_312 : vector<16xf32>
        %parallel_loop3A_323 = arith.index_cast %parallel_loop3A_250 : i32 to index
        %parallel_loop3A_324 = arith.constant 16 : index
        %parallel_loop3A_325 = tpu.vector_load %arg15[%parallel_loop3A_323, %parallel_loop3A_324] {strides = array<i32>} : memref<100x128xf32, #tpu.memory_space<vmem>>, vector<16xf32>,
        tpu.vector_store %arg15[%parallel_loop3A_323, %parallel_loop3A_324], %parallel_loop3A_322 {strides = array<i32>} : memref<100x128xf32, #tpu.memory_space<vmem>>, vector<16xf32>,
        %parallel_loop3A_326 = arith.constant 1 : i32
        %parallel_loop3A_327 = vector.broadcast %parallel_loop3A_326 : i32 to vector<16xi32>
        %parallel_loop3A_328 = vector.broadcast %parallel_loop3A_268 : i32 to vector<16xi32>
        %parallel_loop3A_329 = arith.addi %parallel_loop3A_327, %parallel_loop3A_328 : vector<16xi32>
        %parallel_loop3A_330 = arith.constant 0 : i32
        %parallel_loop3A_331 = vector.broadcast %parallel_loop3A_330 : i32 to vector<16xi32>
        %parallel_loop3A_332 = arith.cmpi slt, %parallel_loop3A_329, %parallel_loop3A_331 : vector<16xi32>
        %parallel_loop3A_333 = arith.constant 16 : i32
        %parallel_loop3A_334 = vector.broadcast %parallel_loop3A_333 : i32 to vector<16xi32>
        %parallel_loop3A_335 = arith.addi %parallel_loop3A_329, %parallel_loop3A_334 : vector<16xi32>
        %parallel_loop3A_336 = arith.select %parallel_loop3A_332, %parallel_loop3A_335, %parallel_loop3A_329 : vector<16xi1>, vector<16xi32>
        %parallel_loop3A_337 = vector.shape_cast %parallel_loop3A_336 : vector<16xi32> to vector<16x1xi32>
        %parallel_loop3A_338 = vector.shape_cast %parallel_loop3A_337 : vector<16x1xi32> to vector<16xi32>
        %parallel_loop3A_339 = tpu.dynamic_gather %parallel_loop3A_271[%parallel_loop3A_338] in [0] : vector<16xf32>, vector<16xi32> -> vector<16xf32>
        %parallel_loop3A_340 = arith.index_cast %parallel_loop3A_250 : i32 to index
        %parallel_loop3A_341 = arith.constant 32 : index
        %parallel_loop3A_342 = tpu.vector_load %arg11[%parallel_loop3A_340, %parallel_loop3A_341] {strides = array<i32>} : memref<112x128xi32, #tpu.memory_space<vmem>>, vector<16xi32>,
        %parallel_loop3A_343 = vector.broadcast %parallel_loop3A_261 : i32 to vector<16xi32>
        %parallel_loop3A_344 = arith.shli %parallel_loop3A_342, %parallel_loop3A_343 : vector<16xi32>
        %parallel_loop3A_345 = arith.constant 24 : i32
        %parallel_loop3A_346 = vector.broadcast %parallel_loop3A_345 : i32 to vector<16xi32>
        %parallel_loop3A_347 = arith.shrsi %parallel_loop3A_344, %parallel_loop3A_346 : vector<16xi32>
        %parallel_loop3A_348 = arith.sitofp %parallel_loop3A_347 : vector<16xi32> to vector<16xf32>
        %parallel_loop3A_349 = arith.mulf %parallel_loop3A_348, %parallel_loop3A_339 : vector<16xf32>
        %parallel_loop3A_350 = arith.index_cast %parallel_loop3A_250 : i32 to index
        %parallel_loop3A_351 = arith.constant 32 : index
        %parallel_loop3A_352 = tpu.vector_load %arg15[%parallel_loop3A_350, %parallel_loop3A_351] {strides = array<i32>} : memref<100x128xf32, #tpu.memory_space<vmem>>, vector<16xf32>,
        tpu.vector_store %arg15[%parallel_loop3A_350, %parallel_loop3A_351], %parallel_loop3A_349 {strides = array<i32>} : memref<100x128xf32, #tpu.memory_space<vmem>>, vector<16xf32>,
        %parallel_loop3A_353 = arith.constant 1 : i32
        %parallel_loop3A_354 = vector.broadcast %parallel_loop3A_353 : i32 to vector<16xi32>
        %parallel_loop3A_355 = vector.broadcast %parallel_loop3A_268 : i32 to vector<16xi32>
        %parallel_loop3A_356 = arith.addi %parallel_loop3A_354, %parallel_loop3A_355 : vector<16xi32>
        %parallel_loop3A_357 = arith.constant 0 : i32
        %parallel_loop3A_358 = vector.broadcast %parallel_loop3A_357 : i32 to vector<16xi32>
        %parallel_loop3A_359 = arith.cmpi slt, %parallel_loop3A_356, %parallel_loop3A_358 : vector<16xi32>
        %parallel_loop3A_360 = arith.constant 16 : i32
        %parallel_loop3A_361 = vector.broadcast %parallel_loop3A_360 : i32 to vector<16xi32>
        %parallel_loop3A_362 = arith.addi %parallel_loop3A_356, %parallel_loop3A_361 : vector<16xi32>
        %parallel_loop3A_363 = arith.select %parallel_loop3A_359, %parallel_loop3A_362, %parallel_loop3A_356 : vector<16xi1>, vector<16xi32>
        %parallel_loop3A_364 = vector.shape_cast %parallel_loop3A_363 : vector<16xi32> to vector<16x1xi32>
        %parallel_loop3A_365 = vector.shape_cast %parallel_loop3A_364 : vector<16x1xi32> to vector<16xi32>
        %parallel_loop3A_366 = tpu.dynamic_gather %parallel_loop3A_271[%parallel_loop3A_365] in [0] : vector<16xf32>, vector<16xi32> -> vector<16xf32>
        %parallel_loop3A_367 = arith.index_cast %parallel_loop3A_250 : i32 to index
        %parallel_loop3A_368 = arith.constant 48 : index
        %parallel_loop3A_369 = tpu.vector_load %arg11[%parallel_loop3A_367, %parallel_loop3A_368] {strides = array<i32>} : memref<112x128xi32, #tpu.memory_space<vmem>>, vector<16xi32>,
        %parallel_loop3A_370 = vector.broadcast %parallel_loop3A_261 : i32 to vector<16xi32>
        %parallel_loop3A_371 = arith.shli %parallel_loop3A_369, %parallel_loop3A_370 : vector<16xi32>
        %parallel_loop3A_372 = arith.constant 24 : i32
        %parallel_loop3A_373 = vector.broadcast %parallel_loop3A_372 : i32 to vector<16xi32>
        %parallel_loop3A_374 = arith.shrsi %parallel_loop3A_371, %parallel_loop3A_373 : vector<16xi32>
        %parallel_loop3A_375 = arith.sitofp %parallel_loop3A_374 : vector<16xi32> to vector<16xf32>
        %parallel_loop3A_376 = arith.mulf %parallel_loop3A_375, %parallel_loop3A_366 : vector<16xf32>
        %parallel_loop3A_377 = arith.index_cast %parallel_loop3A_250 : i32 to index
        %parallel_loop3A_378 = arith.constant 48 : index
        %parallel_loop3A_379 = tpu.vector_load %arg15[%parallel_loop3A_377, %parallel_loop3A_378] {strides = array<i32>} : memref<100x128xf32, #tpu.memory_space<vmem>>, vector<16xf32>,
        tpu.vector_store %arg15[%parallel_loop3A_377, %parallel_loop3A_378], %parallel_loop3A_376 {strides = array<i32>} : memref<100x128xf32, #tpu.memory_space<vmem>>, vector<16xf32>,
        %parallel_loop3A_380 = arith.constant 2 : i32
        %parallel_loop3A_381 = vector.broadcast %parallel_loop3A_380 : i32 to vector<16xi32>
        %parallel_loop3A_382 = vector.broadcast %parallel_loop3A_268 : i32 to vector<16xi32>
        %parallel_loop3A_383 = arith.addi %parallel_loop3A_381, %parallel_loop3A_382 : vector<16xi32>
        %parallel_loop3A_384 = arith.constant 0 : i32
        %parallel_loop3A_385 = vector.broadcast %parallel_loop3A_384 : i32 to vector<16xi32>
        %parallel_loop3A_386 = arith.cmpi slt, %parallel_loop3A_383, %parallel_loop3A_385 : vector<16xi32>
        %parallel_loop3A_387 = arith.constant 16 : i32
        %parallel_loop3A_388 = vector.broadcast %parallel_loop3A_387 : i32 to vector<16xi32>
        %parallel_loop3A_389 = arith.addi %parallel_loop3A_383, %parallel_loop3A_388 : vector<16xi32>
        %parallel_loop3A_390 = arith.select %parallel_loop3A_386, %parallel_loop3A_389, %parallel_loop3A_383 : vector<16xi1>, vector<16xi32>
        %parallel_loop3A_391 = vector.shape_cast %parallel_loop3A_390 : vector<16xi32> to vector<16x1xi32>
        %parallel_loop3A_392 = vector.shape_cast %parallel_loop3A_391 : vector<16x1xi32> to vector<16xi32>
        %parallel_loop3A_393 = tpu.dynamic_gather %parallel_loop3A_271[%parallel_loop3A_392] in [0] : vector<16xf32>, vector<16xi32> -> vector<16xf32>
        %parallel_loop3A_394 = arith.index_cast %parallel_loop3A_250 : i32 to index
        %parallel_loop3A_395 = arith.constant 64 : index
        %parallel_loop3A_396 = tpu.vector_load %arg11[%parallel_loop3A_394, %parallel_loop3A_395] {strides = array<i32>} : memref<112x128xi32, #tpu.memory_space<vmem>>, vector<16xi32>,
        %parallel_loop3A_397 = vector.broadcast %parallel_loop3A_261 : i32 to vector<16xi32>
        %parallel_loop3A_398 = arith.shli %parallel_loop3A_396, %parallel_loop3A_397 : vector<16xi32>
        %parallel_loop3A_399 = arith.constant 24 : i32
        %parallel_loop3A_400 = vector.broadcast %parallel_loop3A_399 : i32 to vector<16xi32>
        %parallel_loop3A_401 = arith.shrsi %parallel_loop3A_398, %parallel_loop3A_400 : vector<16xi32>
        %parallel_loop3A_402 = arith.sitofp %parallel_loop3A_401 : vector<16xi32> to vector<16xf32>
        %parallel_loop3A_403 = arith.mulf %parallel_loop3A_402, %parallel_loop3A_393 : vector<16xf32>
        %parallel_loop3A_404 = arith.index_cast %parallel_loop3A_250 : i32 to index
        %parallel_loop3A_405 = arith.constant 64 : index
        %parallel_loop3A_406 = tpu.vector_load %arg15[%parallel_loop3A_404, %parallel_loop3A_405] {strides = array<i32>} : memref<100x128xf32, #tpu.memory_space<vmem>>, vector<16xf32>,
        tpu.vector_store %arg15[%parallel_loop3A_404, %parallel_loop3A_405], %parallel_loop3A_403 {strides = array<i32>} : memref<100x128xf32, #tpu.memory_space<vmem>>, vector<16xf32>,
        %parallel_loop3A_407 = arith.constant 2 : i32
        %parallel_loop3A_408 = vector.broadcast %parallel_loop3A_407 : i32 to vector<16xi32>
        %parallel_loop3A_409 = vector.broadcast %parallel_loop3A_268 : i32 to vector<16xi32>
        %parallel_loop3A_410 = arith.addi %parallel_loop3A_408, %parallel_loop3A_409 : vector<16xi32>
        %parallel_loop3A_411 = arith.constant 0 : i32
        %parallel_loop3A_412 = vector.broadcast %parallel_loop3A_411 : i32 to vector<16xi32>
        %parallel_loop3A_413 = arith.cmpi slt, %parallel_loop3A_410, %parallel_loop3A_412 : vector<16xi32>
        %parallel_loop3A_414 = arith.constant 16 : i32
        %parallel_loop3A_415 = vector.broadcast %parallel_loop3A_414 : i32 to vector<16xi32>
        %parallel_loop3A_416 = arith.addi %parallel_loop3A_410, %parallel_loop3A_415 : vector<16xi32>
        %parallel_loop3A_417 = arith.select %parallel_loop3A_413, %parallel_loop3A_416, %parallel_loop3A_410 : vector<16xi1>, vector<16xi32>
        %parallel_loop3A_418 = vector.shape_cast %parallel_loop3A_417 : vector<16xi32> to vector<16x1xi32>
        %parallel_loop3A_419 = vector.shape_cast %parallel_loop3A_418 : vector<16x1xi32> to vector<16xi32>
        %parallel_loop3A_420 = tpu.dynamic_gather %parallel_loop3A_271[%parallel_loop3A_419] in [0] : vector<16xf32>, vector<16xi32> -> vector<16xf32>
        %parallel_loop3A_421 = arith.index_cast %parallel_loop3A_250 : i32 to index
        %parallel_loop3A_422 = arith.constant 80 : index
        %parallel_loop3A_423 = tpu.vector_load %arg11[%parallel_loop3A_421, %parallel_loop3A_422] {strides = array<i32>} : memref<112x128xi32, #tpu.memory_space<vmem>>, vector<16xi32>,
        %parallel_loop3A_424 = vector.broadcast %parallel_loop3A_261 : i32 to vector<16xi32>
        %parallel_loop3A_425 = arith.shli %parallel_loop3A_423, %parallel_loop3A_424 : vector<16xi32>
        %parallel_loop3A_426 = arith.constant 24 : i32
        %parallel_loop3A_427 = vector.broadcast %parallel_loop3A_426 : i32 to vector<16xi32>
        %parallel_loop3A_428 = arith.shrsi %parallel_loop3A_425, %parallel_loop3A_427 : vector<16xi32>
        %parallel_loop3A_429 = arith.sitofp %parallel_loop3A_428 : vector<16xi32> to vector<16xf32>
        %parallel_loop3A_430 = arith.mulf %parallel_loop3A_429, %parallel_loop3A_420 : vector<16xf32>
        %parallel_loop3A_431 = arith.index_cast %parallel_loop3A_250 : i32 to index
        %parallel_loop3A_432 = arith.constant 80 : index
        %parallel_loop3A_433 = tpu.vector_load %arg15[%parallel_loop3A_431, %parallel_loop3A_432] {strides = array<i32>} : memref<100x128xf32, #tpu.memory_space<vmem>>, vector<16xf32>,
        tpu.vector_store %arg15[%parallel_loop3A_431, %parallel_loop3A_432], %parallel_loop3A_430 {strides = array<i32>} : memref<100x128xf32, #tpu.memory_space<vmem>>, vector<16xf32>,
        %parallel_loop3A_434 = arith.constant 3 : i32
        %parallel_loop3A_435 = vector.broadcast %parallel_loop3A_434 : i32 to vector<16xi32>
        %parallel_loop3A_436 = vector.broadcast %parallel_loop3A_268 : i32 to vector<16xi32>
        %parallel_loop3A_437 = arith.addi %parallel_loop3A_435, %parallel_loop3A_436 : vector<16xi32>
        %parallel_loop3A_438 = arith.constant 0 : i32
        %parallel_loop3A_439 = vector.broadcast %parallel_loop3A_438 : i32 to vector<16xi32>
        %parallel_loop3A_440 = arith.cmpi slt, %parallel_loop3A_437, %parallel_loop3A_439 : vector<16xi32>
        %parallel_loop3A_441 = arith.constant 16 : i32
        %parallel_loop3A_442 = vector.broadcast %parallel_loop3A_441 : i32 to vector<16xi32>
        %parallel_loop3A_443 = arith.addi %parallel_loop3A_437, %parallel_loop3A_442 : vector<16xi32>
        %parallel_loop3A_444 = arith.select %parallel_loop3A_440, %parallel_loop3A_443, %parallel_loop3A_437 : vector<16xi1>, vector<16xi32>
        %parallel_loop3A_445 = vector.shape_cast %parallel_loop3A_444 : vector<16xi32> to vector<16x1xi32>
        %parallel_loop3A_446 = vector.shape_cast %parallel_loop3A_445 : vector<16x1xi32> to vector<16xi32>
        %parallel_loop3A_447 = tpu.dynamic_gather %parallel_loop3A_271[%parallel_loop3A_446] in [0] : vector<16xf32>, vector<16xi32> -> vector<16xf32>
        %parallel_loop3A_448 = arith.index_cast %parallel_loop3A_250 : i32 to index
        %parallel_loop3A_449 = arith.constant 96 : index
        %parallel_loop3A_450 = tpu.vector_load %arg11[%parallel_loop3A_448, %parallel_loop3A_449] {strides = array<i32>} : memref<112x128xi32, #tpu.memory_space<vmem>>, vector<16xi32>,
        %parallel_loop3A_451 = vector.broadcast %parallel_loop3A_261 : i32 to vector<16xi32>
        %parallel_loop3A_452 = arith.shli %parallel_loop3A_450, %parallel_loop3A_451 : vector<16xi32>
        %parallel_loop3A_453 = arith.constant 24 : i32
        %parallel_loop3A_454 = vector.broadcast %parallel_loop3A_453 : i32 to vector<16xi32>
        %parallel_loop3A_455 = arith.shrsi %parallel_loop3A_452, %parallel_loop3A_454 : vector<16xi32>
        %parallel_loop3A_456 = arith.sitofp %parallel_loop3A_455 : vector<16xi32> to vector<16xf32>
        %parallel_loop3A_457 = arith.mulf %parallel_loop3A_456, %parallel_loop3A_447 : vector<16xf32>
        %parallel_loop3A_458 = arith.index_cast %parallel_loop3A_250 : i32 to index
        %parallel_loop3A_459 = arith.constant 96 : index
        %parallel_loop3A_460 = tpu.vector_load %arg15[%parallel_loop3A_458, %parallel_loop3A_459] {strides = array<i32>} : memref<100x128xf32, #tpu.memory_space<vmem>>, vector<16xf32>,
        tpu.vector_store %arg15[%parallel_loop3A_458, %parallel_loop3A_459], %parallel_loop3A_457 {strides = array<i32>} : memref<100x128xf32, #tpu.memory_space<vmem>>, vector<16xf32>,
        %parallel_loop3A_461 = arith.constant 3 : i32
        %parallel_loop3A_462 = vector.broadcast %parallel_loop3A_461 : i32 to vector<16xi32>
        %parallel_loop3A_463 = vector.broadcast %parallel_loop3A_268 : i32 to vector<16xi32>
        %parallel_loop3A_464 = arith.addi %parallel_loop3A_462, %parallel_loop3A_463 : vector<16xi32>
        %parallel_loop3A_465 = arith.constant 0 : i32
        %parallel_loop3A_466 = vector.broadcast %parallel_loop3A_465 : i32 to vector<16xi32>
        %parallel_loop3A_467 = arith.cmpi slt, %parallel_loop3A_464, %parallel_loop3A_466 : vector<16xi32>
        %parallel_loop3A_468 = arith.constant 16 : i32
        %parallel_loop3A_469 = vector.broadcast %parallel_loop3A_468 : i32 to vector<16xi32>
        %parallel_loop3A_470 = arith.addi %parallel_loop3A_464, %parallel_loop3A_469 : vector<16xi32>
        %parallel_loop3A_471 = arith.select %parallel_loop3A_467, %parallel_loop3A_470, %parallel_loop3A_464 : vector<16xi1>, vector<16xi32>
        %parallel_loop3A_472 = vector.shape_cast %parallel_loop3A_471 : vector<16xi32> to vector<16x1xi32>
        %parallel_loop3A_473 = vector.shape_cast %parallel_loop3A_472 : vector<16x1xi32> to vector<16xi32>
        %parallel_loop3A_474 = tpu.dynamic_gather %parallel_loop3A_271[%parallel_loop3A_473] in [0] : vector<16xf32>, vector<16xi32> -> vector<16xf32>
        %parallel_loop3A_475 = arith.index_cast %parallel_loop3A_250 : i32 to index
        %parallel_loop3A_476 = arith.constant 112 : index
        %parallel_loop3A_477 = tpu.vector_load %arg11[%parallel_loop3A_475, %parallel_loop3A_476] {strides = array<i32>} : memref<112x128xi32, #tpu.memory_space<vmem>>, vector<16xi32>,
        %parallel_loop3A_478 = vector.broadcast %parallel_loop3A_261 : i32 to vector<16xi32>
        %parallel_loop3A_479 = arith.shli %parallel_loop3A_477, %parallel_loop3A_478 : vector<16xi32>
        %parallel_loop3A_480 = arith.constant 24 : i32
        %parallel_loop3A_481 = vector.broadcast %parallel_loop3A_480 : i32 to vector<16xi32>
        %parallel_loop3A_482 = arith.shrsi %parallel_loop3A_479, %parallel_loop3A_481 : vector<16xi32>
        %parallel_loop3A_483 = arith.sitofp %parallel_loop3A_482 : vector<16xi32> to vector<16xf32>
        %parallel_loop3A_484 = arith.mulf %parallel_loop3A_483, %parallel_loop3A_474 : vector<16xf32>
        %parallel_loop3A_485 = arith.index_cast %parallel_loop3A_250 : i32 to index
        %parallel_loop3A_486 = arith.constant 112 : index
        %parallel_loop3A_487 = tpu.vector_load %arg15[%parallel_loop3A_485, %parallel_loop3A_486] {strides = array<i32>} : memref<100x128xf32, #tpu.memory_space<vmem>>, vector<16xf32>,
        tpu.vector_store %arg15[%parallel_loop3A_485, %parallel_loop3A_486], %parallel_loop3A_484 {strides = array<i32>} : memref<100x128xf32, #tpu.memory_space<vmem>>, vector<16xf32>,
      } {sc.loop_unroll_factor = 4 : i64, sc.parallel_access}
      %mul3A_144 = arith.constant 2 : i32
      %mul3A_145 = arith.muli %add3A_122, %mul3A_144 : i32
      %add3A_146 = arith.addi %mul3A_4, %mul3A_145 : i32
      %add3A_147 = arith.constant 0 : i32
      %add3A_148 = arith.addi %add3A_146, %add3A_147 : i32
      %dma_start3A_149 = arith.constant 0 : i32
      %dma_start3A_150 = arith.constant 0 : i32
      %dma_start3A_151 = tpu.memref_slice %arg15[%dma_start3A_149, %dma_start3A_150] : memref<100x128xf32, #tpu.memory_space<vmem>> -> memref<50x128xf32, #tpu.memory_space<vmem>>
      %dma_start3A_152 = arith.constant 0 : i32
      %dma_start3A_153 = arith.constant 0 : i32
      %dma_start3A_154 = tpu.memref_slice %arg5[%add3A_148, %dma_start3A_152, %dma_start3A_153] : memref<4096x50x128xf32, #tpu.memory_space<hbm>> -> memref<1x50x128xf32, #tpu.memory_space<hbm>>
      %dma_start3A_155 = tpu.memref_squeeze %dma_start3A_154 : memref<1x50x128xf32, #tpu.memory_space<hbm>> -> memref<50x128xf32, #tpu.memory_space<hbm>>
      %dma_start3A_156 = arith.constant 0 : i32
      %dma_start3A_157 = arith.constant 0 : i32
      %dma_start3A_158 = tpu.memref_slice %arg5[%add3A_148, %dma_start3A_156, %dma_start3A_157] : memref<4096x50x128xf32, #tpu.memory_space<hbm>> -> memref<1x50x128xf32, #tpu.memory_space<hbm>>
      %dma_start3A_159 = tpu.memref_squeeze %dma_start3A_158 : memref<1x50x128xf32, #tpu.memory_space<hbm>> -> memref<50x128xf32, #tpu.memory_space<hbm>>
      %dma_start3A_160 = arith.constant 0 : i32
      %dma_start3A_161 = arith.constant 0 : i32
      %dma_start3A_162 = tpu.memref_slice %arg15[%dma_start3A_160, %dma_start3A_161] : memref<100x128xf32, #tpu.memory_space<vmem>> -> memref<50x128xf32, #tpu.memory_space<vmem>>
      tpu.enqueue_dma source(%dma_start3A_162 : memref<50x128xf32, #tpu.memory_space<vmem>>) target(%dma_start3A_159 : memref<50x128xf32, #tpu.memory_space<hbm>>) target_semaphore(%arg21 : memref<!tpu.dma_semaphore, #tpu.memory_space<semaphore_mem>>)
      %mul3A_163 = arith.constant 2 : i32
      %mul3A_164 = arith.muli %add3A_122, %mul3A_163 : i32
      %add3A_165 = arith.addi %mul3A_4, %mul3A_164 : i32
      %add3A_166 = arith.constant 1 : i32
      %add3A_167 = arith.addi %add3A_165, %add3A_166 : i32
      %dma_start3A_168 = arith.constant 50 : i32
      %dma_start3A_169 = arith.constant 0 : i32
      %dma_start3A_170 = tpu.memref_slice %arg15[%dma_start3A_168, %dma_start3A_169] : memref<100x128xf32, #tpu.memory_space<vmem>> -> memref<50x128xf32, #tpu.memory_space<vmem>>
      %dma_start3A_171 = arith.constant 0 : i32
      %dma_start3A_172 = arith.constant 0 : i32
      %dma_start3A_173 = tpu.memref_slice %arg5[%add3A_167, %dma_start3A_171, %dma_start3A_172] : memref<4096x50x128xf32, #tpu.memory_space<hbm>> -> memref<1x50x128xf32, #tpu.memory_space<hbm>>
      %dma_start3A_174 = tpu.memref_squeeze %dma_start3A_173 : memref<1x50x128xf32, #tpu.memory_space<hbm>> -> memref<50x128xf32, #tpu.memory_space<hbm>>
      %dma_start3A_175 = arith.constant 0 : i32
      %dma_start3A_176 = arith.constant 0 : i32
      %dma_start3A_177 = tpu.memref_slice %arg5[%add3A_167, %dma_start3A_175, %dma_start3A_176] : memref<4096x50x128xf32, #tpu.memory_space<hbm>> -> memref<1x50x128xf32, #tpu.memory_space<hbm>>
      %dma_start3A_178 = tpu.memref_squeeze %dma_start3A_177 : memref<1x50x128xf32, #tpu.memory_space<hbm>> -> memref<50x128xf32, #tpu.memory_space<hbm>>
      %dma_start3A_179 = arith.constant 50 : i32
      %dma_start3A_180 = arith.constant 0 : i32
      %dma_start3A_181 = tpu.memref_slice %arg15[%dma_start3A_179, %dma_start3A_180] : memref<100x128xf32, #tpu.memory_space<vmem>> -> memref<50x128xf32, #tpu.memory_space<vmem>>
      tpu.enqueue_dma source(%dma_start3A_181 : memref<50x128xf32, #tpu.memory_space<vmem>>) target(%dma_start3A_178 : memref<50x128xf32, #tpu.memory_space<hbm>>) target_semaphore(%arg22 : memref<!tpu.dma_semaphore, #tpu.memory_space<semaphore_mem>>)
      %mul3A_182 = arith.constant 2 : i32
      %mul3A_183 = arith.muli %scan3A_117, %mul3A_182 : i32
      %add3A_184 = arith.constant 1 : i32
      %add3A_185 = arith.addi %mul3A_183, %add3A_184 : i32
      %dma_wait3A_186 = tpu.memref_bitcast %arg3 : memref<1000000x128xi8, #tpu.memory_space<hbm>> -> memref<250000x128xi32, #tpu.memory_space<hbm>>
      %dma_wait3A_187 = tpu.memref_reshape %dma_wait3A_186 : memref<250000x128xi32, #tpu.memory_space<hbm>> -> memref<250000x128xi32, #tpu.memory_space<hbm>>
      %dma_wait3A_188 = arith.constant 0 : i32
      %dma_wait3A_189 = arith.constant 0 : i32
      %dma_wait3A_190 = tpu.memref_slice %dma_wait3A_187[%dma_wait3A_188, %dma_wait3A_189] : memref<250000x128xi32, #tpu.memory_space<hbm>> -> memref<250000x128xi32, #tpu.memory_space<hbm>>
      tpu.wait_indirect_dma semaphore(%arg18 : memref<!tpu.dma_semaphore, #tpu.memory_space<semaphore_mem>>) src(%dma_wait3A_190 : memref<250000x128xi32, #tpu.memory_space<hbm>>) dst(%arg12 : memref<112x128xi32, #tpu.memory_space<vmem>>)
      %dma_wait3A_191 = arith.constant 0 : i32
      %dma_wait3A_192 = arith.constant 0 : i32
      %dma_wait3A_193 = tpu.memref_slice %arg4[%dma_wait3A_191, %dma_wait3A_192] : memref<31250x128xf32, #tpu.memory_space<hbm>> -> memref<31250x128xf32, #tpu.memory_space<hbm>>
      tpu.wait_indirect_dma semaphore(%arg20 : memref<!tpu.dma_semaphore, #tpu.memory_space<semaphore_mem>>) src(%dma_wait3A_193 : memref<31250x128xf32, #tpu.memory_space<hbm>>) dst(%arg14 : memref<112x128xf32, #tpu.memory_space<vmem>>)
      %add3A_194 = arith.constant 1 : i32
      %add3A_195 = arith.addi %add3A_185, %add3A_194 : i32
      %lt3A_196 = arith.constant 64 : i32
      %lt3A_197 = arith.cmpi slt, %add3A_195, %lt3A_196 : i32
      %convert_element_type3A_198 = arith.extui %lt3A_197 : i1 to i32
      %cond3A_199 = arith.constant 0 : i32
      %cond3A_200 = arith.cmpi ne, %convert_element_type3A_198, %cond3A_199 : i32
      scf.if %cond3A_200 {
        %add3A_250 = arith.constant 1 : i32
        %add3A_251 = arith.addi %add3A_185, %add3A_250 : i32
        %mul3A_252 = arith.constant 100 : i32
        %mul3A_253 = arith.muli %add3A_251, %mul3A_252 : i32
        %parallel_loop3A_254 = arith.constant 0 : i32
        %parallel_loop3A_255 = arith.constant 7 : i32
        %parallel_loop3A_256 = arith.constant 1 : i32
        scf.for %parallel_loop3A_265 = %parallel_loop3A_254 to %parallel_loop3A_255 step %parallel_loop3A_256  : i32 {
          %parallel_loop3A_266 = arith.constant 16 : i32
          %parallel_loop3A_267 = arith.muli %parallel_loop3A_265, %parallel_loop3A_266 : i32
          %parallel_loop3A_268 = arith.addi %mul3A_253, %parallel_loop3A_267 : i32
          %parallel_loop3A_269 = arith.index_cast %parallel_loop3A_268 : i32 to index
          %parallel_loop3A_270 = tpu.vector_load %arg6[%parallel_loop3A_269] {strides = array<i32>} : memref<6512xi32, #tpu.memory_space<vmem>>, vector<16xi32>,
          %parallel_loop3A_271 = arith.constant 2 : i32
          %parallel_loop3A_272 = vector.broadcast %parallel_loop3A_271 : i32 to vector<16xi32>
          %parallel_loop3A_273 = arith.shrsi %parallel_loop3A_270, %parallel_loop3A_272 : vector<16xi32>
          %parallel_loop3A_274 = arith.constant 16 : i32
          %parallel_loop3A_275 = arith.muli %parallel_loop3A_265, %parallel_loop3A_274 : i32
          %parallel_loop3A_276 = arith.index_cast %parallel_loop3A_275 : i32 to index
          %parallel_loop3A_277 = tpu.vector_load %arg7[%parallel_loop3A_276] {strides = array<i32>} : memref<112xi32, #tpu.memory_space<vmem>>, vector<16xi32>,
          tpu.vector_store %arg7[%parallel_loop3A_276], %parallel_loop3A_273 {strides = array<i32>} : memref<112xi32, #tpu.memory_space<vmem>>, vector<16xi32>,
          %parallel_loop3A_278 = arith.constant 5 : i32
          %parallel_loop3A_279 = vector.broadcast %parallel_loop3A_278 : i32 to vector<16xi32>
          %parallel_loop3A_280 = arith.shrsi %parallel_loop3A_270, %parallel_loop3A_279 : vector<16xi32>
          %parallel_loop3A_281 = arith.constant 16 : i32
          %parallel_loop3A_282 = arith.muli %parallel_loop3A_265, %parallel_loop3A_281 : i32
          %parallel_loop3A_283 = arith.index_cast %parallel_loop3A_282 : i32 to index
          %parallel_loop3A_284 = tpu.vector_load %arg9[%parallel_loop3A_283] {strides = array<i32>} : memref<112xi32, #tpu.memory_space<vmem>>, vector<16xi32>,
          tpu.vector_store %arg9[%parallel_loop3A_283], %parallel_loop3A_280 {strides = array<i32>} : memref<112xi32, #tpu.memory_space<vmem>>, vector<16xi32>,
        } {sc.loop_unroll_factor = 4 : i64, sc.parallel_access}
        %dma_start3A_257 = tpu.memref_bitcast %arg3 : memref<1000000x128xi8, #tpu.memory_space<hbm>> -> memref<250000x128xi32, #tpu.memory_space<hbm>>
        %dma_start3A_258 = tpu.memref_reshape %dma_start3A_257 : memref<250000x128xi32, #tpu.memory_space<hbm>> -> memref<250000x128xi32, #tpu.memory_space<hbm>>
        %dma_start3A_259 = arith.constant 0 : i32
        %dma_start3A_260 = arith.constant 0 : i32
        %dma_start3A_261 = tpu.memref_slice %dma_start3A_258[%dma_start3A_259, %dma_start3A_260] : memref<250000x128xi32, #tpu.memory_space<hbm>> -> memref<250000x128xi32, #tpu.memory_space<hbm>>
        tpu.enqueue_indirect_dma source(%dma_start3A_261 : memref<250000x128xi32, #tpu.memory_space<hbm>>) target(%arg11 : memref<112x128xi32, #tpu.memory_space<vmem>>) offsets(%arg7 : memref<112xi32, #tpu.memory_space<vmem>>) semaphore(%arg17 : memref<!tpu.dma_semaphore, #tpu.memory_space<semaphore_mem>>)
        %dma_start3A_262 = arith.constant 0 : i32
        %dma_start3A_263 = arith.constant 0 : i32
        %dma_start3A_264 = tpu.memref_slice %arg4[%dma_start3A_262, %dma_start3A_263] : memref<31250x128xf32, #tpu.memory_space<hbm>> -> memref<31250x128xf32, #tpu.memory_space<hbm>>
        tpu.enqueue_indirect_dma source(%dma_start3A_264 : memref<31250x128xf32, #tpu.memory_space<hbm>>) target(%arg13 : memref<112x128xf32, #tpu.memory_space<vmem>>) offsets(%arg9 : memref<112xi32, #tpu.memory_space<vmem>>) semaphore(%arg19 : memref<!tpu.dma_semaphore, #tpu.memory_space<semaphore_mem>>)
      } else {
      }
      %ge3A_201 = arith.constant 2 : i32
      %ge3A_202 = arith.cmpi sge, %add3A_185, %ge3A_201 : i32
      %convert_element_type3A_203 = arith.extui %ge3A_202 : i1 to i32
      %cond3A_204 = arith.constant 0 : i32
      %cond3A_205 = arith.cmpi ne, %convert_element_type3A_203, %cond3A_204 : i32
      scf.if %cond3A_205 {
        %sub3A = arith.constant 2 : i32
        %sub3A_250 = arith.subi %add3A_185, %sub3A : i32
        %mul3A_251 = arith.constant 2 : i32
        %mul3A_252 = arith.muli %sub3A_250, %mul3A_251 : i32
        %add3A_253 = arith.addi %mul3A_4, %mul3A_252 : i32
        %add3A_254 = arith.constant 0 : i32
        %add3A_255 = arith.addi %add3A_253, %add3A_254 : i32
        %dma_wait3A_256 = arith.constant 0 : i32
        %dma_wait3A_257 = arith.constant 0 : i32
        %dma_wait3A_258 = tpu.memref_slice %arg16[%dma_wait3A_256, %dma_wait3A_257] : memref<100x128xf32, #tpu.memory_space<vmem>> -> memref<50x128xf32, #tpu.memory_space<vmem>>
        %dma_wait3A_259 = arith.constant 0 : i32
        %dma_wait3A_260 = arith.constant 0 : i32
        %dma_wait3A_261 = tpu.memref_slice %arg5[%add3A_255, %dma_wait3A_259, %dma_wait3A_260] : memref<4096x50x128xf32, #tpu.memory_space<hbm>> -> memref<1x50x128xf32, #tpu.memory_space<hbm>>
        %dma_wait3A_262 = tpu.memref_squeeze %dma_wait3A_261 : memref<1x50x128xf32, #tpu.memory_space<hbm>> -> memref<50x128xf32, #tpu.memory_space<hbm>>
        %dma_wait3A_263 = arith.constant 0 : i32
        %dma_wait3A_264 = arith.constant 0 : i32
        %dma_wait3A_265 = tpu.memref_slice %arg5[%add3A_255, %dma_wait3A_263, %dma_wait3A_264] : memref<4096x50x128xf32, #tpu.memory_space<hbm>> -> memref<1x50x128xf32, #tpu.memory_space<hbm>>
        %dma_wait3A_266 = tpu.memref_squeeze %dma_wait3A_265 : memref<1x50x128xf32, #tpu.memory_space<hbm>> -> memref<50x128xf32, #tpu.memory_space<hbm>>
        %dma_wait3A_267 = arith.constant 0 : i32
        %dma_wait3A_268 = arith.constant 0 : i32
        %dma_wait3A_269 = tpu.memref_slice %arg16[%dma_wait3A_267, %dma_wait3A_268] : memref<100x128xf32, #tpu.memory_space<vmem>> -> memref<50x128xf32, #tpu.memory_space<vmem>>
        tpu.wait_dma2 semaphore(%arg23 : memref<!tpu.dma_semaphore, #tpu.memory_space<semaphore_mem>>) src(%dma_wait3A_269 : memref<50x128xf32, #tpu.memory_space<vmem>>) dst(%dma_wait3A_266 : memref<50x128xf32, #tpu.memory_space<hbm>>)
        %sub3A_270 = arith.constant 2 : i32
        %sub3A_271 = arith.subi %add3A_185, %sub3A_270 : i32
        %mul3A_272 = arith.constant 2 : i32
        %mul3A_273 = arith.muli %sub3A_271, %mul3A_272 : i32
        %add3A_274 = arith.addi %mul3A_4, %mul3A_273 : i32
        %add3A_275 = arith.constant 1 : i32
        %add3A_276 = arith.addi %add3A_274, %add3A_275 : i32
        %dma_wait3A_277 = arith.constant 50 : i32
        %dma_wait3A_278 = arith.constant 0 : i32
        %dma_wait3A_279 = tpu.memref_slice %arg16[%dma_wait3A_277, %dma_wait3A_278] : memref<100x128xf32, #tpu.memory_space<vmem>> -> memref<50x128xf32, #tpu.memory_space<vmem>>
        %dma_wait3A_280 = arith.constant 0 : i32
        %dma_wait3A_281 = arith.constant 0 : i32
        %dma_wait3A_282 = tpu.memref_slice %arg5[%add3A_276, %dma_wait3A_280, %dma_wait3A_281] : memref<4096x50x128xf32, #tpu.memory_space<hbm>> -> memref<1x50x128xf32, #tpu.memory_space<hbm>>
        %dma_wait3A_283 = tpu.memref_squeeze %dma_wait3A_282 : memref<1x50x128xf32, #tpu.memory_space<hbm>> -> memref<50x128xf32, #tpu.memory_space<hbm>>
        %dma_wait3A_284 = arith.constant 0 : i32
        %dma_wait3A_285 = arith.constant 0 : i32
        %dma_wait3A_286 = tpu.memref_slice %arg5[%add3A_276, %dma_wait3A_284, %dma_wait3A_285] : memref<4096x50x128xf32, #tpu.memory_space<hbm>> -> memref<1x50x128xf32, #tpu.memory_space<hbm>>
        %dma_wait3A_287 = tpu.memref_squeeze %dma_wait3A_286 : memref<1x50x128xf32, #tpu.memory_space<hbm>> -> memref<50x128xf32, #tpu.memory_space<hbm>>
        %dma_wait3A_288 = arith.constant 50 : i32
        %dma_wait3A_289 = arith.constant 0 : i32
        %dma_wait3A_290 = tpu.memref_slice %arg16[%dma_wait3A_288, %dma_wait3A_289] : memref<100x128xf32, #tpu.memory_space<vmem>> -> memref<50x128xf32, #tpu.memory_space<vmem>>
        tpu.wait_dma2 semaphore(%arg24 : memref<!tpu.dma_semaphore, #tpu.memory_space<semaphore_mem>>) src(%dma_wait3A_290 : memref<50x128xf32, #tpu.memory_space<vmem>>) dst(%dma_wait3A_287 : memref<50x128xf32, #tpu.memory_space<hbm>>)
      } else {
      }
      %mul3A_206 = arith.constant 100 : i32
      %mul3A_207 = arith.muli %add3A_185, %mul3A_206 : i32
      %parallel_loop3A_208 = arith.constant 0 : i32
      %parallel_loop3A_209 = arith.constant 100 : i32
      %parallel_loop3A_210 = arith.constant 1 : i32
      scf.for %parallel_loop3A_250 = %parallel_loop3A_208 to %parallel_loop3A_209 step %parallel_loop3A_210  : i32 {
        %parallel_loop3A_251 = arith.addi %mul3A_207, %parallel_loop3A_250 : i32
        %parallel_loop3A_252 = arith.index_cast %parallel_loop3A_251 : i32 to index
        %parallel_loop3A_253 = tpu.vector_load %arg6[%parallel_loop3A_252] {strides = array<i32>} : memref<6512xi32, #tpu.memory_space<vmem>>, vector<16xi32>,
        %parallel_loop3A_254 = vector.extract_strided_slice %parallel_loop3A_253 {offsets = [0], sizes = [1], strides = [1]} : vector<16xi32> to vector<1xi32>
        %parallel_loop3A_255 = vector.extract %parallel_loop3A_254[0] : i32 from vector<1xi32>
        %parallel_loop3A_256 = arith.constant 3 : i32
        %parallel_loop3A_257 = arith.andi %parallel_loop3A_255, %parallel_loop3A_256 : i32
        %parallel_loop3A_258 = arith.constant 8 : i32
        %parallel_loop3A_259 = arith.muli %parallel_loop3A_258, %parallel_loop3A_257 : i32
        %parallel_loop3A_260 = arith.constant 24 : i32
        %parallel_loop3A_261 = arith.subi %parallel_loop3A_260, %parallel_loop3A_259 : i32
        %parallel_loop3A_262 = arith.constant 31 : i32
        %parallel_loop3A_263 = arith.andi %parallel_loop3A_255, %parallel_loop3A_262 : i32
        %parallel_loop3A_264 = arith.constant 4 : i32
        %parallel_loop3A_265 = arith.muli %parallel_loop3A_263, %parallel_loop3A_264 : i32
        %parallel_loop3A_266 = arith.constant 112 : i32
        %parallel_loop3A_267 = arith.minsi %parallel_loop3A_265, %parallel_loop3A_266 : i32
        %parallel_loop3A_268 = arith.subi %parallel_loop3A_265, %parallel_loop3A_267 : i32
        %parallel_loop3A_269 = arith.index_cast %parallel_loop3A_250 : i32 to index
        %parallel_loop3A_270 = arith.index_cast %parallel_loop3A_267 : i32 to index
        %parallel_loop3A_271 = tpu.vector_load %arg14[%parallel_loop3A_269, %parallel_loop3A_270] {strides = array<i32>} : memref<112x128xf32, #tpu.memory_space<vmem>>, vector<16xf32>,
        %parallel_loop3A_272 = arith.constant 0 : i32
        %parallel_loop3A_273 = vector.broadcast %parallel_loop3A_272 : i32 to vector<16xi32>
        %parallel_loop3A_274 = vector.broadcast %parallel_loop3A_268 : i32 to vector<16xi32>
        %parallel_loop3A_275 = arith.addi %parallel_loop3A_273, %parallel_loop3A_274 : vector<16xi32>
        %parallel_loop3A_276 = arith.constant 0 : i32
        %parallel_loop3A_277 = vector.broadcast %parallel_loop3A_276 : i32 to vector<16xi32>
        %parallel_loop3A_278 = arith.cmpi slt, %parallel_loop3A_275, %parallel_loop3A_277 : vector<16xi32>
        %parallel_loop3A_279 = arith.constant 16 : i32
        %parallel_loop3A_280 = vector.broadcast %parallel_loop3A_279 : i32 to vector<16xi32>
        %parallel_loop3A_281 = arith.addi %parallel_loop3A_275, %parallel_loop3A_280 : vector<16xi32>
        %parallel_loop3A_282 = arith.select %parallel_loop3A_278, %parallel_loop3A_281, %parallel_loop3A_275 : vector<16xi1>, vector<16xi32>
        %parallel_loop3A_283 = vector.shape_cast %parallel_loop3A_282 : vector<16xi32> to vector<16x1xi32>
        %parallel_loop3A_284 = vector.shape_cast %parallel_loop3A_283 : vector<16x1xi32> to vector<16xi32>
        %parallel_loop3A_285 = tpu.dynamic_gather %parallel_loop3A_271[%parallel_loop3A_284] in [0] : vector<16xf32>, vector<16xi32> -> vector<16xf32>
        %parallel_loop3A_286 = arith.index_cast %parallel_loop3A_250 : i32 to index
        %parallel_loop3A_287 = arith.constant 0 : index
        %parallel_loop3A_288 = tpu.vector_load %arg12[%parallel_loop3A_286, %parallel_loop3A_287] {strides = array<i32>} : memref<112x128xi32, #tpu.memory_space<vmem>>, vector<16xi32>,
        %parallel_loop3A_289 = vector.broadcast %parallel_loop3A_261 : i32 to vector<16xi32>
        %parallel_loop3A_290 = arith.shli %parallel_loop3A_288, %parallel_loop3A_289 : vector<16xi32>
        %parallel_loop3A_291 = arith.constant 24 : i32
        %parallel_loop3A_292 = vector.broadcast %parallel_loop3A_291 : i32 to vector<16xi32>
        %parallel_loop3A_293 = arith.shrsi %parallel_loop3A_290, %parallel_loop3A_292 : vector<16xi32>
        %parallel_loop3A_294 = arith.sitofp %parallel_loop3A_293 : vector<16xi32> to vector<16xf32>
        %parallel_loop3A_295 = arith.mulf %parallel_loop3A_294, %parallel_loop3A_285 : vector<16xf32>
        %parallel_loop3A_296 = arith.index_cast %parallel_loop3A_250 : i32 to index
        %parallel_loop3A_297 = arith.constant 0 : index
        %parallel_loop3A_298 = tpu.vector_load %arg16[%parallel_loop3A_296, %parallel_loop3A_297] {strides = array<i32>} : memref<100x128xf32, #tpu.memory_space<vmem>>, vector<16xf32>,
        tpu.vector_store %arg16[%parallel_loop3A_296, %parallel_loop3A_297], %parallel_loop3A_295 {strides = array<i32>} : memref<100x128xf32, #tpu.memory_space<vmem>>, vector<16xf32>,
        %parallel_loop3A_299 = arith.constant 0 : i32
        %parallel_loop3A_300 = vector.broadcast %parallel_loop3A_299 : i32 to vector<16xi32>
        %parallel_loop3A_301 = vector.broadcast %parallel_loop3A_268 : i32 to vector<16xi32>
        %parallel_loop3A_302 = arith.addi %parallel_loop3A_300, %parallel_loop3A_301 : vector<16xi32>
        %parallel_loop3A_303 = arith.constant 0 : i32
        %parallel_loop3A_304 = vector.broadcast %parallel_loop3A_303 : i32 to vector<16xi32>
        %parallel_loop3A_305 = arith.cmpi slt, %parallel_loop3A_302, %parallel_loop3A_304 : vector<16xi32>
        %parallel_loop3A_306 = arith.constant 16 : i32
        %parallel_loop3A_307 = vector.broadcast %parallel_loop3A_306 : i32 to vector<16xi32>
        %parallel_loop3A_308 = arith.addi %parallel_loop3A_302, %parallel_loop3A_307 : vector<16xi32>
        %parallel_loop3A_309 = arith.select %parallel_loop3A_305, %parallel_loop3A_308, %parallel_loop3A_302 : vector<16xi1>, vector<16xi32>
        %parallel_loop3A_310 = vector.shape_cast %parallel_loop3A_309 : vector<16xi32> to vector<16x1xi32>
        %parallel_loop3A_311 = vector.shape_cast %parallel_loop3A_310 : vector<16x1xi32> to vector<16xi32>
        %parallel_loop3A_312 = tpu.dynamic_gather %parallel_loop3A_271[%parallel_loop3A_311] in [0] : vector<16xf32>, vector<16xi32> -> vector<16xf32>
        %parallel_loop3A_313 = arith.index_cast %parallel_loop3A_250 : i32 to index
        %parallel_loop3A_314 = arith.constant 16 : index
        %parallel_loop3A_315 = tpu.vector_load %arg12[%parallel_loop3A_313, %parallel_loop3A_314] {strides = array<i32>} : memref<112x128xi32, #tpu.memory_space<vmem>>, vector<16xi32>,
        %parallel_loop3A_316 = vector.broadcast %parallel_loop3A_261 : i32 to vector<16xi32>
        %parallel_loop3A_317 = arith.shli %parallel_loop3A_315, %parallel_loop3A_316 : vector<16xi32>
        %parallel_loop3A_318 = arith.constant 24 : i32
        %parallel_loop3A_319 = vector.broadcast %parallel_loop3A_318 : i32 to vector<16xi32>
        %parallel_loop3A_320 = arith.shrsi %parallel_loop3A_317, %parallel_loop3A_319 : vector<16xi32>
        %parallel_loop3A_321 = arith.sitofp %parallel_loop3A_320 : vector<16xi32> to vector<16xf32>
        %parallel_loop3A_322 = arith.mulf %parallel_loop3A_321, %parallel_loop3A_312 : vector<16xf32>
        %parallel_loop3A_323 = arith.index_cast %parallel_loop3A_250 : i32 to index
        %parallel_loop3A_324 = arith.constant 16 : index
        %parallel_loop3A_325 = tpu.vector_load %arg16[%parallel_loop3A_323, %parallel_loop3A_324] {strides = array<i32>} : memref<100x128xf32, #tpu.memory_space<vmem>>, vector<16xf32>,
        tpu.vector_store %arg16[%parallel_loop3A_323, %parallel_loop3A_324], %parallel_loop3A_322 {strides = array<i32>} : memref<100x128xf32, #tpu.memory_space<vmem>>, vector<16xf32>,
        %parallel_loop3A_326 = arith.constant 1 : i32
        %parallel_loop3A_327 = vector.broadcast %parallel_loop3A_326 : i32 to vector<16xi32>
        %parallel_loop3A_328 = vector.broadcast %parallel_loop3A_268 : i32 to vector<16xi32>
        %parallel_loop3A_329 = arith.addi %parallel_loop3A_327, %parallel_loop3A_328 : vector<16xi32>
        %parallel_loop3A_330 = arith.constant 0 : i32
        %parallel_loop3A_331 = vector.broadcast %parallel_loop3A_330 : i32 to vector<16xi32>
        %parallel_loop3A_332 = arith.cmpi slt, %parallel_loop3A_329, %parallel_loop3A_331 : vector<16xi32>
        %parallel_loop3A_333 = arith.constant 16 : i32
        %parallel_loop3A_334 = vector.broadcast %parallel_loop3A_333 : i32 to vector<16xi32>
        %parallel_loop3A_335 = arith.addi %parallel_loop3A_329, %parallel_loop3A_334 : vector<16xi32>
        %parallel_loop3A_336 = arith.select %parallel_loop3A_332, %parallel_loop3A_335, %parallel_loop3A_329 : vector<16xi1>, vector<16xi32>
        %parallel_loop3A_337 = vector.shape_cast %parallel_loop3A_336 : vector<16xi32> to vector<16x1xi32>
        %parallel_loop3A_338 = vector.shape_cast %parallel_loop3A_337 : vector<16x1xi32> to vector<16xi32>
        %parallel_loop3A_339 = tpu.dynamic_gather %parallel_loop3A_271[%parallel_loop3A_338] in [0] : vector<16xf32>, vector<16xi32> -> vector<16xf32>
        %parallel_loop3A_340 = arith.index_cast %parallel_loop3A_250 : i32 to index
        %parallel_loop3A_341 = arith.constant 32 : index
        %parallel_loop3A_342 = tpu.vector_load %arg12[%parallel_loop3A_340, %parallel_loop3A_341] {strides = array<i32>} : memref<112x128xi32, #tpu.memory_space<vmem>>, vector<16xi32>,
        %parallel_loop3A_343 = vector.broadcast %parallel_loop3A_261 : i32 to vector<16xi32>
        %parallel_loop3A_344 = arith.shli %parallel_loop3A_342, %parallel_loop3A_343 : vector<16xi32>
        %parallel_loop3A_345 = arith.constant 24 : i32
        %parallel_loop3A_346 = vector.broadcast %parallel_loop3A_345 : i32 to vector<16xi32>
        %parallel_loop3A_347 = arith.shrsi %parallel_loop3A_344, %parallel_loop3A_346 : vector<16xi32>
        %parallel_loop3A_348 = arith.sitofp %parallel_loop3A_347 : vector<16xi32> to vector<16xf32>
        %parallel_loop3A_349 = arith.mulf %parallel_loop3A_348, %parallel_loop3A_339 : vector<16xf32>
        %parallel_loop3A_350 = arith.index_cast %parallel_loop3A_250 : i32 to index
        %parallel_loop3A_351 = arith.constant 32 : index
        %parallel_loop3A_352 = tpu.vector_load %arg16[%parallel_loop3A_350, %parallel_loop3A_351] {strides = array<i32>} : memref<100x128xf32, #tpu.memory_space<vmem>>, vector<16xf32>,
        tpu.vector_store %arg16[%parallel_loop3A_350, %parallel_loop3A_351], %parallel_loop3A_349 {strides = array<i32>} : memref<100x128xf32, #tpu.memory_space<vmem>>, vector<16xf32>,
        %parallel_loop3A_353 = arith.constant 1 : i32
        %parallel_loop3A_354 = vector.broadcast %parallel_loop3A_353 : i32 to vector<16xi32>
        %parallel_loop3A_355 = vector.broadcast %parallel_loop3A_268 : i32 to vector<16xi32>
        %parallel_loop3A_356 = arith.addi %parallel_loop3A_354, %parallel_loop3A_355 : vector<16xi32>
        %parallel_loop3A_357 = arith.constant 0 : i32
        %parallel_loop3A_358 = vector.broadcast %parallel_loop3A_357 : i32 to vector<16xi32>
        %parallel_loop3A_359 = arith.cmpi slt, %parallel_loop3A_356, %parallel_loop3A_358 : vector<16xi32>
        %parallel_loop3A_360 = arith.constant 16 : i32
        %parallel_loop3A_361 = vector.broadcast %parallel_loop3A_360 : i32 to vector<16xi32>
        %parallel_loop3A_362 = arith.addi %parallel_loop3A_356, %parallel_loop3A_361 : vector<16xi32>
        %parallel_loop3A_363 = arith.select %parallel_loop3A_359, %parallel_loop3A_362, %parallel_loop3A_356 : vector<16xi1>, vector<16xi32>
        %parallel_loop3A_364 = vector.shape_cast %parallel_loop3A_363 : vector<16xi32> to vector<16x1xi32>
        %parallel_loop3A_365 = vector.shape_cast %parallel_loop3A_364 : vector<16x1xi32> to vector<16xi32>
        %parallel_loop3A_366 = tpu.dynamic_gather %parallel_loop3A_271[%parallel_loop3A_365] in [0] : vector<16xf32>, vector<16xi32> -> vector<16xf32>
        %parallel_loop3A_367 = arith.index_cast %parallel_loop3A_250 : i32 to index
        %parallel_loop3A_368 = arith.constant 48 : index
        %parallel_loop3A_369 = tpu.vector_load %arg12[%parallel_loop3A_367, %parallel_loop3A_368] {strides = array<i32>} : memref<112x128xi32, #tpu.memory_space<vmem>>, vector<16xi32>,
        %parallel_loop3A_370 = vector.broadcast %parallel_loop3A_261 : i32 to vector<16xi32>
        %parallel_loop3A_371 = arith.shli %parallel_loop3A_369, %parallel_loop3A_370 : vector<16xi32>
        %parallel_loop3A_372 = arith.constant 24 : i32
        %parallel_loop3A_373 = vector.broadcast %parallel_loop3A_372 : i32 to vector<16xi32>
        %parallel_loop3A_374 = arith.shrsi %parallel_loop3A_371, %parallel_loop3A_373 : vector<16xi32>
        %parallel_loop3A_375 = arith.sitofp %parallel_loop3A_374 : vector<16xi32> to vector<16xf32>
        %parallel_loop3A_376 = arith.mulf %parallel_loop3A_375, %parallel_loop3A_366 : vector<16xf32>
        %parallel_loop3A_377 = arith.index_cast %parallel_loop3A_250 : i32 to index
        %parallel_loop3A_378 = arith.constant 48 : index
        %parallel_loop3A_379 = tpu.vector_load %arg16[%parallel_loop3A_377, %parallel_loop3A_378] {strides = array<i32>} : memref<100x128xf32, #tpu.memory_space<vmem>>, vector<16xf32>,
        tpu.vector_store %arg16[%parallel_loop3A_377, %parallel_loop3A_378], %parallel_loop3A_376 {strides = array<i32>} : memref<100x128xf32, #tpu.memory_space<vmem>>, vector<16xf32>,
        %parallel_loop3A_380 = arith.constant 2 : i32
        %parallel_loop3A_381 = vector.broadcast %parallel_loop3A_380 : i32 to vector<16xi32>
        %parallel_loop3A_382 = vector.broadcast %parallel_loop3A_268 : i32 to vector<16xi32>
        %parallel_loop3A_383 = arith.addi %parallel_loop3A_381, %parallel_loop3A_382 : vector<16xi32>
        %parallel_loop3A_384 = arith.constant 0 : i32
        %parallel_loop3A_385 = vector.broadcast %parallel_loop3A_384 : i32 to vector<16xi32>
        %parallel_loop3A_386 = arith.cmpi slt, %parallel_loop3A_383, %parallel_loop3A_385 : vector<16xi32>
        %parallel_loop3A_387 = arith.constant 16 : i32
        %parallel_loop3A_388 = vector.broadcast %parallel_loop3A_387 : i32 to vector<16xi32>
        %parallel_loop3A_389 = arith.addi %parallel_loop3A_383, %parallel_loop3A_388 : vector<16xi32>
        %parallel_loop3A_390 = arith.select %parallel_loop3A_386, %parallel_loop3A_389, %parallel_loop3A_383 : vector<16xi1>, vector<16xi32>
        %parallel_loop3A_391 = vector.shape_cast %parallel_loop3A_390 : vector<16xi32> to vector<16x1xi32>
        %parallel_loop3A_392 = vector.shape_cast %parallel_loop3A_391 : vector<16x1xi32> to vector<16xi32>
        %parallel_loop3A_393 = tpu.dynamic_gather %parallel_loop3A_271[%parallel_loop3A_392] in [0] : vector<16xf32>, vector<16xi32> -> vector<16xf32>
        %parallel_loop3A_394 = arith.index_cast %parallel_loop3A_250 : i32 to index
        %parallel_loop3A_395 = arith.constant 64 : index
        %parallel_loop3A_396 = tpu.vector_load %arg12[%parallel_loop3A_394, %parallel_loop3A_395] {strides = array<i32>} : memref<112x128xi32, #tpu.memory_space<vmem>>, vector<16xi32>,
        %parallel_loop3A_397 = vector.broadcast %parallel_loop3A_261 : i32 to vector<16xi32>
        %parallel_loop3A_398 = arith.shli %parallel_loop3A_396, %parallel_loop3A_397 : vector<16xi32>
        %parallel_loop3A_399 = arith.constant 24 : i32
        %parallel_loop3A_400 = vector.broadcast %parallel_loop3A_399 : i32 to vector<16xi32>
        %parallel_loop3A_401 = arith.shrsi %parallel_loop3A_398, %parallel_loop3A_400 : vector<16xi32>
        %parallel_loop3A_402 = arith.sitofp %parallel_loop3A_401 : vector<16xi32> to vector<16xf32>
        %parallel_loop3A_403 = arith.mulf %parallel_loop3A_402, %parallel_loop3A_393 : vector<16xf32>
        %parallel_loop3A_404 = arith.index_cast %parallel_loop3A_250 : i32 to index
        %parallel_loop3A_405 = arith.constant 64 : index
        %parallel_loop3A_406 = tpu.vector_load %arg16[%parallel_loop3A_404, %parallel_loop3A_405] {strides = array<i32>} : memref<100x128xf32, #tpu.memory_space<vmem>>, vector<16xf32>,
        tpu.vector_store %arg16[%parallel_loop3A_404, %parallel_loop3A_405], %parallel_loop3A_403 {strides = array<i32>} : memref<100x128xf32, #tpu.memory_space<vmem>>, vector<16xf32>,
        %parallel_loop3A_407 = arith.constant 2 : i32
        %parallel_loop3A_408 = vector.broadcast %parallel_loop3A_407 : i32 to vector<16xi32>
        %parallel_loop3A_409 = vector.broadcast %parallel_loop3A_268 : i32 to vector<16xi32>
        %parallel_loop3A_410 = arith.addi %parallel_loop3A_408, %parallel_loop3A_409 : vector<16xi32>
        %parallel_loop3A_411 = arith.constant 0 : i32
        %parallel_loop3A_412 = vector.broadcast %parallel_loop3A_411 : i32 to vector<16xi32>
        %parallel_loop3A_413 = arith.cmpi slt, %parallel_loop3A_410, %parallel_loop3A_412 : vector<16xi32>
        %parallel_loop3A_414 = arith.constant 16 : i32
        %parallel_loop3A_415 = vector.broadcast %parallel_loop3A_414 : i32 to vector<16xi32>
        %parallel_loop3A_416 = arith.addi %parallel_loop3A_410, %parallel_loop3A_415 : vector<16xi32>
        %parallel_loop3A_417 = arith.select %parallel_loop3A_413, %parallel_loop3A_416, %parallel_loop3A_410 : vector<16xi1>, vector<16xi32>
        %parallel_loop3A_418 = vector.shape_cast %parallel_loop3A_417 : vector<16xi32> to vector<16x1xi32>
        %parallel_loop3A_419 = vector.shape_cast %parallel_loop3A_418 : vector<16x1xi32> to vector<16xi32>
        %parallel_loop3A_420 = tpu.dynamic_gather %parallel_loop3A_271[%parallel_loop3A_419] in [0] : vector<16xf32>, vector<16xi32> -> vector<16xf32>
        %parallel_loop3A_421 = arith.index_cast %parallel_loop3A_250 : i32 to index
        %parallel_loop3A_422 = arith.constant 80 : index
        %parallel_loop3A_423 = tpu.vector_load %arg12[%parallel_loop3A_421, %parallel_loop3A_422] {strides = array<i32>} : memref<112x128xi32, #tpu.memory_space<vmem>>, vector<16xi32>,
        %parallel_loop3A_424 = vector.broadcast %parallel_loop3A_261 : i32 to vector<16xi32>
        %parallel_loop3A_425 = arith.shli %parallel_loop3A_423, %parallel_loop3A_424 : vector<16xi32>
        %parallel_loop3A_426 = arith.constant 24 : i32
        %parallel_loop3A_427 = vector.broadcast %parallel_loop3A_426 : i32 to vector<16xi32>
        %parallel_loop3A_428 = arith.shrsi %parallel_loop3A_425, %parallel_loop3A_427 : vector<16xi32>
        %parallel_loop3A_429 = arith.sitofp %parallel_loop3A_428 : vector<16xi32> to vector<16xf32>
        %parallel_loop3A_430 = arith.mulf %parallel_loop3A_429, %parallel_loop3A_420 : vector<16xf32>
        %parallel_loop3A_431 = arith.index_cast %parallel_loop3A_250 : i32 to index
        %parallel_loop3A_432 = arith.constant 80 : index
        %parallel_loop3A_433 = tpu.vector_load %arg16[%parallel_loop3A_431, %parallel_loop3A_432] {strides = array<i32>} : memref<100x128xf32, #tpu.memory_space<vmem>>, vector<16xf32>,
        tpu.vector_store %arg16[%parallel_loop3A_431, %parallel_loop3A_432], %parallel_loop3A_430 {strides = array<i32>} : memref<100x128xf32, #tpu.memory_space<vmem>>, vector<16xf32>,
        %parallel_loop3A_434 = arith.constant 3 : i32
        %parallel_loop3A_435 = vector.broadcast %parallel_loop3A_434 : i32 to vector<16xi32>
        %parallel_loop3A_436 = vector.broadcast %parallel_loop3A_268 : i32 to vector<16xi32>
        %parallel_loop3A_437 = arith.addi %parallel_loop3A_435, %parallel_loop3A_436 : vector<16xi32>
        %parallel_loop3A_438 = arith.constant 0 : i32
        %parallel_loop3A_439 = vector.broadcast %parallel_loop3A_438 : i32 to vector<16xi32>
        %parallel_loop3A_440 = arith.cmpi slt, %parallel_loop3A_437, %parallel_loop3A_439 : vector<16xi32>
        %parallel_loop3A_441 = arith.constant 16 : i32
        %parallel_loop3A_442 = vector.broadcast %parallel_loop3A_441 : i32 to vector<16xi32>
        %parallel_loop3A_443 = arith.addi %parallel_loop3A_437, %parallel_loop3A_442 : vector<16xi32>
        %parallel_loop3A_444 = arith.select %parallel_loop3A_440, %parallel_loop3A_443, %parallel_loop3A_437 : vector<16xi1>, vector<16xi32>
        %parallel_loop3A_445 = vector.shape_cast %parallel_loop3A_444 : vector<16xi32> to vector<16x1xi32>
        %parallel_loop3A_446 = vector.shape_cast %parallel_loop3A_445 : vector<16x1xi32> to vector<16xi32>
        %parallel_loop3A_447 = tpu.dynamic_gather %parallel_loop3A_271[%parallel_loop3A_446] in [0] : vector<16xf32>, vector<16xi32> -> vector<16xf32>
        %parallel_loop3A_448 = arith.index_cast %parallel_loop3A_250 : i32 to index
        %parallel_loop3A_449 = arith.constant 96 : index
        %parallel_loop3A_450 = tpu.vector_load %arg12[%parallel_loop3A_448, %parallel_loop3A_449] {strides = array<i32>} : memref<112x128xi32, #tpu.memory_space<vmem>>, vector<16xi32>,
        %parallel_loop3A_451 = vector.broadcast %parallel_loop3A_261 : i32 to vector<16xi32>
        %parallel_loop3A_452 = arith.shli %parallel_loop3A_450, %parallel_loop3A_451 : vector<16xi32>
        %parallel_loop3A_453 = arith.constant 24 : i32
        %parallel_loop3A_454 = vector.broadcast %parallel_loop3A_453 : i32 to vector<16xi32>
        %parallel_loop3A_455 = arith.shrsi %parallel_loop3A_452, %parallel_loop3A_454 : vector<16xi32>
        %parallel_loop3A_456 = arith.sitofp %parallel_loop3A_455 : vector<16xi32> to vector<16xf32>
        %parallel_loop3A_457 = arith.mulf %parallel_loop3A_456, %parallel_loop3A_447 : vector<16xf32>
        %parallel_loop3A_458 = arith.index_cast %parallel_loop3A_250 : i32 to index
        %parallel_loop3A_459 = arith.constant 96 : index
        %parallel_loop3A_460 = tpu.vector_load %arg16[%parallel_loop3A_458, %parallel_loop3A_459] {strides = array<i32>} : memref<100x128xf32, #tpu.memory_space<vmem>>, vector<16xf32>,
        tpu.vector_store %arg16[%parallel_loop3A_458, %parallel_loop3A_459], %parallel_loop3A_457 {strides = array<i32>} : memref<100x128xf32, #tpu.memory_space<vmem>>, vector<16xf32>,
        %parallel_loop3A_461 = arith.constant 3 : i32
        %parallel_loop3A_462 = vector.broadcast %parallel_loop3A_461 : i32 to vector<16xi32>
        %parallel_loop3A_463 = vector.broadcast %parallel_loop3A_268 : i32 to vector<16xi32>
        %parallel_loop3A_464 = arith.addi %parallel_loop3A_462, %parallel_loop3A_463 : vector<16xi32>
        %parallel_loop3A_465 = arith.constant 0 : i32
        %parallel_loop3A_466 = vector.broadcast %parallel_loop3A_465 : i32 to vector<16xi32>
        %parallel_loop3A_467 = arith.cmpi slt, %parallel_loop3A_464, %parallel_loop3A_466 : vector<16xi32>
        %parallel_loop3A_468 = arith.constant 16 : i32
        %parallel_loop3A_469 = vector.broadcast %parallel_loop3A_468 : i32 to vector<16xi32>
        %parallel_loop3A_470 = arith.addi %parallel_loop3A_464, %parallel_loop3A_469 : vector<16xi32>
        %parallel_loop3A_471 = arith.select %parallel_loop3A_467, %parallel_loop3A_470, %parallel_loop3A_464 : vector<16xi1>, vector<16xi32>
        %parallel_loop3A_472 = vector.shape_cast %parallel_loop3A_471 : vector<16xi32> to vector<16x1xi32>
        %parallel_loop3A_473 = vector.shape_cast %parallel_loop3A_472 : vector<16x1xi32> to vector<16xi32>
        %parallel_loop3A_474 = tpu.dynamic_gather %parallel_loop3A_271[%parallel_loop3A_473] in [0] : vector<16xf32>, vector<16xi32> -> vector<16xf32>
        %parallel_loop3A_475 = arith.index_cast %parallel_loop3A_250 : i32 to index
        %parallel_loop3A_476 = arith.constant 112 : index
        %parallel_loop3A_477 = tpu.vector_load %arg12[%parallel_loop3A_475, %parallel_loop3A_476] {strides = array<i32>} : memref<112x128xi32, #tpu.memory_space<vmem>>, vector<16xi32>,
        %parallel_loop3A_478 = vector.broadcast %parallel_loop3A_261 : i32 to vector<16xi32>
        %parallel_loop3A_479 = arith.shli %parallel_loop3A_477, %parallel_loop3A_478 : vector<16xi32>
        %parallel_loop3A_480 = arith.constant 24 : i32
        %parallel_loop3A_481 = vector.broadcast %parallel_loop3A_480 : i32 to vector<16xi32>
        %parallel_loop3A_482 = arith.shrsi %parallel_loop3A_479, %parallel_loop3A_481 : vector<16xi32>
        %parallel_loop3A_483 = arith.sitofp %parallel_loop3A_482 : vector<16xi32> to vector<16xf32>
        %parallel_loop3A_484 = arith.mulf %parallel_loop3A_483, %parallel_loop3A_474 : vector<16xf32>
        %parallel_loop3A_485 = arith.index_cast %parallel_loop3A_250 : i32 to index
        %parallel_loop3A_486 = arith.constant 112 : index
        %parallel_loop3A_487 = tpu.vector_load %arg16[%parallel_loop3A_485, %parallel_loop3A_486] {strides = array<i32>} : memref<100x128xf32, #tpu.memory_space<vmem>>, vector<16xf32>,
        tpu.vector_store %arg16[%parallel_loop3A_485, %parallel_loop3A_486], %parallel_loop3A_484 {strides = array<i32>} : memref<100x128xf32, #tpu.memory_space<vmem>>, vector<16xf32>,
      } {sc.loop_unroll_factor = 4 : i64, sc.parallel_access}
      %mul3A_211 = arith.constant 2 : i32
      %mul3A_212 = arith.muli %add3A_185, %mul3A_211 : i32
      %add3A_213 = arith.addi %mul3A_4, %mul3A_212 : i32
      %add3A_214 = arith.constant 0 : i32
      %add3A_215 = arith.addi %add3A_213, %add3A_214 : i32
      %dma_start3A_216 = arith.constant 0 : i32
      %dma_start3A_217 = arith.constant 0 : i32
      %dma_start3A_218 = tpu.memref_slice %arg16[%dma_start3A_216, %dma_start3A_217] : memref<100x128xf32, #tpu.memory_space<vmem>> -> memref<50x128xf32, #tpu.memory_space<vmem>>
      %dma_start3A_219 = arith.constant 0 : i32
      %dma_start3A_220 = arith.constant 0 : i32
      %dma_start3A_221 = tpu.memref_slice %arg5[%add3A_215, %dma_start3A_219, %dma_start3A_220] : memref<4096x50x128xf32, #tpu.memory_space<hbm>> -> memref<1x50x128xf32, #tpu.memory_space<hbm>>
      %dma_start3A_222 = tpu.memref_squeeze %dma_start3A_221 : memref<1x50x128xf32, #tpu.memory_space<hbm>> -> memref<50x128xf32, #tpu.memory_space<hbm>>
      %dma_start3A_223 = arith.constant 0 : i32
      %dma_start3A_224 = arith.constant 0 : i32
      %dma_start3A_225 = tpu.memref_slice %arg5[%add3A_215, %dma_start3A_223, %dma_start3A_224] : memref<4096x50x128xf32, #tpu.memory_space<hbm>> -> memref<1x50x128xf32, #tpu.memory_space<hbm>>
      %dma_start3A_226 = tpu.memref_squeeze %dma_start3A_225 : memref<1x50x128xf32, #tpu.memory_space<hbm>> -> memref<50x128xf32, #tpu.memory_space<hbm>>
      %dma_start3A_227 = arith.constant 0 : i32
      %dma_start3A_228 = arith.constant 0 : i32
      %dma_start3A_229 = tpu.memref_slice %arg16[%dma_start3A_227, %dma_start3A_228] : memref<100x128xf32, #tpu.memory_space<vmem>> -> memref<50x128xf32, #tpu.memory_space<vmem>>
      tpu.enqueue_dma source(%dma_start3A_229 : memref<50x128xf32, #tpu.memory_space<vmem>>) target(%dma_start3A_226 : memref<50x128xf32, #tpu.memory_space<hbm>>) target_semaphore(%arg23 : memref<!tpu.dma_semaphore, #tpu.memory_space<semaphore_mem>>)
      %mul3A_230 = arith.constant 2 : i32
      %mul3A_231 = arith.muli %add3A_185, %mul3A_230 : i32
      %add3A_232 = arith.addi %mul3A_4, %mul3A_231 : i32
      %add3A_233 = arith.constant 1 : i32
      %add3A_234 = arith.addi %add3A_232, %add3A_233 : i32
      %dma_start3A_235 = arith.constant 50 : i32
      %dma_start3A_236 = arith.constant 0 : i32
      %dma_start3A_237 = tpu.memref_slice %arg16[%dma_start3A_235, %dma_start3A_236] : memref<100x128xf32, #tpu.memory_space<vmem>> -> memref<50x128xf32, #tpu.memory_space<vmem>>
      %dma_start3A_238 = arith.constant 0 : i32
      %dma_start3A_239 = arith.constant 0 : i32
      %dma_start3A_240 = tpu.memref_slice %arg5[%add3A_234, %dma_start3A_238, %dma_start3A_239] : memref<4096x50x128xf32, #tpu.memory_space<hbm>> -> memref<1x50x128xf32, #tpu.memory_space<hbm>>
      %dma_start3A_241 = tpu.memref_squeeze %dma_start3A_240 : memref<1x50x128xf32, #tpu.memory_space<hbm>> -> memref<50x128xf32, #tpu.memory_space<hbm>>
      %dma_start3A_242 = arith.constant 0 : i32
      %dma_start3A_243 = arith.constant 0 : i32
      %dma_start3A_244 = tpu.memref_slice %arg5[%add3A_234, %dma_start3A_242, %dma_start3A_243] : memref<4096x50x128xf32, #tpu.memory_space<hbm>> -> memref<1x50x128xf32, #tpu.memory_space<hbm>>
      %dma_start3A_245 = tpu.memref_squeeze %dma_start3A_244 : memref<1x50x128xf32, #tpu.memory_space<hbm>> -> memref<50x128xf32, #tpu.memory_space<hbm>>
      %dma_start3A_246 = arith.constant 50 : i32
      %dma_start3A_247 = arith.constant 0 : i32
      %dma_start3A_248 = tpu.memref_slice %arg16[%dma_start3A_246, %dma_start3A_247] : memref<100x128xf32, #tpu.memory_space<vmem>> -> memref<50x128xf32, #tpu.memory_space<vmem>>
      tpu.enqueue_dma source(%dma_start3A_248 : memref<50x128xf32, #tpu.memory_space<vmem>>) target(%dma_start3A_245 : memref<50x128xf32, #tpu.memory_space<hbm>>) target_semaphore(%arg24 : memref<!tpu.dma_semaphore, #tpu.memory_space<semaphore_mem>>)
      %scan3A_249 = arith.constant 0 : i32
      scf.yield %scan3A_249 : i32
    }
    %scan3A_45 = arith.constant 32 : i32
    %add3A_46 = arith.constant 124 : i32
    %add3A_47 = arith.addi %mul3A_4, %add3A_46 : i32
    %add3A_48 = arith.constant 0 : i32
    %add3A_49 = arith.addi %add3A_47, %add3A_48 : i32
    %dma_wait3A = arith.constant 0 : i32
    %dma_wait3A_50 = arith.constant 0 : i32
    %dma_wait3A_51 = tpu.memref_slice %arg15[%dma_wait3A, %dma_wait3A_50] : memref<100x128xf32, #tpu.memory_space<vmem>> -> memref<50x128xf32, #tpu.memory_space<vmem>>
    %dma_wait3A_52 = arith.constant 0 : i32
    %dma_wait3A_53 = arith.constant 0 : i32
    %dma_wait3A_54 = tpu.memref_slice %arg5[%add3A_49, %dma_wait3A_52, %dma_wait3A_53] : memref<4096x50x128xf32, #tpu.memory_space<hbm>> -> memref<1x50x128xf32, #tpu.memory_space<hbm>>
    %dma_wait3A_55 = tpu.memref_squeeze %dma_wait3A_54 : memref<1x50x128xf32, #tpu.memory_space<hbm>> -> memref<50x128xf32, #tpu.memory_space<hbm>>
    %dma_wait3A_56 = arith.constant 0 : i32
    %dma_wait3A_57 = arith.constant 0 : i32
    %dma_wait3A_58 = tpu.memref_slice %arg5[%add3A_49, %dma_wait3A_56, %dma_wait3A_57] : memref<4096x50x128xf32, #tpu.memory_space<hbm>> -> memref<1x50x128xf32, #tpu.memory_space<hbm>>
    %dma_wait3A_59 = tpu.memref_squeeze %dma_wait3A_58 : memref<1x50x128xf32, #tpu.memory_space<hbm>> -> memref<50x128xf32, #tpu.memory_space<hbm>>
    %dma_wait3A_60 = arith.constant 0 : i32
    %dma_wait3A_61 = arith.constant 0 : i32
    %dma_wait3A_62 = tpu.memref_slice %arg15[%dma_wait3A_60, %dma_wait3A_61] : memref<100x128xf32, #tpu.memory_space<vmem>> -> memref<50x128xf32, #tpu.memory_space<vmem>>
    tpu.wait_dma2 semaphore(%arg21 : memref<!tpu.dma_semaphore, #tpu.memory_space<semaphore_mem>>) src(%dma_wait3A_62 : memref<50x128xf32, #tpu.memory_space<vmem>>) dst(%dma_wait3A_59 : memref<50x128xf32, #tpu.memory_space<hbm>>)
    %add3A_63 = arith.constant 124 : i32
    %add3A_64 = arith.addi %mul3A_4, %add3A_63 : i32
    %add3A_65 = arith.constant 1 : i32
    %add3A_66 = arith.addi %add3A_64, %add3A_65 : i32
    %dma_wait3A_67 = arith.constant 50 : i32
    %dma_wait3A_68 = arith.constant 0 : i32
    %dma_wait3A_69 = tpu.memref_slice %arg15[%dma_wait3A_67, %dma_wait3A_68] : memref<100x128xf32, #tpu.memory_space<vmem>> -> memref<50x128xf32, #tpu.memory_space<vmem>>
    %dma_wait3A_70 = arith.constant 0 : i32
    %dma_wait3A_71 = arith.constant 0 : i32
    %dma_wait3A_72 = tpu.memref_slice %arg5[%add3A_66, %dma_wait3A_70, %dma_wait3A_71] : memref<4096x50x128xf32, #tpu.memory_space<hbm>> -> memref<1x50x128xf32, #tpu.memory_space<hbm>>
    %dma_wait3A_73 = tpu.memref_squeeze %dma_wait3A_72 : memref<1x50x128xf32, #tpu.memory_space<hbm>> -> memref<50x128xf32, #tpu.memory_space<hbm>>
    %dma_wait3A_74 = arith.constant 0 : i32
    %dma_wait3A_75 = arith.constant 0 : i32
    %dma_wait3A_76 = tpu.memref_slice %arg5[%add3A_66, %dma_wait3A_74, %dma_wait3A_75] : memref<4096x50x128xf32, #tpu.memory_space<hbm>> -> memref<1x50x128xf32, #tpu.memory_space<hbm>>
    %dma_wait3A_77 = tpu.memref_squeeze %dma_wait3A_76 : memref<1x50x128xf32, #tpu.memory_space<hbm>> -> memref<50x128xf32, #tpu.memory_space<hbm>>
    %dma_wait3A_78 = arith.constant 50 : i32
    %dma_wait3A_79 = arith.constant 0 : i32
    %dma_wait3A_80 = tpu.memref_slice %arg15[%dma_wait3A_78, %dma_wait3A_79] : memref<100x128xf32, #tpu.memory_space<vmem>> -> memref<50x128xf32, #tpu.memory_space<vmem>>
    tpu.wait_dma2 semaphore(%arg22 : memref<!tpu.dma_semaphore, #tpu.memory_space<semaphore_mem>>) src(%dma_wait3A_80 : memref<50x128xf32, #tpu.memory_space<vmem>>) dst(%dma_wait3A_77 : memref<50x128xf32, #tpu.memory_space<hbm>>)
    %add3A_81 = arith.constant 126 : i32
    %add3A_82 = arith.addi %mul3A_4, %add3A_81 : i32
    %add3A_83 = arith.constant 0 : i32
    %add3A_84 = arith.addi %add3A_82, %add3A_83 : i32
    %dma_wait3A_85 = arith.constant 0 : i32
    %dma_wait3A_86 = arith.constant 0 : i32
    %dma_wait3A_87 = tpu.memref_slice %arg16[%dma_wait3A_85, %dma_wait3A_86] : memref<100x128xf32, #tpu.memory_space<vmem>> -> memref<50x128xf32, #tpu.memory_space<vmem>>
    %dma_wait3A_88 = arith.constant 0 : i32
    %dma_wait3A_89 = arith.constant 0 : i32
    %dma_wait3A_90 = tpu.memref_slice %arg5[%add3A_84, %dma_wait3A_88, %dma_wait3A_89] : memref<4096x50x128xf32, #tpu.memory_space<hbm>> -> memref<1x50x128xf32, #tpu.memory_space<hbm>>
    %dma_wait3A_91 = tpu.memref_squeeze %dma_wait3A_90 : memref<1x50x128xf32, #tpu.memory_space<hbm>> -> memref<50x128xf32, #tpu.memory_space<hbm>>
    %dma_wait3A_92 = arith.constant 0 : i32
    %dma_wait3A_93 = arith.constant 0 : i32
    %dma_wait3A_94 = tpu.memref_slice %arg5[%add3A_84, %dma_wait3A_92, %dma_wait3A_93] : memref<4096x50x128xf32, #tpu.memory_space<hbm>> -> memref<1x50x128xf32, #tpu.memory_space<hbm>>
    %dma_wait3A_95 = tpu.memref_squeeze %dma_wait3A_94 : memref<1x50x128xf32, #tpu.memory_space<hbm>> -> memref<50x128xf32, #tpu.memory_space<hbm>>
    %dma_wait3A_96 = arith.constant 0 : i32
    %dma_wait3A_97 = arith.constant 0 : i32
    %dma_wait3A_98 = tpu.memref_slice %arg16[%dma_wait3A_96, %dma_wait3A_97] : memref<100x128xf32, #tpu.memory_space<vmem>> -> memref<50x128xf32, #tpu.memory_space<vmem>>
    tpu.wait_dma2 semaphore(%arg23 : memref<!tpu.dma_semaphore, #tpu.memory_space<semaphore_mem>>) src(%dma_wait3A_98 : memref<50x128xf32, #tpu.memory_space<vmem>>) dst(%dma_wait3A_95 : memref<50x128xf32, #tpu.memory_space<hbm>>)
    %add3A_99 = arith.constant 126 : i32
    %add3A_100 = arith.addi %mul3A_4, %add3A_99 : i32
    %add3A_101 = arith.constant 1 : i32
    %add3A_102 = arith.addi %add3A_100, %add3A_101 : i32
    %dma_wait3A_103 = arith.constant 50 : i32
    %dma_wait3A_104 = arith.constant 0 : i32
    %dma_wait3A_105 = tpu.memref_slice %arg16[%dma_wait3A_103, %dma_wait3A_104] : memref<100x128xf32, #tpu.memory_space<vmem>> -> memref<50x128xf32, #tpu.memory_space<vmem>>
    %dma_wait3A_106 = arith.constant 0 : i32
    %dma_wait3A_107 = arith.constant 0 : i32
    %dma_wait3A_108 = tpu.memref_slice %arg5[%add3A_102, %dma_wait3A_106, %dma_wait3A_107] : memref<4096x50x128xf32, #tpu.memory_space<hbm>> -> memref<1x50x128xf32, #tpu.memory_space<hbm>>
    %dma_wait3A_109 = tpu.memref_squeeze %dma_wait3A_108 : memref<1x50x128xf32, #tpu.memory_space<hbm>> -> memref<50x128xf32, #tpu.memory_space<hbm>>
    %dma_wait3A_110 = arith.constant 0 : i32
    %dma_wait3A_111 = arith.constant 0 : i32
    %dma_wait3A_112 = tpu.memref_slice %arg5[%add3A_102, %dma_wait3A_110, %dma_wait3A_111] : memref<4096x50x128xf32, #tpu.memory_space<hbm>> -> memref<1x50x128xf32, #tpu.memory_space<hbm>>
    %dma_wait3A_113 = tpu.memref_squeeze %dma_wait3A_112 : memref<1x50x128xf32, #tpu.memory_space<hbm>> -> memref<50x128xf32, #tpu.memory_space<hbm>>
    %dma_wait3A_114 = arith.constant 50 : i32
    %dma_wait3A_115 = arith.constant 0 : i32
    %dma_wait3A_116 = tpu.memref_slice %arg16[%dma_wait3A_114, %dma_wait3A_115] : memref<100x128xf32, #tpu.memory_space<vmem>> -> memref<50x128xf32, #tpu.memory_space<vmem>>
    tpu.wait_dma2 semaphore(%arg24 : memref<!tpu.dma_semaphore, #tpu.memory_space<semaphore_mem>>) src(%dma_wait3A_116 : memref<50x128xf32, #tpu.memory_space<vmem>>) dst(%dma_wait3A_113 : memref<50x128xf32, #tpu.memory_space<hbm>>)
    return
  }
}

</mosaic_0001>

<sc_bundles>
// kernel: kernel.3.cloned.1.call-start
scs
__scs_entry_jumppad:
0x0: {  	(pc) =	sbr.rel $0x88, $3  }
0x1: {  	(tag) =	ssettag $0x0;
	lr =	simm.s32 $0x1  }
0x2: {  	[smem:$0x3F9E] =	sst lr;
	_ =	strace $0xD0000000  }
0x3: {  	_ = 	snop  }
0x4: {  	_ = 	snop  }
0x5: {  	_ = 	snop  }
0x6: {  	_ = 	snop  }
0x7: {  	_ = 	snop  }
__scs_overlays_trampoline_lowered:
0x8: {  	[smem:$0x3FAD] =	sst s0  }
0x9: {  	[smem:$0x3FAE] =	sst s1  }
0xa: {  	[smem:$0x3FAF] =	sst s2  }
0xb: {  	[smem:$0x3FB0] =	sst s3  }
0xc: {  	[smem:$0x3FB1] =	sst s4  }
0xd: {  	[smem:$0x3FB2] =	sst s5  }
0xe: {  	[smem:$0x3FB3] =	sst s6  }
0xf: {  	[smem:$0x3FB4] =	sst s7  }
0x10: {  	[smem:$0x3FB5] =	sst s8  }
0x11: {  	[smem:$0x3FB6] =	sst s9;
	s0 =	simm.s32 @!p0 $0x0  }
0x12: {  	s1 =	sld [smem:$0x3F9C];
	s0 =	simm.s32 @p0 $0x1  }
0x13: {  	[smem:$0x3FB7] =	sst s0;
	s0 =	simm.s32 @!p1 $0x0  }
0x14: {  	s2 =	sld [smem:$0x3F9B];
	s0 =	simm.s32 @p1 $0x1  }
0x15: {  	[smem:$0x3FB8] =	sst s0;
	s0 =	simm.s32 @!p2 $0x0  }
0x16: {  	s3 =	sld [smem:$0x3FDB];
	s0 =	simm.s32 @p2 $0x1  }
0x17: {  	s4 =	simm.s32 $0x1BF5;
	[smem:$0x3FBA] =	sst s0  }
0x18: {  	s0 =	sld [smem:$0x3F9D];
	_ =	swait.ge [sflag:s4], $0x0  }
0x19: {  	s7 =	sld [smem:$0x3F9E]  }
0x1a: {  	s8 =	sadd.s32 $0xFFFFE003, lr  }
0x1b: {  	s9 =	sadd.s32 $0xFFFFFEF7, lr;
	s5 =	simm.s32 $0xFFFFFFFF;
	p2 =	slt.u32 s8, $0xFFFFF086  }
0x1c: {  	p1 =	slt.u32 s9, $0xF7A;
	s5 =	simm.s32 @!p2 $0x0  }
0x1d: {  	s5 =	simm.s32 @p1 $0x1;
	p0 =	seq.s32 s7, s2  }
0x1e: {  	s7 =	smul.u32 @!p0 $0xF7A, s2;
	p2 =	seq.s32 @!p0 s5, $0x0  }
0x1f: {  	s9 =	smul.u32 $0xF7A, s1;
	s8 =	simm.s32 @!p0 $0x1BF5;
	p2 =	por !p2, p0  }
0x20: {  	[sflag:s8] =	ssyncset.s32 @!p0 $0xFFFFF086;
	s6 =	sadd.s32 @!p0 s3, s7;
	s7 =	simm.s32 @!p0 $0x108  }
0x21: {  	s3 =	sadd.s32 s3, s9;
	s6 =	sadd.s32 @!p0 $0x88, s6;
	s7 =	simm.s32 @p2 $0x1082  }
0x22: {  	[simem:s7], [sflag:s8] =	dma.local @!p0 [hbm:s6], $0xF7A  }
0x23: {  	s9 =	sor.u32 $0xD0000000, s2;
	s6 =	simm.s32 $0x108;
	_ =	swait.ge @!p0 [sflag:s8], $0x0  }
0x24: {  	s3 =	sadd.s32 $0x88, s3;
	s6 =	simm.s32 @!p1 $0x1082;
	[sflag:s4] =	ssyncset.s32 $0xFFFFF086  }
0x25: {  	[simem:s6], [sflag:s4] =	dma.local [hbm:s3], $0xF7A  }
0x26: {  	[smem:$0x3F9E] =	sst s1;
	(tag) =	ssettag s2;
	_ =	strace s9  }
0x27: {  	s1 =	sld [smem:$0x3FAE]  }
0x28: {  	s2 =	sld [smem:$0x3FAF]  }
0x29: {  	s4 =	sld [smem:$0x3FB1]  }
0x2a: {  	p0 =	seq.s32 s5, $0x0;
	s5 =	sld [smem:$0x3FB2]  }
0x2b: {  	s6 =	sld [smem:$0x3FB3]  }
0x2c: {  	s7 =	sld [smem:$0x3FB4]  }
0x2d: {  	s3 =	simm.s32 $0x108;
	s8 =	sld [smem:$0x3FB5]  }
0x2e: {  	s3 =	simm.s32 @!p0 $0x1082;
	s9 =	sld [smem:$0x3FB6]  }
0x2f: {  	lr =	sadd.s32 s0, s3;
	s0 =	sld [smem:$0x3FAD]  }
0x30: {  	s3 =	sld [smem:$0x3FB0]  }
0x31: {  	[smem:$0x3FB9] =	sst s10  }
0x32: {  	s10 =	sld [smem:$0x3FB7];
	_ =	sdelay $0x3  }
0x33: {  	p0 =	seq.s32 s10, $0x1;
	s10 =	sld [smem:$0x3FB9];
	_ =	sdelay $0x3  }
0x34: {  	[smem:$0x3FB9] =	sst s10  }
0x35: {  	s10 =	sld [smem:$0x3FB8];
	_ =	sdelay $0x3  }
0x36: {  	p1 =	seq.s32 s10, $0x1;
	s10 =	sld [smem:$0x3FB9];
	_ =	sdelay $0x3  }
0x37: {  	[smem:$0x3FB9] =	sst s10  }
0x38: {  	s10 =	sld [smem:$0x3FBA]  }
0x39: {  	_ = 	snop;
	(pc) =	sbr.ind lr, $3  }
0x3a: {  	_ = 	snop  }
0x3b: {  	_ = 	snop  }
0x3c: {  	p2 =	seq.s32 s10, $0x1;
	s10 =	sld [smem:$0x3FB9]  }
0x3d: {  	_ =	shalt  }
0x3e: {  	_ =	shalt  }
0x3f: {  	_ =	shalt  }
0x40: {  	_ =	shalt  }
0x41: {  	_ =	shalt  }
0x42: {  	_ =	shalt  }
0x43: {  	_ =	shalt  }
0x44: {  	_ =	shalt  }
0x45: {  	_ =	shalt  }
0x46: {  	_ =	shalt  }
0x47: {  	_ =	shalt  }
0x48: {  	_ =	shalt  }
0x49: {  	_ =	shalt  }
0x4a: {  	_ =	shalt  }
0x4b: {  	_ =	shalt  }
0x4c: {  	_ =	shalt  }
0x4d: {  	_ =	shalt  }
0x4e: {  	_ =	shalt  }
0x4f: {  	_ =	shalt  }
0x50: {  	_ =	shalt  }
0x51: {  	_ =	shalt  }
0x52: {  	_ =	shalt  }
0x53: {  	_ =	shalt  }
0x54: {  	_ =	shalt  }
0x55: {  	_ =	shalt  }
0x56: {  	_ =	shalt  }
0x57: {  	_ =	shalt  }
0x58: {  	_ =	shalt  }
0x59: {  	_ =	shalt  }
0x5a: {  	_ =	shalt  }
0x5b: {  	_ =	shalt  }
0x5c: {  	_ =	shalt  }
0x5d: {  	_ =	shalt  }
0x5e: {  	_ =	shalt  }
0x5f: {  	_ =	shalt  }
0x60: {  	_ =	shalt  }
0x61: {  	_ =	shalt  }
0x62: {  	_ =	shalt  }
0x63: {  	_ =	shalt  }
0x64: {  	_ =	shalt  }
0x65: {  	_ =	shalt  }
0x66: {  	_ =	shalt  }
0x67: {  	_ =	shalt  }
0x68: {  	_ =	shalt  }
0x69: {  	_ =	shalt  }
0x6a: {  	_ =	shalt  }
0x6b: {  	_ =	shalt  }
0x6c: {  	_ =	shalt  }
0x6d: {  	_ =	shalt  }
0x6e: {  	_ =	shalt  }
0x6f: {  	_ =	shalt  }
0x70: {  	_ =	shalt  }
0x71: {  	_ =	shalt  }
0x72: {  	_ =	shalt  }
0x73: {  	_ =	shalt  }
0x74: {  	_ =	shalt  }
0x75: {  	_ =	shalt  }
0x76: {  	_ =	shalt  }
0x77: {  	_ =	shalt  }
0x78: {  	_ =	shalt  }
0x79: {  	_ =	shalt  }
0x7a: {  	_ =	shalt  }
0x7b: {  	_ =	shalt  }
0x7c: {  	_ =	shalt  }
0x7d: {  	_ =	shalt  }
0x7e: {  	_ =	shalt  }
0x7f: {  	_ =	shalt  }
0x80: {  	_ =	shalt  }
0x81: {  	_ =	shalt  }
0x82: {  	_ =	shalt  }
0x83: {  	_ =	shalt  }
0x84: {  	_ =	shalt  }
0x85: {  	_ =	shalt  }
0x86: {  	_ =	shalt  }
0x87: {  	_ =	shalt  }
.Lfunc_end0:
.L_simem_size_0:
called_computation_lowered:
.L_overlay_start_0:
0x88: {  	s2 =	sld [smem:$0x3FD9]  }
0x89: {  	s3 =	sld [smem:$0x3FFE];
	_ =	sdelay $0x1  }
0x8a: {  	s1 =	srdreg.scid  }
0x8b: {  	s0 =	sand.u32 $0x1, s1  }
0x8c: {  	s17 =	sshll.u32 s0, $0xA;
	s2 =	sadd.s32 s3, s2  }
0x8d: {  	s2 =	sadd.s32 s2, s17  }
0x8e: {  	[smem:$0x3FC5] =	sst s2  }
0x8f: {  	_ = 	snop  }
0x90: {  	s2 =	sld [smem:$0x3FC8]  }
0x91: {  	s18 =	sld [smem:$0x3FD0];
	(tm) =	ssettm $0x1  }
0x92: {  	s4 =	sld [smem:$0x3FFB];
	_ =	sdelay $0x3  }
0x93: {  	_ =	strace s4  }
0x94: {  	s4 =	sld [smem:$0x3FFC];
	_ =	sdelay $0x3  }
0x95: {  	_ =	strace s4  }
0x96: {  	s4 =	sld [smem:$0x3FFD];
	_ =	sdelay $0x3  }
0x97: {  	_ =	strace s4  }
0x98: {  	_ =	strace $0x8FFFFFFF  }
0x99: {  	s19 =	sld [smem:$0x3FDB];
	_ =	sdelay $0x1  }
0x9a: {  	s5 =	simm.s32 $_scs_section_size  }
0x9b: {  	s6 =	simm.s32 $_size__tile_overlayer_lowered;
	s7 =	simm.s32 $_tile_overlayer_lowered  }
0x9c: {  	s22 =	simm.s32 $0x1BFF;
	s21 =	sshll.u32 s7, $0x1;
	s4 =	sadd.s32 s5, s19  }
0x9d: {  	s8 =	simm.s32 $0x0;
	s20 =	sshll.u32 s6, $0x1;
	s6 =	sadd.s32 s21, s4  }
0x9e: {  	[timem:s8], [sflag:s22] =	dma.local [hbm:s6], s20  }
0x9f: {  	_ =	swait.ge [sflag:s22], s20  }
0xa0: {  	s5 =	ssub.s32 $0x0, s20;
	[sflag:s22] =	ssyncset.done $0x0  }
0xa1: {  	[sflag:s22] =	ssyncadd.s32 s5;
	_ =	sdelay $0x1  }
0xa2: {  	s23 =	simm.s32 $0x1B8B  }
0xa3: {  	_ =	swait.ge [sflag:s23], $0x1  }
0xa4: {  	[sflag:s23] =	ssyncset.done $0x0  }
0xa5: {  	s25 =	simm.s32 $0x1B8E;
	s24 =	sld [smem:$0x3FFE];
	[sflag:s23] =	ssyncadd.s32 $0xFFFFFFFF  }
0xa6: {  	s26 =	simm.s32 $execute0_lowered;
	[smem:$0x3FD2] =	sst s25  }
0xa7: {  	s6 =	sshll.u32 s26, $0x1;
	_ =	strace $0x80000046;
	[dreg:$0x1] =	wrdreg $0xFFFFFFFF  }
0xa8: {  	s28 =	simm.s32 $_size_execute0_lowered;
	s4 =	sadd.s32 s4, s6;
	[dreg:$0x0] =	wrdreg $0x0  }
0xa9: {  	s6 =	sshll.u32 s28, $0x1;
	[dreg:$0x2] =	wrdreg s4  }
0xaa: {  	[dreg:$0x3] =	wrdreg s6  }
0xab: {  	[dreg:$0x4] =	wrdreg $0xC0  }
0xac: {  	_ =	task [dreg:s8], $0x5FFFF  }
0xad: {  	[dreg:$0x1] =	wrdreg $0xFFFFFFFF  }
0xae: {  	[dreg:$0x0] =	wrdreg $0x60  }
0xaf: {  	[dreg:$0x2] =	wrdreg s24  }
0xb0: {  	[dreg:$0x3] =	wrdreg s2  }
0xb1: {  	[dreg:$0x4] =	wrdreg s18  }
0xb2: {  	[dreg:$0x5] =	wrdreg $0x9  }
0xb3: {  	_ =	task.clear_ibuf [dreg:s8], $0x6FFFF;
	_ =	strace $0x90000046  }
0xb4: {  	s29 =	simm.s32 $0x9;
	_ =	strace $0x80000048  }
0xb5: {  	_ =	swait.ge [sflag:s29], $0x1  }
0xb6: {  	[sflag:s29] =	ssyncadd.s32 $0xFFFFFFFF  }
0xb7: {  	_ =	strace $0x90000048  }
0xb8: {  	_ =	sfence  }
0xb9: {  	s30 =	sld [smem:$0x0];
	_ =	sdelay $0x2  }
0xba: {  	s31 =	sshll.u32 s1, $0xD;
	s1 =	sshrl.u32 s1, $0x2  }
0xbb: {  	s3 =	sand.u32 $0x4000, s31;
	s1 =	sadd.s32 s1, s30  }
0xbc: {  	s0 =	sor.u32 s3, s0;
	s1 =	sshll.u32 s1, $0x11  }
0xbd: {  	s0 =	sor.u32 s1, s0  }
0xbe: {  	s0 =	sadd.s32 $0x8F2B, s0  }
0xbf: {  	[sflag:s0] =	ssyncadd.remote.s32 $0x1  }
0xc0: {  	_ =	sfence.sel $0xFFFF  }
0xc1: {  	[dreg:$0x0] =	wrdreg $0xFFFFFFFF;
	(pc) =	sbr.abs _section_cstart, $3  }
0xc2: {  	[dreg:$0x1] =	wrdreg $0xFFFFFFFF  }
0xc3: {  	_ =	task.clear_ibuf [dreg:s8], $0x2FFFF;
	_ =	strace $0x9FFFFFFF  }
0xc4: {  	(tm) =	ssettm $0x7FFFFFFF  }
0xc5: {  	_ =	shalt  }
tec
execute0_lowered:
.L_overlay_start_1:
0x0: {  	(tag) =	ssettag $0x1  }
0x1: {  	s1 =	srdreg.scid;
	s2 =	stileid.u32  }
0x2: {  	s1 =	sand.u32 $0x1, s1;
	s2 =	sshll.u32 s2, $0x1  }
0x3: {  	s0 =	rddreg [dreg:$0x0];
	s3 =	simm.s32 $0x0;
	s2 =	sor.u32 s1, s2  }
0x4: {  	[smem:$0x7FF] =	sst s3;
	s1 =	ssub.s32 $0x2, s1;
	s28 =	smul.u32 $0x320, s2  }
0x5: {  	_ =	strace $0x80000047;
	s29 =	sshrl.u32 s1, $0x1;
	s30 =	sshll.u32 s2, $0x7  }
0x6: {  	[dreg:$0x7] =	wrdreg s30;
	s3 =	sadd.s32 s28, s0;
	s0 =	sadd.s32 $0x6A00, s0  }
0x7: {  	[dreg:$0x6] =	wrdreg s0;
	s0 =	ssub.s32 s1, s29;
	s31 =	sadd.s32 $0x600, s3  }
0x8: {  	[dreg:$0x8] =	wrdreg s31;
	s0 =	smax.u32 s0, $0x1  }
0x9: {  	s4 =	simm.s32 $0x0;
	v0 =	vimm.s32 $0x0;
	s2 =	simm.s32 $0x0;
	[dreg:$0x9] =	wrdreg s0  }
.LBB2_1:
0xa: {  	[dreg:$0xa] =	wrdreg s2  }
0xb: {  	s0 =	rddreg [dreg:$0x8];
	s31 =	simm.s32 $0x9  }
0xc: {  	[tilespmem:s4], [sflag:$0x9] =	stream.linear.gather [hbm4b:s0+s4], $0x1900, $0x38;
	[tilespmem:$0x16380] =	vst v63  }
0xd: {  	_ =	swait.ge [sflag:s31], $0x1900  }
0xe: {  	[sflag:s31] =	ssyncset.done $0x0  }
0xf: {  	[sflag:s31] =	ssyncadd.s32 $0xFFFFE700  }
0x10: {  	v1 =	vld [tilespmem:$0x0];
	_ =	sdelay $0x3  }
0x11: {  	v2 =	vld [tilespmem:$0x10]  }
0x12: {  	[tilespmem:$0x1900] =	vst v0;
	v3 =	vshra.s32 v1, $0x2  }
0x13: {  	[tilespmem:$0x1980] =	vst v3;
	v3 =	vld [tilespmem:$0x20]  }
0x14: {  	[tilespmem:$0x1910] =	vst v0  }
0x15: {  	[tilespmem:$0x1920] =	vst v0;
	v1 =	vshra.s32 v1, $0x5  }
0x16: {  	[tilespmem:$0x1A80] =	vst v1;
	v1 =	vshra.s32 v2, $0x2  }
0x17: {  	[tilespmem:$0x1990] =	vst v1;
	v1 =	vshra.s32 v2, $0x5  }
0x18: {  	[tilespmem:$0x1A90] =	vst v1;
	v1 =	vshra.s32 v3, $0x2  }
0x19: {  	[tilespmem:$0x19A0] =	vst v1;
	v1 =	vld [tilespmem:$0x30]  }
0x1a: {  	[tilespmem:$0x1930] =	vst v0  }
0x1b: {  	[tilespmem:$0x1940] =	vst v0  }
0x1c: {  	[tilespmem:$0x1950] =	vst v0  }
0x1d: {  	[tilespmem:$0x1960] =	vst v0;
	v2 =	vshra.s32 v3, $0x5  }
0x1e: {  	[tilespmem:$0x1AA0] =	vst v2;
	v2 =	vshra.s32 v1, $0x2  }
0x1f: {  	v1 =	vshra.s32 v1, $0x5;
	[tilespmem:$0x19B0] =	vst v2  }
0x20: {  	s0 =	simm.s32 $0x0;
	[tilespmem:$0x1AB0] =	vst v1  }
.LBB2_2:
0x21: {  	s1 =	sshra.s32 s0, $0x2  }
0x22: {  	v1 =	vld [tilespmem:s1+$0x40];
	_ =	sdelay $0x1  }
0x23: {  	p0 =	sne.s32 s0, $0x80  }
.Ltmp0:
0x24: {  	_ = 	snop;
	(pc) =	sbr.rel @p0 .LBB2_2-.Ltmp0, $4  }
0x25: {  	_ = 	snop  }
0x26: {  	v2 =	vshra.s32 v1, $0x2  }
0x27: {  	v1 =	vshra.s32 v1, $0x5;
	[tilespmem:s1+$0x19C0] =	vst v2  }
0x28: {  	s0 =	sadd.s32 $0x40, s0;
	[tilespmem:s1+$0x1AC0] =	vst v1  }
0x29: {  	s0 =	rddreg [dreg:$0x1];
	s1 =	simm.s32 $0x70  }
0x2a: {  	s2 =	simm.s32 $0x1980;
	s3 =	simm.s32 $0x1B80;
	s25 =	rddreg [dreg:$0x2]  }
0x2b: {  	s26 =	simm.s32 $0x1A80;
	s28 =	simm.s32 $0x8B80;
	s29 =	simm.s32 $0x108  }
0x2c: {  	[tilespmem:s3], [sflag:$0x1] =	stream.indirect.gather [hbm4b:s0+s1], $0x80, s2, s1, $0xb8;
	[tilespmem:$0x16380] =	vst v63  }
0x2d: {  	s30 =	simm.s32 $0x0;
	s31 =	simm.s32 $0x67;
	[dreg:$0xe] =	wrdreg s29  }
0x2e: {  	s5 =	simm.s32 $0x2;
	s2 =	simm.s32 $0xA4;
	[dreg:$0xf] =	wrdreg s31  }
0x2f: {  	[tilespmem:s28], [sflag:$0x3] =	stream.indirect.gather [hbm4b:s25+s1], $0x80, s26, s1, $0xb8;
	[tilespmem:$0x16380] =	vst v63  }
.LBB2_4:
0x30: {  	s0 =	simm.s32 $0x1  }
0x31: {  	_ =	swait.ge [sflag:s0], $0x3800  }
0x32: {  	[sflag:s0] =	ssyncset.done $0x0  }
0x33: {  	s1 =	sshllo.u32 s30, $0x1;
	s31 =	simm.s32 $0x3;
	[sflag:s0] =	ssyncadd.s32 $0xFFFFC800  }
0x34: {  	_ =	swait.ge [sflag:s31], $0x3800;
	[dreg:$0x10] =	wrdreg s1;
	s1 =	smul.u32 $0x190, s1  }
0x35: {  	[sflag:s31] =	ssyncset.done $0x0  }
0x36: {  	[sflag:s31] =	ssyncadd.s32 $0xFFFFC800;
	s1 =	sshra.s32 s1, $0x2  }
0x37: {  	v1 =	vld [tilespmem:s1+$0x0]  }
0x38: {  	v2 =	vld [tilespmem:s1+$0x10];
	_ =	sdelay $0x1  }
0x39: {  	v3 =	vld [tilespmem:s1+$0x20];
	_ =	sdelay $0x1  }
0x3a: {  	v63 =	vld [tilespmem:s1+$0x30];
	v4 =	vshra.s32 v1, $0x2;
	v1 =	vshra.s32 v1, $0x5  }
0x3b: {  	[tilespmem:$0x1B00] =	vst v1;
	v1 =	vshra.s32 v2, $0x2  }
0x3c: {  	[tilespmem:$0x1A10] =	vst v1;
	v1 =	vshra.s32 v2, $0x5  }
0x3d: {  	[tilespmem:$0x1B10] =	vst v1;
	v1 =	vshra.s32 v3, $0x2  }
0x3e: {  	[tilespmem:$0x1A20] =	vst v1;
	v1 =	vshra.s32 v3, $0x5  }
0x3f: {  	[tilespmem:$0x1B20] =	vst v1;
	v1 =	vshra.s32 v63, $0x2  }
0x40: {  	[tilespmem:$0x1A30] =	vst v1;
	v1 =	vshra.s32 v63, $0x5  }
0x41: {  	[tilespmem:$0x1B30] =	vst v1;
	v1 =	vmov s2;
	_ =	sdelay $0x2  }
0x42: {  	[dreg:$0xc] =	wrdreg s2;
	s1 =	simm.s32 $0x0;
	[tilespmem:$0x1A00] =	vst v4  }
.LBB2_5:
0x43: {  	s2 =	sshra.s32 s1, $0x2  }
0x44: {  	v2 =	vld.idx.msk [tilespmem:v1+s2+$0x0 ss:$0x1], $0xffff;
	_ =	sdelay $0x1  }
0x45: {  	p0 =	sne.s32 s1, $0x80  }
.Ltmp1:
0x46: {  	_ = 	snop;
	(pc) =	sbr.rel @p0 .LBB2_5-.Ltmp1, $4  }
0x47: {  	_ = 	snop  }
0x48: {  	v3 =	vshra.s32 v2, $0x2  }
0x49: {  	v2 =	vshra.s32 v2, $0x5;
	[tilespmem:s2+$0x1A40] =	vst v3  }
0x4a: {  	s1 =	sadd.s32 $0x40, s1;
	[tilespmem:s2+$0x1B40] =	vst v2  }
0x4b: {  	s0 =	rddreg [dreg:$0x1];
	s1 =	simm.s32 $0x70  }
0x4c: {  	s2 =	simm.s32 $0x1A00;
	s3 =	simm.s32 $0x5380;
	s9 =	rddreg [dreg:$0x2]  }
0x4d: {  	[tilespmem:s3], [sflag:$0x2] =	stream.indirect.gather [hbm4b:s0+s1], $0x80, s2, s1, $0xb8;
	[tilespmem:$0x16380] =	vst v63  }
0x4e: {  	s10 =	simm.s32 $0x1B00;
	s11 =	simm.s32 $0xC380;
	p0 =	seq.s32 s30, $0x0  }
0x4f: {  	[tilespmem:s11], [sflag:$0x4] =	stream.indirect.gather [hbm4b:s9+s1], $0x80, s10, s1, $0xb8;
	[tilespmem:$0x16380] =	vst v63  }
0x50: {  	s1 =	simm.s32 @!p0 $0x5  }
0x51: {  	_ =	swait.ge @!p0 [sflag:s1], $0x1900  }
0x52: {  	[sflag:s1] =	ssyncset.done @!p0 $0x0  }
0x53: {  	[sflag:s1] =	ssyncadd.s32 @!p0 $0xFFFFE700;
	s1 =	simm.s32 @!p0 $0x6  }
0x54: {  	_ =	swait.ge @!p0 [sflag:s1], $0x1900  }
0x55: {  	[sflag:s1] =	ssyncset.done @!p0 $0x0  }
0x56: {  	[sflag:s1] =	ssyncadd.s32 @!p0 $0xFFFFE700  }
0x57: {  	v1 =	vld [tilespmem:s5+$0x1]  }
0x58: {  	v2 =	vld [tilespmem:s5+$0x0];
	_ =	sdelay $0x1  }
0x59: {  	v3 =	vld [tilespmem:s5+$0xFFFFFFFF];
	_ =	sdelay $0x1  }
0x5a: {  	(v2sf) =	vpush v1, $0x0  }
0x5b: {  	(v2sf) =	vpush v2, $0x0  }
0x5c: {  	v1 =	vld [tilespmem:s5+$0xFFFFFFFE]  }
0x5d: {  	(v2sf) =	vpush v3, $0x0;
	_ =	sdelay $0x3  }
0x5e: {  	(v2sf) =	vpush v1, $0x0;
	_ =	sdelay $0x4  }
0x5f: {  	s2 =	sadd.s32 $0x4, s5;
	[dreg:$0xd] =	wrdreg s5  }
0x60: {  	v1 =	vld [tilespmem:s2+$0x1]  }
0x61: {  	v2 =	vld [tilespmem:s2+$0x0]  }
0x62: {  	s16 =	simm.s32 $0x1C80;
	s12 =	spop (v2sf)  }
0x63: {  	v3 =	vld [tilespmem:s2+$0xFFFFFFFF];
	s13 =	spop (v2sf);
	s14 =	sxor.u32 $0xFFFFFFFF, s12;
	s1 =	sshll.u32 s12, $0x2  }
0x64: {  	v4 =	vld [tilespmem:s2+$0xFFFFFFFE];
	s4 =	sshll.u32 s13, $0x2;
	s5 =	sshll.u32 s14, $0x3;
	s1 =	sand.u32 $0x7C, s1  }
0x65: {  	(v2sf) =	vpush v1, $0x0;
	v1 =	vld [tilespmem:s16+$0x0];
	s3 =	sxor.u32 $0xFFFFFFFF, s13;
	s7 =	spop (v2sf);
	s4 =	sand.u32 $0x7C, s4  }
0x66: {  	(v2sf) =	vpush v2, $0x0;
	v2 =	vld [tilespmem:s16+$0x80];
	s9 =	smin.u32 s1, $0x70;
	s11 =	sxor.u32 $0xFFFFFFFF, s7;
	s7 =	sshll.u32 s7, $0x2  }
0x67: {  	v5 =	vld [tilespmem:s16+$0xFFFFFF80];
	s3 =	sshll.u32 s3, $0x3;
	s6 =	smin.u32 s4, $0x70;
	s7 =	sand.u32 $0x7C, s7  }
0x68: {  	(v2sf) =	vpush v3, $0x0;
	s12 =	sadd.s32 $0x8B80, s9;
	s8 =	sadd.s32 $0x8B80, s6;
	s13 =	smin.u32 s7, $0x70  }
0x69: {  	s10 =	sand.u32 $0x18, s3;
	s15 =	spop (v2sf);
	(v2sf) =	vpush v4, $0x0;
	v17 =	vld [tilespmem:s8+$0x100];
	s17 =	sadd.s32 $0x8B80, s13  }
0x6a: {  	s19 =	sshll.u32 s11, $0x3;
	s4 =	ssub.s32 s4, s6;
	s6 =	sand.u32 $0x18, s5;
	v3 =	vld [tilespmem:s17+$0x80]  }
0x6b: {  	v20 =	vld [tilespmem:s12+$0x180];
	v1 =	vshll.u32 v1, s10;
	s23 =	sand.u32 $0x18, s19;
	s18 =	sshll.u32 s15, $0x2;
	v2 =	vshll.u32 v2, s6  }
0x6c: {  	v1 =	vshra.s32 v1, $0x18;
	s20 =	sand.u32 $0x7C, s18;
	v7 =	vshra.s32 v2, $0x18;
	v2 =	vshll.u32 v5, s23  }
0x6d: {  	v4 =	vld [tilespmem:s16+$0xFFFFFF00];
	v24 =	vmov s4;
	s7 =	ssub.s32 s7, s13;
	v1 =	vcvt.s32.f32 v1;
	s21 =	smin.u32 s20, $0x70;
	v5 =	vshra.s32 v2, $0x18  }
0x6e: {  	s1 =	ssub.s32 s1, s9;
	v2 =	vmov s7;
	v7 =	vcvt.s32.f32 v7;
	s22 =	sadd.s32 $0x8B80, s21;
	v6 =	vperm.xlane v17, v24  }
0x6f: {  	v26 =	vmov s1;
	s8 =	sxor.u32 $0xFFFFFFFF, s15;
	v5 =	vcvt.s32.f32 v5;
	v21 =	vld [tilespmem:s22+$0x0];
	v9 =	vperm.xlane v3, v2  }
0x70: {  	s24 =	sshll.u32 s8, $0x3;
	v8 =	vperm.xlane v20, v26;
	v1 =	vmul.f32 v1, v6  }
0x71: {  	s1 =	simm.s32 $0xFC80;
	s15 =	sand.u32 $0x18, s24;
	v5 =	vmul.f32 v5, v9  }
0x72: {  	s3 =	ssub.s32 s20, s21;
	[tilespmem:s1+$0x0] =	vst v1;
	v1 =	vshll.u32 v4, s15;
	v4 =	vmul.f32 v7, v8  }
0x73: {  	v11 =	vmov s3;
	v7 =	vld [tilespmem:s16+$0x10];
	v1 =	vshra.s32 v1, $0x18;
	[tilespmem:s1+$0xFFFFFF80] =	vst v5  }
0x74: {  	s3 =	spop (v2sf);
	v1 =	vcvt.s32.f32 v1;
	[tilespmem:s1+$0x80] =	vst v4;
	v4 =	vperm.xlane v21, v11  }
0x75: {  	s25 =	spop (v2sf);
	v12 =	vld [tilespmem:s16+$0xFFFFFF90]  }
0x76: {  	s26 =	sshll.u32 s25, $0x2;
	v10 =	vld [tilespmem:s16+$0x90];
	v1 =	vmul.f32 v1, v4  }
0x77: {  	s13 =	simm.s32 $0x1E80;
	s4 =	spop (v2sf);
	s7 =	sand.u32 $0x7C, s26  }
0x78: {  	s0 =	smin.u32 s7, $0x70;
	s31 =	spop (v2sf);
	v5 =	vshll.u32 v7, s10;
	[tilespmem:s1+$0xFFFFFF00] =	vst v1;
	v7 =	vld [tilespmem:s13+$0x0]  }
0x79: {  	s19 =	sadd.s32 $0x8D80, s0;
	s18 =	sshll.u32 s31, $0x2;
	v1 =	vshra.s32 v5, $0x18;
	v14 =	vld [tilespmem:s16+$0xFFFFFF10]  }
0x7a: {  	s2 =	sadd.s32 $0x4, s2;
	v40 =	vor.u32 $0x2, v24;
	v13 =	vor.u32 $0x2, v2;
	s5 =	sxor.u32 $0xFFFFFFFF, s25;
	s11 =	sand.u32 $0x7C, s18;
	v5 =	vld [tilespmem:s19+$0x100];
	v1 =	vcvt.s32.f32 v1  }
0x7b: {  	v16 =	vld [tilespmem:s13+$0xFFFFFF00];
	v15 =	vor.u32 $0x1, v11;
	s14 =	sshll.u32 s3, $0x2;
	s5 =	sshll.u32 s5, $0x3;
	v12 =	vshll.u32 v12, s23;
	v10 =	vshll.u32 v10, s6;
	s17 =	smin.u32 s11, $0x70  }
0x7c: {  	v25 =	vld [tilespmem:s13+$0xFFFFFF80];
	s24 =	sshll.u32 s4, $0x2;
	s12 =	sand.u32 $0x18, s5;
	s20 =	sadd.s32 $0x8D80, s17;
	v1 =	vmul.f32 v1, v6;
	v6 =	vshra.s32 v10, $0x18;
	v10 =	vshra.s32 v12, $0x18  }
0x7d: {  	v27 =	vor.u32 $0x3, v11;
	s9 =	sand.u32 $0x7C, s24;
	s7 =	ssub.s32 s7, s0;
	s8 =	sxor.u32 $0xFFFFFFFF, s31;
	v12 =	vcvt.s32.f32 v6;
	v18 =	vcvt.s32.f32 v10;
	v6 =	vld [tilespmem:s20+$0x0]  }
0x7e: {  	s21 =	sand.u32 $0x7C, s14;
	s8 =	sshll.u32 s8, $0x3;
	s19 =	smin.u32 s9, $0x70;
	v10 =	vmov s7;
	[tilespmem:s1+$0x10] =	vst v1;
	v1 =	vshll.u32 v7, s12;
	v7 =	vshll.u32 v14, s15  }
0x7f: {  	v32 =	vld [tilespmem:s2+$0xFFFFFFFF];
	s4 =	sxor.u32 $0xFFFFFFFF, s4;
	s22 =	sand.u32 $0x18, s8;
	s31 =	sadd.s32 $0x8D80, s19;
	v23 =	vperm.xlane v5, v10;
	v1 =	vshra.s32 v1, $0x18;
	v7 =	vshra.s32 v7, $0x18  }
0x80: {  	s25 =	smin.u32 s21, $0x70;
	s4 =	sshll.u32 s4, $0x3;
	s11 =	ssub.s32 s11, s17;
	v33 =	vld [tilespmem:s31+$0x80];
	v8 =	vmul.f32 v12, v8;
	v22 =	vcvt.s32.f32 v7;
	v7 =	vshll.u32 v16, s22  }
0x81: {  	s26 =	sadd.s32 $0x8D80, s25;
	s17 =	sand.u32 $0x18, s4;
	v14 =	vld [tilespmem:s13+$0x80];
	v1 =	vcvt.s32.f32 v1;
	v16 =	vmov s11;
	v7 =	vshra.s32 v7, $0x18  }
0x82: {  	v25 =	vshll.u32 v25, s17;
	v12 =	vld [tilespmem:s26+$0x180];
	v29 =	vcvt.s32.f32 v7;
	v30 =	vperm.xlane v6, v16  }
0x83: {  	s3 =	sxor.u32 $0xFFFFFFFF, s3;
	v9 =	vmul.f32 v18, v9;
	v28 =	vmul.f32 v1, v23;
	v7 =	vor.u32 $0x2, v11;
	v11 =	vld [tilespmem:s2+$0x1]  }
0x84: {  	s3 =	sshll.u32 s3, $0x3;
	v25 =	vshra.s32 v25, $0x18;
	s11 =	simm.s32 $0xFE80;
	v4 =	vmul.f32 v22, v4;
	v22 =	vmul.f32 v29, v30;
	v29 =	vld [tilespmem:s2+$0x0]  }
0x85: {  	v40 =	vperm.xlane v17, v40;
	s18 =	sand.u32 $0x18, s3;
	v25 =	vcvt.s32.f32 v25;
	v19 =	vld [tilespmem:s16+$0x20];
	v18 =	vor.u32 $0x1, v24;
	[tilespmem:s11+$0x0] =	vst v28  }
0x86: {  	s0 =	ssub.s32 s21, s25;
	v24 =	vor.u32 $0x3, v24;
	v18 =	vperm.xlane v17, v18;
	[tilespmem:s1+$0xFFFFFF90] =	vst v9;
	v14 =	vshll.u32 v14, s18;
	v28 =	vld [tilespmem:s13+$0x10]  }
0x87: {  	[tilespmem:s1+$0x90] =	vst v8;
	v8 =	vor.u32 $0x1, v16;
	v31 =	vshra.s32 v14, $0x18;
	v14 =	vmov s0  }
0x88: {  	v35 =	vld [tilespmem:s2+$0xFFFFFFFE];
	s4 =	ssub.s32 s9, s19;
	v1 =	vor.u32 $0x3, v2;
	[tilespmem:s1+$0xFFFFFF10] =	vst v4;
	v4 =	vperm.xlane v12, v14;
	(v2sf) =	vpush v11, $0x0  }
0x89: {  	v31 =	vcvt.s32.f32 v31;
	v9 =	vld [tilespmem:s16+$0xFFFFFF20];
	[tilespmem:s11+$0xFFFFFF00] =	vst v22;
	v22 =	vmov s4;
	(v2sf) =	vpush v29, $0x0  }
0x8a: {  	v2 =	vor.u32 $0x1, v2;
	v34 =	vld [tilespmem:s13+$0xFFFFFF10];
	v36 =	vperm.xlane v33, v22;
	v11 =	vshll.u32 v19, s10  }
0x8b: {  	v19 =	vmul.f32 v31, v4;
	v28 =	vshll.u32 v28, s12;
	(v2sf) =	vpush v32, $0x0  }
0x8c: {  	v1 =	vperm.xlane v3, v1;
	v31 =	vld [tilespmem:s16+$0xFFFFFFA0];
	v25 =	vmul.f32 v25, v36;
	v28 =	vshra.s32 v28, $0x18  }
0x8d: {  	v29 =	vshra.s32 v11, $0x18;
	[tilespmem:s11+$0x80] =	vst v19;
	(v2sf) =	vpush v35, $0x0;
	v19 =	vcvt.s32.f32 v28  }
0x8e: {  	v11 =	vperm.xlane v21, v15;
	v15 =	vcvt.s32.f32 v29;
	v9 =	vshll.u32 v9, s15;
	[tilespmem:s11+$0xFFFFFF80] =	vst v25;
	v28 =	vld [tilespmem:s13+$0x90]  }
0x8f: {  	v9 =	vshra.s32 v9, $0x18;
	v25 =	vshll.u32 v34, s22;
	v29 =	vld [tilespmem:s13+$0xFFFFFF90];
	v19 =	vmul.f32 v19, v23  }
0x90: {  	v38 =	vperm.xlane v3, v2;
	v9 =	vcvt.s32.f32 v9;
	v23 =	vshra.s32 v25, $0x18  }
0x91: {  	v37 =	vmul.f32 v15, v18;
	v15 =	vcvt.s32.f32 v23;
	v23 =	vshll.u32 v31, s23;
	[tilespmem:s11+$0x10] =	vst v19  }
0x92: {  	v35 =	vor.u32 $0x2, v22;
	v9 =	vmul.f32 v9, v11;
	v23 =	vshra.s32 v23, $0x18;
	v19 =	vld [tilespmem:s13+$0x20]  }
0x93: {  	v15 =	vmul.f32 v15, v30;
	v25 =	vshll.u32 v28, s18;
	v2 =	vcvt.s32.f32 v23  }
0x94: {  	v30 =	vor.u32 $0x2, v16;
	v23 =	vshra.s32 v25, $0x18;
	v25 =	vshll.u32 v29, s17  }
0x95: {  	v39 =	vld [tilespmem:s16+$0xA0];
	[tilespmem:s11+$0xFFFFFF10] =	vst v15;
	v23 =	vcvt.s32.f32 v23;
	v15 =	vshra.s32 v25, $0x18;
	v2 =	vmul.f32 v2, v38  }
0x96: {  	s19 =	simm.s32 $0x2080;
	v28 =	vperm.xlane v6, v8;
	v29 =	vld [tilespmem:s13+$0xFFFFFF20];
	v25 =	vcvt.s32.f32 v15;
	v15 =	vor.u32 $0x3, v16  }
0x97: {  	v8 =	vld [tilespmem:s19+$0x80];
	v34 =	vmul.f32 v23, v4;
	[tilespmem:s1+$0xFFFFFFA0] =	vst v2;
	v2 =	vor.u32 $0x1, v10;
	v4 =	vshll.u32 v19, s12;
	s5 =	spop (v2sf)  }
0x98: {  	[tilespmem:s1+$0xFFFFFF20] =	vst v9;
	v23 =	vor.u32 $0x3, v22;
	v19 =	vld [tilespmem:s16+$0xFFFFFFB0];
	v31 =	vperm.xlane v5, v2;
	v4 =	vshra.s32 v4, $0x18;
	s7 =	sxor.u32 $0xFFFFFFFF, s5;
	s3 =	sshll.u32 s5, $0x2;
	s14 =	spop (v2sf)  }
0x99: {  	v16 =	vld [tilespmem:s16+$0xFFFFFF30];
	v2 =	vperm.xlane v33, v23;
	v23 =	vor.u32 $0x1, v26;
	v4 =	vcvt.s32.f32 v4;
	s4 =	sshll.u32 s7, $0x3;
	s8 =	sand.u32 $0x7C, s3;
	s3 =	sxor.u32 $0xFFFFFFFF, s14  }
0x9a: {  	v56 =	vld [tilespmem:s19+$0x0];
	v25 =	vmul.f32 v25, v36;
	v55 =	vperm.xlane v20, v23;
	[tilespmem:s11+$0x90] =	vst v34;
	v34 =	vor.u32 $0x2, v10;
	s21 =	sand.u32 $0x18, s4;
	s20 =	spop (v2sf);
	s24 =	smin.u32 s8, $0x70  }
0x9b: {  	v9 =	vshll.u32 v29, s22;
	s7 =	sshll.u32 s14, $0x2;
	v32 =	vmul.f32 v4, v31;
	v4 =	vshll.u32 v39, s6;
	s25 =	sshll.u32 s20, $0x2;
	s4 =	sxor.u32 $0xFFFFFFFF, s20  }
0x9c: {  	v29 =	vld [tilespmem:s19+$0xFFFFFF80];
	v9 =	vshra.s32 v9, $0x18;
	s20 =	sadd.s32 $0x8F80, s24;
	s5 =	ssub.s32 s8, s24;
	v8 =	vshll.u32 v8, s21;
	s0 =	spop (v2sf);
	v4 =	vshra.s32 v4, $0x18  }
0x9d: {  	v43 =	vld [tilespmem:s19+$0xFFFFFF00];
	s7 =	sand.u32 $0x7C, s7;
	s3 =	sshll.u32 s3, $0x3;
	v19 =	vshll.u32 v19, s23;
	v9 =	vcvt.s32.f32 v9;
	s9 =	sand.u32 $0x7C, s25;
	v42 =	vshra.s32 v8, $0x18  }
0x9e: {  	[tilespmem:s1+$0x20] =	vst v37;
	s4 =	sshll.u32 s4, $0x3;
	v8 =	vshll.u32 v16, s15;
	s24 =	sxor.u32 $0xFFFFFFFF, s0;
	s29 =	sand.u32 $0x18, s3;
	v23 =	vcvt.s32.f32 v4;
	v4 =	vshra.s32 v19, $0x18  }
0x9f: {  	v19 =	vld [tilespmem:s16+$0x30];
	s26 =	smin.u32 s9, $0x70;
	s28 =	sand.u32 $0x18, s4;
	v8 =	vshra.s32 v8, $0x18;
	s14 =	sshll.u32 s24, $0x3;
	v42 =	vcvt.s32.f32 v42;
	v39 =	vshll.u32 v56, s29  }
0xa0: {  	v41 =	vcvt.s32.f32 v4;
	v4 =	vld [tilespmem:s20+$0x180];
	v36 =	vmul.f32 v9, v28;
	s31 =	sadd.s32 $0x8F80, s26;
	s20 =	sshll.u32 s0, $0x2;
	v9 =	vmov s5;
	s5 =	smin.u32 s7, $0x70  }
0xa1: {  	s8 =	ssub.s32 s9, s26;
	s26 =	sand.u32 $0x18, s14;
	v39 =	vshra.s32 v39, $0x18;
	v23 =	vmul.f32 v23, v55;
	v16 =	vld [tilespmem:s31+$0x80];
	v29 =	vshll.u32 v29, s28;
	s4 =	sadd.s32 $0x8F80, s5  }
0xa2: {  	s20 =	sand.u32 $0x7C, s20;
	v43 =	vshll.u32 v43, s26;
	s31 =	sadd.s32 $0x4, s2;
	v41 =	vmul.f32 v41, v38;
	v38 =	vperm.xlane v21, v7;
	v7 =	vld [tilespmem:s4+$0x100]  }
0xa3: {  	v39 =	vcvt.s32.f32 v39;
	s25 =	smin.u32 s20, $0x70;
	v43 =	vshra.s32 v43, $0x18;
	v53 =	vld [tilespmem:s31+$0x1];
	[tilespmem:s1+$0xA0] =	vst v23;
	v23 =	vcvt.s32.f32 v8  }
0xa4: {  	v8 =	vshra.s32 v29, $0x18;
	s0 =	sadd.s32 $0x8F80, s25;
	v43 =	vcvt.s32.f32 v43;
	v29 =	vld [tilespmem:s16+$0xB0];
	v19 =	vshll.u32 v19, s10  }
0xa5: {  	[tilespmem:s1+$0xFFFFFFB0] =	vst v41;
	v45 =	vperm.xlane v4, v9;
	v57 =	vmul.f32 v23, v11;
	v23 =	vmov s8;
	v11 =	vld [tilespmem:s0+$0x0]  }
0xa6: {  	s7 =	ssub.s32 s7, s5;
	v44 =	vcvt.s32.f32 v8;
	v47 =	vld [tilespmem:s16+$0xFFFFFFC0];
	v19 =	vshra.s32 v19, $0x18;
	v46 =	vperm.xlane v16, v23  }
0xa7: {  	s5 =	ssub.s32 s20, s25;
	v8 =	vmov s7;
	v19 =	vcvt.s32.f32 v19;
	v42 =	vmul.f32 v42, v45  }
0xa8: {  	v48 =	vmov s5;
	s0 =	simm.s32 $0x10080;
	[tilespmem:s1+$0xFFFFFF30] =	vst v57;
	v41 =	vperm.xlane v7, v8;
	v58 =	vmul.f32 v44, v46  }
0xa9: {  	(v2sf) =	vpush v53, $0x0;
	v60 =	vld [tilespmem:s16+$0xFFFFFF40];
	v18 =	vmul.f32 v19, v18;
	v29 =	vshll.u32 v29, s6;
	[tilespmem:s0+$0x80] =	vst v42  }
0xaa: {  	v39 =	vmul.f32 v39, v41;
	v29 =	vshra.s32 v29, $0x18;
	v59 =	vld [tilespmem:s19+$0x90];
	[tilespmem:s0+$0xFFFFFF80] =	vst v58;
	v49 =	vperm.xlane v11, v48  }
0xab: {  	v47 =	vshll.u32 v47, s23;
	[tilespmem:s1+$0x30] =	vst v18;
	v18 =	vor.u32 $0x2, v48;
	v29 =	vcvt.s32.f32 v29  }
0xac: {  	v58 =	vor.u32 $0x2, v26;
	v26 =	vor.u32 $0x3, v26;
	v50 =	vld [tilespmem:s19+$0xFFFFFF90];
	v61 =	vshra.s32 v47, $0x18;
	[tilespmem:s0+$0x0] =	vst v39  }
0xad: {  	v39 =	vperm.xlane v3, v13;
	v47 =	vor.u32 $0x1, v48;
	v62 =	vld [tilespmem:s19+$0x10];
	v29 =	vmul.f32 v29, v55  }
0xae: {  	v63 =	vld [tilespmem:s16+$0x40];
	v37 =	vcvt.s32.f32 v61;
	v3 =	vmul.f32 v43, v49;
	v42 =	vshll.u32 v60, s15  }
0xaf: {  	v13 =	vor.u32 $0x3, v48;
	v42 =	vshra.s32 v42, $0x18;
	[tilespmem:s1+$0xB0] =	vst v29;
	v29 =	vshll.u32 v59, s21  }
0xb0: {  	v37 =	vmul.f32 v37, v39;
	[tilespmem:s0+$0xFFFFFF00] =	vst v3;
	v42 =	vcvt.s32.f32 v42;
	v29 =	vshra.s32 v29, $0x18  }
0xb1: {  	v57 =	vld [tilespmem:s19+$0xFFFFFF10];
	v55 =	vshll.u32 v50, s28;
	v50 =	vor.u32 $0x1, v22;
	v3 =	vcvt.s32.f32 v29  }
0xb2: {  	[tilespmem:s11+$0xFFFFFF90] =	vst v25;
	v56 =	vld [tilespmem:s16+$0xC0];
	v29 =	vshra.s32 v55, $0x18;
	v43 =	vshll.u32 v62, s29;
	v42 =	vmul.f32 v42, v38  }
0xb3: {  	v59 =	vld [tilespmem:s31+$0x0];
	[tilespmem:s1+$0xFFFFFFC0] =	vst v37;
	v62 =	vshll.u32 v63, s10;
	v51 =	vcvt.s32.f32 v29;
	v25 =	vshra.s32 v43, $0x18  }
0xb4: {  	v52 =	vld [tilespmem:s16+$0xFFFFFFD0];
	v29 =	vmul.f32 v3, v45;
	v3 =	vor.u32 $0x3, v23;
	v45 =	vperm.xlane v20, v58  }
0xb5: {  	v60 =	vld [tilespmem:s31+$0xFFFFFFFF];
	v25 =	vcvt.s32.f32 v25;
	[tilespmem:s1+$0xFFFFFF40] =	vst v42;
	v42 =	vshra.s32 v62, $0x18;
	v58 =	vor.u32 $0x1, v8  }
0xb6: {  	v37 =	vmul.f32 v51, v46;
	v22 =	vld [tilespmem:s16+$0xFFFFFF50];
	v54 =	vcvt.s32.f32 v42;
	v55 =	vshll.u32 v57, s26  }
0xb7: {  	v61 =	vld [tilespmem:s13+$0xFFFFFFA0];
	v63 =	vshll.u32 v56, s6;
	v25 =	vmul.f32 v25, v41;
	v42 =	vshra.s32 v55, $0x18  }
0xb8: {  	(v2sf) =	vpush v59, $0x0;
	v44 =	vshra.s32 v63, $0x18;
	v42 =	vcvt.s32.f32 v42  }
0xb9: {  	v41 =	vshll.u32 v52, s23;
	v44 =	vcvt.s32.f32 v44;
	[tilespmem:s0+$0x10] =	vst v25;
	v25 =	vmul.f32 v54, v40  }
0xba: {  	(v2sf) =	vpush v60, $0x0;
	v41 =	vshra.s32 v41, $0x18;
	v43 =	vld [tilespmem:s19+$0x20];
	v42 =	vmul.f32 v42, v49  }
0xbb: {  	v57 =	vld [tilespmem:s31+$0xFFFFFFFE];
	v41 =	vcvt.s32.f32 v41;
	v44 =	vmul.f32 v44, v45;
	v59 =	vshll.u32 v22, s15;
	[tilespmem:s1+$0x40] =	vst v25  }
0xbc: {  	v3 =	vperm.xlane v16, v3;
	v56 =	vshll.u32 v61, s17;
	v60 =	vshra.s32 v59, $0x18;
	v61 =	vld [tilespmem:s16+$0x50];
	[tilespmem:s0+$0xFFFFFF10] =	vst v42  }
0xbd: {  	v62 =	vshra.s32 v56, $0x18;
	v54 =	vmul.f32 v41, v39;
	[tilespmem:s1+$0xC0] =	vst v44;
	v63 =	vcvt.s32.f32 v60;
	v53 =	vld [tilespmem:s19+$0xFFFFFF20]  }
0xbe: {  	v51 =	vor.u32 $0x1, v14;
	v42 =	vperm.xlane v33, v50;
	v44 =	vcvt.s32.f32 v62;
	v52 =	vld [tilespmem:s16+$0xD0]  }
0xbf: {  	v22 =	vperm.xlane v7, v58;
	[tilespmem:s1+$0xFFFFFFD0] =	vst v54;
	v43 =	vshll.u32 v43, s29;
	v38 =	vmul.f32 v63, v38  }
0xc0: {  	s24 =	simm.s32 $0x2280;
	v25 =	vperm.xlane v11, v47;
	v44 =	vmul.f32 v44, v42;
	v60 =	vld [tilespmem:s16+$0xFFFFFFE0];
	v43 =	vshra.s32 v43, $0x18  }
0xc1: {  	(v2sf) =	vpush v57, $0x0;
	v63 =	vld [tilespmem:s24+$0x80];
	[tilespmem:s1+$0xFFFFFF50] =	vst v38;
	v55 =	vshll.u32 v61, s10;
	v43 =	vcvt.s32.f32 v43  }
0xc2: {  	s7 =	spop (v2sf);
	v47 =	vperm.xlane v12, v51;
	v41 =	vperm.xlane v20, v26;
	[tilespmem:s11+$0xFFFFFFA0] =	vst v44;
	v56 =	vld [tilespmem:s16+$0xFFFFFF60];
	v39 =	vshra.s32 v55, $0x18  }
0xc3: {  	s2 =	sxor.u32 $0xFFFFFFFF, s7;
	v58 =	vld [tilespmem:s13+$0xFFFFFFB0];
	v20 =	vshll.u32 v53, s26;
	v57 =	vshll.u32 v52, s6;
	v26 =	vmul.f32 v43, v22  }
0xc4: {  	[tilespmem:s11+$0xFFFFFF20] =	vst v36;
	s2 =	sshll.u32 s2, $0x3;
	v61 =	vcvt.s32.f32 v39;
	v20 =	vshra.s32 v20, $0x18;
	v39 =	vperm.xlane v17, v24;
	v24 =	vld [tilespmem:s13+$0xA0]  }
0xc5: {  	s2 =	sand.u32 $0x18, s2;
	v43 =	vperm.xlane v21, v27;
	v27 =	vld [tilespmem:s13+$0xFFFFFF30];
	v59 =	vshra.s32 v57, $0x18;
	v20 =	vcvt.s32.f32 v20  }
0xc6: {  	v52 =	vshll.u32 v60, s23;
	v36 =	vshll.u32 v63, s2;
	v17 =	vcvt.s32.f32 v59  }
0xc7: {  	s8 =	sshll.u32 s7, $0x2;
	v62 =	vmul.f32 v61, v40;
	v60 =	vshra.s32 v36, $0x18;
	v44 =	vmul.f32 v20, v25  }
0xc8: {  	[tilespmem:s11+$0x20] =	vst v32;
	s3 =	sand.u32 $0x7C, s8;
	v63 =	vld [tilespmem:s24+$0x0];
	v21 =	vshll.u32 v56, s15;
	v17 =	vmul.f32 v17, v45;
	v20 =	vshll.u32 v58, s17  }
0xc9: {  	s20 =	smov.u32 s26;
	s9 =	smin.u32 s3, $0x70;
	s4 =	spop (v2sf);
	v61 =	vld [tilespmem:s13+$0x30];
	[tilespmem:s1+$0x50] =	vst v62;
	v21 =	vshra.s32 v21, $0x18;
	v46 =	vshra.s32 v20, $0x18;
	v24 =	vshll.u32 v24, s18  }
0xca: {  	s25 =	sadd.s32 $0x9180, s9;
	s3 =	ssub.s32 s3, s9;
	s5 =	spop (v2sf);
	v56 =	vld [tilespmem:s24+$0xFFFFFF80];
	v27 =	vshll.u32 v27, s22;
	v21 =	vcvt.s32.f32 v21;
	[tilespmem:s1+$0xD0] =	vst v17;
	v17 =	vshra.s32 v52, $0x18  }
0xcb: {  	s9 =	sshll.u32 s4, $0x2;
	s4 =	sxor.u32 $0xFFFFFFFF, s4;
	s14 =	sshll.u32 s5, $0x2;
	v53 =	vld [tilespmem:s16+$0x60];
	v24 =	vshra.s32 v24, $0x18;
	v59 =	vcvt.s32.f32 v46;
	v46 =	vcvt.s32.f32 v60  }
0xcc: {  	s5 =	sxor.u32 $0xFFFFFFFF, s5;
	s4 =	sshll.u32 s4, $0x3;
	s8 =	sand.u32 $0x7C, s14;
	v27 =	vshra.s32 v27, $0x18;
	v54 =	vld [tilespmem:s16+$0xE0];
	v48 =	vcvt.s32.f32 v17;
	v24 =	vcvt.s32.f32 v24  }
0xcd: {  	v19 =	vor.u32 $0x2, v23;
	v20 =	vld [tilespmem:s25+$0x180];
	s14 =	sand.u32 $0x7C, s9;
	s25 =	sshll.u32 s5, $0x3;
	s7 =	smin.u32 s8, $0x70;
	v27 =	vcvt.s32.f32 v27;
	v55 =	vmul.f32 v21, v43  }
0xce: {  	v58 =	vld [tilespmem:s24+$0xFFFFFF00];
	s26 =	sadd.s32 $0x9180, s7;
	v50 =	vshll.u32 v61, s12;
	v21 =	vmov s3;
	v32 =	vmul.f32 v59, v42;
	s3 =	sand.u32 $0x18, s25;
	s25 =	sand.u32 $0x18, s4  }
0xcf: {  	s5 =	smin.u32 s14, $0x70;
	v17 =	vld [tilespmem:s26+$0x80];
	v24 =	vmul.f32 v24, v47;
	v49 =	vshll.u32 v56, s3;
	v45 =	vshll.u32 v63, s25;
	[tilespmem:s1+$0xFFFFFF60] =	vst v55  }
0xd0: {  	s9 =	ssub.s32 s14, s5;
	s5 =	sadd.s32 $0x9180, s5;
	v48 =	vmul.f32 v48, v1;
	v62 =	vshll.u32 v53, s10;
	v49 =	vshra.s32 v49, $0x18;
	v40 =	vld [tilespmem:s16+$0xFFFFFF70]  }
0xd1: {  	s26 =	spop (v2sf);
	v53 =	vmul.f32 v27, v28;
	v27 =	vld [tilespmem:s5+$0x100];
	v36 =	vshra.s32 v62, $0x18;
	[tilespmem:s11+$0xA0] =	vst v24;
	v38 =	vshll.u32 v54, s6  }
0xd2: {  	s7 =	ssub.s32 s8, s7;
	s8 =	sshll.u32 s26, $0x2;
	v49 =	vcvt.s32.f32 v49;
	v57 =	vcvt.s32.f32 v36;
	v59 =	vld [tilespmem:s13+$0xB0];
	v38 =	vshra.s32 v38, $0x18  }
0xd3: {  	s8 =	sand.u32 $0x7C, s8;
	v24 =	vmov s9;
	s9 =	sxor.u32 $0xFFFFFFFF, s26;
	v36 =	vperm.xlane v6, v30;
	v38 =	vcvt.s32.f32 v38  }
0xd4: {  	[tilespmem:s0+$0xFFFFFF90] =	vst v37;
	s14 =	smin.u32 s8, $0x70;
	v30 =	vmov s7;
	s7 =	sshll.u32 s9, $0x3;
	v54 =	vperm.xlane v20, v21;
	v42 =	vmul.f32 v57, v39  }
0xd5: {  	[tilespmem:s11+$0xFFFFFFB0] =	vst v32;
	v62 =	vshra.s32 v50, $0x18;
	s26 =	sadd.s32 $0x9180, s14;
	v55 =	vshll.u32 v40, s15;
	s15 =	sand.u32 $0x18, s7;
	v38 =	vmul.f32 v38, v41  }
0xd6: {  	v28 =	vld [tilespmem:s26+$0x0];
	v46 =	vmul.f32 v46, v54;
	v40 =	vperm.xlane v17, v30;
	[tilespmem:s1+$0x60] =	vst v42;
	v51 =	vshll.u32 v58, s15  }
0xd7: {  	s26 =	simm.s32 $0x10280;
	v42 =	vperm.xlane v27, v24;
	v61 =	vshll.u32 v59, s18;
	v57 =	vld [tilespmem:s16+$0x70];
	[tilespmem:s1+$0xE0] =	vst v38;
	v60 =	vshra.s32 v51, $0x18  }
0xd8: {  	[tilespmem:s26+$0x80] =	vst v46;
	v63 =	vshra.s32 v61, $0x18;
	v49 =	vmul.f32 v49, v40;
	v32 =	vld [tilespmem:s16+$0xF0];
	v52 =	vcvt.s32.f32 v60  }
0xd9: {  	[tilespmem:s0+$0x20] =	vst v26;
	s4 =	ssub.s32 s8, s14;
	v46 =	vld [tilespmem:s24+$0x90];
	v60 =	vshra.s32 v45, $0x18;
	v45 =	vcvt.s32.f32 v62;
	v62 =	vshra.s32 v55, $0x18  }
0xda: {  	[tilespmem:s0+$0xFFFFFF20] =	vst v44;
	v56 =	vmov s4;
	v51 =	vld [tilespmem:s13+$0xFFFFFFC0];
	v61 =	vcvt.s32.f32 v63;
	v55 =	vcvt.s32.f32 v62  }
0xdb: {  	[tilespmem:s1+$0xFFFFFFE0] =	vst v48;
	v26 =	vor.u32 $0x2, v30;
	v38 =	vperm.xlane v28, v56;
	v63 =	vcvt.s32.f32 v60  }
0xdc: {  	[tilespmem:s11+$0xFFFFFF30] =	vst v53;
	v37 =	vor.u32 $0x1, v56;
	v58 =	vmul.f32 v61, v47;
	v43 =	vmul.f32 v55, v43  }
0xdd: {  	[tilespmem:s26+$0xFFFFFF80] =	vst v49;
	v60 =	vld [tilespmem:s13+$0xFFFFFF40];
	v61 =	vshll.u32 v57, s10;
	v50 =	vmul.f32 v63, v42;
	v32 =	vshll.u32 v32, s6  }
0xde: {  	v62 =	vld [tilespmem:s24+$0xFFFFFF90];
	v63 =	vmul.f32 v45, v31;
	v31 =	vor.u32 $0x3, v56;
	[tilespmem:s11+$0xB0] =	vst v58;
	v32 =	vshra.s32 v32, $0x18  }
0xdf: {  	v46 =	vshll.u32 v46, s2;
	v59 =	vshll.u32 v51, s17;
	[tilespmem:s1+$0xFFFFFF70] =	vst v43;
	v32 =	vcvt.s32.f32 v32  }
0xe0: {  	v48 =	vld [tilespmem:s16+$0xFFFFFFF0];
	v51 =	vmul.f32 v52, v38;
	v52 =	vshra.s32 v61, $0x18;
	v57 =	vshra.s32 v59, $0x18;
	[tilespmem:s26+$0x0] =	vst v50  }
0xe1: {  	v45 =	vcvt.s32.f32 v52;
	v43 =	vor.u32 $0x2, v14;
	[dreg:$0xb] =	wrdreg s30;
	s30 =	smul.u32 $0x320, s30;
	v58 =	vmul.f32 v32, v41  }
0xe2: {  	v59 =	vshra.s32 v46, $0x18;
	v44 =	vcvt.s32.f32 v57;
	[tilespmem:s11+$0x30] =	vst v63;
	v41 =	vperm.xlane v33, v35  }
0xe3: {  	v60 =	vshll.u32 v60, s22;
	v61 =	vshll.u32 v62, s3;
	s4 =	sshra.s32 s30, $0x2;
	v33 =	vmul.f32 v45, v39;
	[tilespmem:s1+$0xF0] =	vst v58  }
0xe4: {  	v47 =	vshra.s32 v60, $0x18;
	v45 =	vld [tilespmem:s24+$0x10];
	v35 =	vcvt.s32.f32 v59;
	v62 =	vmul.f32 v44, v41;
	[dreg:$0x11] =	wrdreg s4  }
0xe5: {  	s16 =	smov.u32 s21;
	s21 =	simm.s32 $0x2280;
	v63 =	vshll.u32 v48, s23;
	v32 =	vor.u32 $0x2, v56;
	v39 =	vshra.s32 v61, $0x18;
	[tilespmem:s26+$0xFFFFFF00] =	vst v51;
	v44 =	vld [tilespmem:s13+$0x40]  }
0xe6: {  	s10 =	sadd.s32 $0x4, s31;
	s6 =	simm.s32 $0x9180;
	v48 =	vcvt.s32.f32 v39;
	v39 =	vmul.f32 v35, v54;
	v35 =	vshra.s32 v63, $0x18;
	s4 =	simm.s32 $0xC;
	[tilespmem:s11+$0xFFFFFFC0] =	vst v62;
	v46 =	vld [tilespmem:s13+$0xC0]  }
.LBB2_7:
0xe7: {  	v49 =	vld [tilespmem:s24+$0xFFFFFF10]  }
0xe8: {  	v47 =	vcvt.s32.f32 v47;
	v43 =	vperm.xlane v12, v43;
	v62 =	vld [tilespmem:s13+$0xFFFFFFD0]  }
0xe9: {  	v50 =	vor.u32 $0x3, v30;
	v35 =	vcvt.s32.f32 v35;
	v51 =	vld [tilespmem:s10+$0x1];
	v52 =	vperm.xlane v5, v34  }
0xea: {  	[tilespmem:s1+$0x70] =	vst v33;
	v60 =	vmul.f32 v48, v40;
	v63 =	vperm.xlane v17, v50;
	v50 =	vld [tilespmem:s19+$0xFFFFFFA0]  }
0xeb: {  	v57 =	vld [tilespmem:s10+$0x0];
	v47 =	vmul.f32 v47, v36;
	v56 =	vmul.f32 v35, v1;
	v61 =	vshll.u32 v45, s25  }
0xec: {  	[tilespmem:s26+$0xFFFFFF90] =	vst v60;
	v40 =	vshra.s32 v61, $0x18;
	v59 =	vshll.u32 v44, s12;
	v60 =	vshll.u32 v46, s18  }
0xed: {  	[tilespmem:s11+$0xFFFFFF40] =	vst v47;
	v61 =	vor.u32 $0x1, v23;
	v58 =	vcvt.s32.f32 v40;
	v40 =	vshra.s32 v59, $0x18  }
0xee: {  	v47 =	vld [tilespmem:s13+$0xFFFFFF50];
	v44 =	vshra.s32 v60, $0x18;
	v35 =	vshll.u32 v62, s17;
	v49 =	vshll.u32 v49, s15  }
0xef: {  	v1 =	vmovc v2;
	v2 =	vmovc v3;
	[tilespmem:s1+$0xFFFFFFF0] =	vst v56;
	(v2sf) =	vpush v51, $0x0;
	v62 =	vcvt.s32.f32 v40;
	v44 =	vcvt.s32.f32 v44  }
0xf0: {  	v3 =	vmovc v63;
	v23 =	vmovc v30;
	v63 =	vld [tilespmem:s10+$0xFFFFFFFF];
	v53 =	vshll.u32 v50, s28;
	(v2sf) =	vpush v57, $0x0;
	v30 =	vmul.f32 v58, v42  }
0xf1: {  	v56 =	vld [tilespmem:s10+$0xFFFFFFFE];
	v57 =	vor.u32 $0x1, v24;
	v42 =	vshra.s32 v49, $0x18;
	v44 =	vmul.f32 v44, v43  }
0xf2: {  	s1 =	smov.u32 s11;
	v35 =	vshra.s32 v35, $0x18;
	v54 =	vcvt.s32.f32 v42;
	[tilespmem:s26+$0x10] =	vst v30;
	v30 =	vmul.f32 v62, v52  }
0xf3: {  	v45 =	vshra.s32 v53, $0x18;
	v33 =	vperm.xlane v27, v57;
	v55 =	vld [tilespmem:s24+$0x20];
	v47 =	vshll.u32 v47, s22;
	[tilespmem:s1+$0xC0] =	vst v44  }
0xf4: {  	v35 =	vcvt.s32.f32 v35;
	v38 =	vmul.f32 v54, v38;
	[tilespmem:s1+$0x40] =	vst v30;
	v58 =	vshra.s32 v47, $0x18;
	v60 =	vld [tilespmem:s13+$0xD0]  }
0xf5: {  	(v2sf) =	vpush v63, $0x0;
	v30 =	vperm.xlane v28, v37;
	v59 =	vld [tilespmem:s13+$0x50];
	v34 =	vcvt.s32.f32 v58  }
0xf6: {  	s11 =	smov.u32 s0;
	(v2sf) =	vpush v56, $0x0;
	[tilespmem:s26+$0xFFFFFF10] =	vst v38;
	v38 =	vperm.xlane v16, v61;
	v61 =	vcvt.s32.f32 v45  }
0xf7: {  	[tilespmem:s11+$0x90] =	vst v29;
	v29 =	vmovc v39;
	v39 =	vperm.xlane v6, v15;
	v6 =	vmov v11;
	v62 =	vld [tilespmem:s24+$0xFFFFFF20];
	v34 =	vmul.f32 v34, v36  }
0xf8: {  	v45 =	vor.u32 $0x3, v14;
	v14 =	vmovc v9;
	v9 =	vmovc v21;
	v21 =	vmul.f32 v35, v41;
	v40 =	vmul.f32 v61, v38  }
0xf9: {  	v41 =	vperm.xlane v12, v45;
	v36 =	vperm.xlane v6, v18;
	v42 =	vshll.u32 v55, s25;
	[tilespmem:s1+$0xFFFFFF50] =	vst v34  }
0xfa: {  	v63 =	vshra.s32 v42, $0x18;
	[tilespmem:s11+$0xFFFFFFA0] =	vst v40;
	v37 =	vshll.u32 v60, s18;
	v46 =	vshll.u32 v59, s12;
	v48 =	vld [tilespmem:s13+$0xFFFFFF60]  }
0xfb: {  	v12 =	vmovc v4;
	v4 =	vmovc v20;
	v47 =	vcvt.s32.f32 v63;
	v40 =	vld [tilespmem:s19+$0xFFFFFFB0];
	[tilespmem:s1+$0xFFFFFFD0] =	vst v21;
	v21 =	vor.u32 $0x3, v10;
	v37 =	vshra.s32 v37, $0x18  }
0xfc: {  	v10 =	vmovc v8;
	v8 =	vmovc v24;
	v24 =	vld [tilespmem:s19+$0xA0];
	v34 =	vshra.s32 v46, $0x18;
	v20 =	vshll.u32 v62, s15;
	v35 =	vperm.xlane v5, v21  }
0xfd: {  	v50 =	vld [tilespmem:s13+$0xFFFFFFE0];
	v21 =	vcvt.s32.f32 v37;
	v51 =	vcvt.s32.f32 v34;
	v20 =	vshra.s32 v20, $0x18  }
0xfe: {  	s24 =	sadd.s32 $0x200, s24;
	v49 =	vmul.f32 v47, v33;
	v20 =	vcvt.s32.f32 v20  }
0xff: {  	v53 =	vld [tilespmem:s24+$0x80];
	v5 =	vmovc v7;
	v7 =	vmovc v27;
	v34 =	vor.u32 $0x2, v10;
	v21 =	vmul.f32 v21, v43;
	v27 =	vmul.f32 v51, v52  }
0x100: {  	v11 =	vmovc v28;
	v28 =	vld [tilespmem:s19+$0xFFFFFF30];
	[tilespmem:s26+$0x20] =	vst v49;
	v54 =	vshll.u32 v48, s22;
	v20 =	vmul.f32 v20, v30;
	v55 =	vshll.u32 v40, s28  }
0x101: {  	s6 =	sadd.s32 $0x200, s6;
	s14 =	smov.u32 s2;
	v61 =	vld [tilespmem:s24+$0xFFFFFF80];
	s5 =	spop (v2sf);
	v24 =	vshll.u32 v24, s16;
	v56 =	vshra.s32 v54, $0x18;
	[tilespmem:s1+$0x50] =	vst v27;
	v27 =	vor.u32 $0x1, v14  }
0x102: {  	s2 =	smov.u32 s16;
	v15 =	vmovc v13;
	v13 =	vmovc v31;
	s7 =	sxor.u32 $0xFFFFFFFF, s5;
	s5 =	sshll.u32 s5, $0x2;
	[tilespmem:s1+$0xD0] =	vst v21;
	v57 =	vshll.u32 v50, s17;
	v24 =	vshra.s32 v24, $0x18;
	v31 =	vcvt.s32.f32 v56;
	v58 =	vld [tilespmem:s13+$0x60]  }
0x103: {  	s8 =	spop (v2sf);
	s7 =	sshll.u32 s7, $0x3;
	s5 =	sand.u32 $0x7C, s5;
	[tilespmem:s26+$0xFFFFFF20] =	vst v20;
	v20 =	vshra.s32 v55, $0x18;
	v42 =	vperm.xlane v12, v27;
	v27 =	vld [tilespmem:s13+$0xE0];
	v24 =	vcvt.s32.f32 v24  }
0x104: {  	s7 =	sand.u32 $0x18, s7;
	s31 =	smin.u32 s5, $0x70;
	v21 =	vshra.s32 v57, $0x18;
	v59 =	vld [tilespmem:s24+$0x0];
	s23 =	spop (v2sf);
	v20 =	vcvt.s32.f32 v20;
	v60 =	vmul.f32 v31, v39  }
0x105: {  	s9 =	sxor.u32 $0xFFFFFFFF, s8;
	s16 =	ssub.s32 s5, s31;
	v31 =	vcvt.s32.f32 v21;
	v21 =	vshll.u32 v53, s7;
	s30 =	sxor.u32 $0xFFFFFFFF, s23;
	v24 =	vmul.f32 v24, v42  }
0x106: {  	s31 =	sadd.s32 s31, s6;
	s5 =	sshll.u32 s23, $0x2;
	v37 =	vshra.s32 v21, $0x18;
	v21 =	vshll.u32 v28, s20;
	v28 =	vld [tilespmem:s19+$0x30];
	s30 =	sshll.u32 s30, $0x3;
	v38 =	vmul.f32 v20, v38  }
0x107: {  	s9 =	sshll.u32 s9, $0x3;
	s0 =	sand.u32 $0x7C, s5;
	v20 =	vld [tilespmem:s31+$0x180];
	[tilespmem:s1+$0xFFFFFF60] =	vst v60;
	v62 =	vshra.s32 v21, $0x18;
	s5 =	sand.u32 $0x18, s30;
	v37 =	vcvt.s32.f32 v37;
	v31 =	vmul.f32 v31, v1  }
0x108: {  	s8 =	sshll.u32 s8, $0x2;
	s9 =	sand.u32 $0x18, s9;
	s30 =	smin.u32 s0, $0x70;
	v63 =	vld [tilespmem:s13+$0xFFFFFF70];
	v21 =	vshll.u32 v58, s12;
	v27 =	vshll.u32 v27, s18;
	v54 =	vshll.u32 v61, s5  }
0x109: {  	s8 =	sand.u32 $0x7C, s8;
	v52 =	vld [tilespmem:s24+$0xFFFFFF00];
	s31 =	sadd.s32 s30, s6;
	[tilespmem:s11+$0xFFFFFFB0] =	vst v38;
	v55 =	vcvt.s32.f32 v62;
	v59 =	vshll.u32 v59, s9;
	v43 =	vshra.s32 v21, $0x18  }
0x10a: {  	[tilespmem:s11+$0xA0] =	vst v24;
	v21 =	vmov s16;
	v27 =	vshra.s32 v27, $0x18;
	v47 =	vld [tilespmem:s31+$0x80];
	s31 =	smin.u32 s8, $0x70;
	v24 =	vshra.s32 v54, $0x18  }
0x10b: {  	s23 =	smov.u32 s17;
	v57 =	vld [tilespmem:s19+$0xB0];
	s16 =	spop (v2sf);
	v62 =	vshra.s32 v59, $0x18;
	v53 =	vcvt.s32.f32 v43;
	s8 =	ssub.s32 s8, s31;
	v27 =	vcvt.s32.f32 v27  }
0x10c: {  	s17 =	smov.u32 s20;
	s0 =	ssub.s32 s0, s30;
	s20 =	sxor.u32 $0xFFFFFFFF, s16;
	v58 =	vcvt.s32.f32 v24;
	v56 =	vshll.u32 v28, s29;
	v24 =	vmov s8  }
0x10d: {  	s16 =	sshll.u32 s16, $0x2;
	s20 =	sshll.u32 s20, $0x3;
	v28 =	vmul.f32 v55, v25;
	v25 =	vmovc v30;
	v49 =	vperm.xlane v20, v21;
	v30 =	vmov s0  }
0x10e: {  	v18 =	vmovc v32;
	v61 =	vld [tilespmem:s19+$0xFFFFFFC0];
	s16 =	sand.u32 $0x7C, s16;
	s8 =	sand.u32 $0x18, s20;
	v60 =	vmul.f32 v27, v41;
	v38 =	vmul.f32 v53, v35;
	v32 =	vshra.s32 v56, $0x18  }
0x10f: {  	s31 =	sadd.s32 s31, s6;
	s20 =	smin.u32 s16, $0x70;
	v53 =	vor.u32 $0x2, v30;
	v46 =	vshll.u32 v52, s8;
	v45 =	vshll.u32 v63, s22  }
0x110: {  	v27 =	vld [tilespmem:s31+$0x100];
	s16 =	ssub.s32 s16, s20;
	s20 =	sadd.s32 s20, s6;
	[tilespmem:s11+$0xFFFFFF30] =	vst v28;
	v37 =	vmul.f32 v37, v49;
	v43 =	vshll.u32 v57, s2;
	v32 =	vcvt.s32.f32 v32  }
0x111: {  	v28 =	vld [tilespmem:s20+$0x0];
	v40 =	vperm.xlane v47, v30;
	[tilespmem:s1+$0xE0] =	vst v60;
	v46 =	vshra.s32 v46, $0x18;
	v43 =	vshra.s32 v43, $0x18  }
0x112: {  	[tilespmem:s1+$0x60] =	vst v38;
	v52 =	vmov s16;
	v57 =	vshra.s32 v45, $0x18;
	v50 =	vld [tilespmem:s13+$0xF0];
	v46 =	vcvt.s32.f32 v46  }
0x113: {  	[dreg:$0x4] =	wrdreg s3;
	s3 =	smov.u32 s26;
	s26 =	sadd.s32 $0x200, s26;
	v51 =	vshll.u32 v61, s28;
	v63 =	vld [tilespmem:s13+$0x70];
	v43 =	vcvt.s32.f32 v43;
	v54 =	vcvt.s32.f32 v57  }
0x114: {  	[tilespmem:s26+$0x80] =	vst v37;
	v37 =	vor.u32 $0x1, v52;
	v48 =	vmul.f32 v58, v40;
	v58 =	vcvt.s32.f32 v62  }
0x115: {  	v55 =	vld [tilespmem:s24+$0x90];
	v62 =	vshra.s32 v51, $0x18;
	v43 =	vmul.f32 v43, v42;
	v42 =	vperm.xlane v27, v24  }
0x116: {  	v39 =	vmul.f32 v54, v39;
	v54 =	vmul.f32 v32, v22;
	v32 =	vor.u32 $0x2, v52;
	[tilespmem:s26+$0xFFFFFF80] =	vst v48  }
0x117: {  	v60 =	vld [tilespmem:s19+$0xFFFFFF40];
	v56 =	vcvt.s32.f32 v62;
	v38 =	vperm.xlane v28, v52;
	[tilespmem:s11+$0xB0] =	vst v43;
	v50 =	vshll.u32 v50, s18  }
0x118: {  	v61 =	vld [tilespmem:s24+$0xFFFFFF90];
	v45 =	vmul.f32 v58, v42;
	[tilespmem:s1+$0xFFFFFFE0] =	vst v31;
	v44 =	vshll.u32 v63, s12;
	v59 =	vshra.s32 v50, $0x18  }
0x119: {  	s4 =	sadd.s32 $0x4, s4;
	v31 =	vor.u32 $0x3, v52;
	[tilespmem:s1+$0xFFFFFF70] =	vst v39;
	s18 =	smov.u32 s2;
	s2 =	smov.u32 s7;
	v39 =	vld [tilespmem:s13+$0xFFFFFFF0];
	v44 =	vshra.s32 v44, $0x18;
	v43 =	vcvt.s32.f32 v59  }
0x11a: {  	p1 =	slt.u32 s4, $0x60;
	s10 =	sadd.s32 $0x4, s10;
	s0 =	smov.u32 s3;
	v46 =	vmul.f32 v46, v38;
	v58 =	vshll.u32 v55, s2;
	v57 =	vcvt.s32.f32 v44  }
.Ltmp2:
0x11b: {  	s3 =	smov.u32 s5;
	s22 =	smov.u32 s17;
	[tilespmem:s26+$0x0] =	vst v45;
	v44 =	vshra.s32 v58, $0x18;
	v63 =	vmul.f32 v43, v41;
	v41 =	vperm.xlane v16, v19;
	(pc) =	sbr.rel @p1 .LBB2_7-.Ltmp2, $4  }
0x11c: {  	s31 =	rddreg [dreg:$0x4];
	s17 =	smov.u32 s28;
	s20 =	smov.u32 s15;
	v22 =	vmovc v33;
	v45 =	vld [tilespmem:s24+$0x10];
	v59 =	vshll.u32 v60, s22;
	[tilespmem:s11+$0x30] =	vst v54;
	v43 =	vor.u32 $0x2, v14;
	v33 =	vmul.f32 v57, v35  }
0x11d: {  	s15 =	smov.u32 s8;
	s16 =	smov.u32 s14;
	s13 =	smov.u32 s19;
	[tilespmem:s26+$0xFFFFFF00] =	vst v46;
	v60 =	vshll.u32 v61, s5;
	v61 =	vcvt.s32.f32 v44;
	v62 =	vmul.f32 v56, v41  }
0x11e: {  	s28 =	smov.u32 s31;
	s12 =	smov.u32 s29;
	s29 =	smov.u32 s25;
	v16 =	vmovc v17;
	v17 =	vmovc v47;
	v47 =	vshra.s32 v59, $0x18;
	v44 =	vld [tilespmem:s13+$0x40];
	v35 =	vshra.s32 v60, $0x18;
	[tilespmem:s1+$0xF0] =	vst v63;
	v63 =	vshll.u32 v39, s23  }
0x11f: {  	s25 =	smov.u32 s9;
	s19 =	smov.u32 s21;
	s21 =	smov.u32 s24;
	v19 =	vmovc v26;
	v26 =	vmovc v53;
	v48 =	vcvt.s32.f32 v35;
	v39 =	vmul.f32 v61, v49;
	v46 =	vld [tilespmem:s13+$0xC0];
	v35 =	vshra.s32 v63, $0x18;
	[tilespmem:s11+$0xFFFFFFC0] =	vst v62  }
0x120: {  	v47 =	vcvt.s32.f32 v47;
	v49 =	vld [tilespmem:s24+$0xFFFFFF10];
	v43 =	vperm.xlane v12, v43  }
0x121: {  	v50 =	vld [tilespmem:s13+$0xFFFFFFD0];
	v34 =	vperm.xlane v5, v34;
	v23 =	vor.u32 $0x1, v23;
	v53 =	vor.u32 $0x1, v24  }
0x122: {  	v56 =	vld [tilespmem:s19+$0xFFFFFFA0];
	v6 =	vperm.xlane v6, v15;
	v18 =	vperm.xlane v11, v18;
	v45 =	vshll.u32 v45, s25  }
0x123: {  	v32 =	vperm.xlane v28, v32;
	v26 =	vperm.xlane v17, v26;
	v45 =	vshra.s32 v45, $0x18  }
0x124: {  	v40 =	vmul.f32 v48, v40;
	v45 =	vcvt.s32.f32 v45;
	v44 =	vshll.u32 v44, s12  }
0x125: {  	[tilespmem:s0+$0x90] =	vst v29;
	v47 =	vmul.f32 v47, v36;
	v46 =	vshll.u32 v46, s18;
	v44 =	vshra.s32 v44, $0x18  }
0x126: {  	v52 =	vld [tilespmem:s19+$0xA0];
	v42 =	vmul.f32 v45, v42;
	v57 =	vshra.s32 v46, $0x18;
	v44 =	vcvt.s32.f32 v44  }
0x127: {  	[tilespmem:s11+$0xFFFFFF40] =	vst v47;
	v58 =	vshll.u32 v50, s17;
	v49 =	vshll.u32 v49, s15;
	v59 =	vshll.u32 v56, s28  }
0x128: {  	v47 =	vld [tilespmem:s13+$0xFFFFFF50];
	v46 =	vor.u32 $0x1, v21;
	v45 =	vcvt.s32.f32 v57;
	v60 =	vshra.s32 v49, $0x18  }
0x129: {  	[tilespmem:s26+$0xFFFFFF90] =	vst v40;
	v55 =	vshra.s32 v58, $0x18;
	v40 =	vperm.xlane v20, v46;
	v44 =	vmul.f32 v44, v34  }
0x12a: {  	[tilespmem:s26+$0x10] =	vst v42;
	v48 =	vcvt.s32.f32 v60;
	v42 =	vshra.s32 v59, $0x18;
	v59 =	vcvt.s32.f32 v55  }
0x12b: {  	v61 =	vld [tilespmem:s24+$0x20];
	v45 =	vmul.f32 v45, v43;
	v63 =	vcvt.s32.f32 v42;
	v42 =	vshll.u32 v52, s16;
	[tilespmem:s11+$0x40] =	vst v44  }
0x12c: {  	v52 =	vor.u32 $0x1, v9;
	v38 =	vmul.f32 v48, v38;
	v42 =	vshra.s32 v42, $0x18;
	v44 =	vld [tilespmem:s13+$0x50]  }
0x12d: {  	v62 =	vshll.u32 v47, s22;
	v47 =	vperm.xlane v16, v23;
	[tilespmem:s11+$0xC0] =	vst v45;
	v23 =	vperm.xlane v27, v53;
	v53 =	vld [tilespmem:s19+$0xFFFFFF30]  }
0x12e: {  	v45 =	vperm.xlane v4, v52;
	v42 =	vcvt.s32.f32 v42;
	v29 =	vshra.s32 v62, $0x18;
	v57 =	vld [tilespmem:s13+$0xD0]  }
0x12f: {  	v14 =	vor.u32 $0x3, v14;
	[tilespmem:s26+$0xFFFFFF10] =	vst v38;
	v38 =	vmul.f32 v59, v41;
	v59 =	vld [tilespmem:s19+$0x30];
	v54 =	vcvt.s32.f32 v29  }
0x130: {  	v16 =	vperm.xlane v16, v19;
	v56 =	vmul.f32 v63, v47;
	v60 =	vld [tilespmem:s24+$0xFFFFFF20];
	v58 =	vshll.u32 v61, s25  }
0x131: {  	v29 =	vperm.xlane v28, v37;
	[tilespmem:s11+$0xFFFFFFD0] =	vst v38;
	v61 =	vmul.f32 v54, v36;
	v62 =	vshra.s32 v58, $0x18  }
0x132: {  	[tilespmem:s0+$0xFFFFFFA0] =	vst v56;
	v54 =	vor.u32 $0x3, v10;
	v10 =	vperm.xlane v12, v14;
	v56 =	vmul.f32 v42, v45;
	v49 =	vld [tilespmem:s13+$0xFFFFFFE0]  }
0x133: {  	v63 =	vld [tilespmem:s19+$0xFFFFFFB0];
	v37 =	vcvt.s32.f32 v62;
	v44 =	vshll.u32 v44, s12;
	v5 =	vperm.xlane v5, v54  }
0x134: {  	v44 =	vshra.s32 v44, $0x18;
	v48 =	vshll.u32 v57, s18;
	[tilespmem:s11+$0xFFFFFF50] =	vst v61;
	v61 =	vshll.u32 v53, s20  }
0x135: {  	[tilespmem:s0+$0xA0] =	vst v56;
	v53 =	vshll.u32 v59, s29;
	v55 =	vshra.s32 v48, $0x18;
	v57 =	vld [tilespmem:s13+$0xFFFFFF60];
	v58 =	vshll.u32 v60, s15  }
0x136: {  	v37 =	vmul.f32 v37, v23;
	v44 =	vcvt.s32.f32 v44;
	v62 =	vld [tilespmem:s19+$0xB0];
	v56 =	vshra.s32 v53, $0x18  }
0x137: {  	v48 =	vld [tilespmem:s21+$0xFFFFFFA0];
	v42 =	vshra.s32 v58, $0x18;
	v36 =	vcvt.s32.f32 v55;
	v59 =	vcvt.s32.f32 v56  }
0x138: {  	v34 =	vmul.f32 v44, v34;
	v58 =	vshll.u32 v49, s17;
	v41 =	vshll.u32 v63, s28  }
0x139: {  	v63 =	vcvt.s32.f32 v42;
	v50 =	vmul.f32 v36, v43;
	v41 =	vshra.s32 v41, $0x18  }
0x13a: {  	[tilespmem:s26+$0x90] =	vst v39;
	v22 =	vmul.f32 v59, v22;
	v60 =	vcvt.s32.f32 v41;
	v41 =	vshra.s32 v61, $0x18  }
0x13b: {  	v52 =	vld [tilespmem:s21+$0xA0];
	v14 =	vshll.u32 v57, s22;
	v54 =	vshll.u32 v62, s16;
	v38 =	vmul.f32 v63, v29  }
0x13c: {  	v61 =	vshra.s32 v58, $0x18;
	[tilespmem:s0+$0x30] =	vst v22;
	v22 =	vshll.u32 v48, s3;
	v41 =	vcvt.s32.f32 v41  }
0x13d: {  	[tilespmem:s11+$0x50] =	vst v34;
	v14 =	vshra.s32 v14, $0x18;
	v57 =	vshra.s32 v54, $0x18;
	v34 =	vcvt.s32.f32 v61  }
0x13e: {  	v62 =	vld [tilespmem:s13+$0x60];
	[tilespmem:s11+$0xD0] =	vst v50;
	v22 =	vshra.s32 v22, $0x18;
	v12 =	vmul.f32 v60, v47;
	v47 =	vor.u32 $0x2, v8  }
0x13f: {  	v44 =	vld [tilespmem:s13+$0xE0];
	v14 =	vcvt.s32.f32 v14;
	v36 =	vcvt.s32.f32 v57;
	v57 =	vor.u32 $0x1, v30  }
0x140: {  	v22 =	vcvt.s32.f32 v22;
	v51 =	vmul.f32 v41, v25;
	v25 =	vshll.u32 v52, s2;
	[tilespmem:s0+$0xFFFFFFB0] =	vst v12  }
0x141: {  	[tilespmem:s26+$0x20] =	vst v37;
	v43 =	vperm.xlane v17, v57;
	v63 =	vmul.f32 v36, v45;
	v25 =	vshra.s32 v25, $0x18;
	v55 =	vld [tilespmem:s19+$0xFFFFFFC0]  }
0x142: {  	v54 =	vor.u32 $0x2, v9;
	v37 =	vperm.xlane v7, v47;
	[tilespmem:s0+$0xFFFFFF30] =	vst v51;
	v25 =	vcvt.s32.f32 v25;
	v51 =	vld [tilespmem:s19+$0x40]  }
0x143: {  	v34 =	vmul.f32 v34, v2;
	v12 =	vmul.f32 v14, v6;
	v14 =	vshll.u32 v62, s12;
	v60 =	vld [tilespmem:s19+$0xFFFFFF40];
	[tilespmem:s0+$0xB0] =	vst v63  }
0x144: {  	[tilespmem:s26+$0xFFFFFF20] =	vst v38;
	v36 =	vshll.u32 v44, s18;
	v14 =	vshra.s32 v14, $0x18;
	v53 =	vld [tilespmem:s19+$0xC0];
	v25 =	vmul.f32 v25, v40  }
0x145: {  	v22 =	vmul.f32 v22, v43;
	[tilespmem:s11+$0xFFFFFFE0] =	vst v34;
	v36 =	vshra.s32 v36, $0x18;
	v14 =	vcvt.s32.f32 v14  }
0x146: {  	v34 =	vperm.xlane v28, v31;
	v36 =	vcvt.s32.f32 v36;
	[tilespmem:s26+$0xA0] =	vst v25;
	v45 =	vshll.u32 v55, s28;
	v55 =	vld [tilespmem:s21+$0xFFFFFF30]  }
0x147: {  	v25 =	vperm.xlane v4, v54;
	v14 =	vmul.f32 v14, v5;
	v56 =	vld [tilespmem:s21+$0xB0];
	v41 =	vshll.u32 v51, s29  }
0x148: {  	v39 =	vshra.s32 v45, $0x18;
	v50 =	vshll.u32 v60, s20;
	v41 =	vshra.s32 v41, $0x18  }
0x149: {  	[tilespmem:s26+$0xFFFFFFA0] =	vst v22;
	v60 =	vld [tilespmem:s21+$0x30];
	v49 =	vcvt.s32.f32 v39;
	v52 =	vshra.s32 v50, $0x18;
	v39 =	vshll.u32 v53, s16  }
0x14a: {  	v45 =	vld [tilespmem:s21+$0xFFFFFFB0];
	v58 =	vcvt.s32.f32 v41;
	v19 =	vcvt.s32.f32 v52;
	v39 =	vshra.s32 v39, $0x18  }
0x14b: {  	v15 =	vmul.f32 v49, v16;
	v39 =	vcvt.s32.f32 v39;
	v59 =	vshll.u32 v55, s15  }
0x14c: {  	v19 =	vmul.f32 v19, v18;
	v38 =	vshll.u32 v56, s2;
	v41 =	vshra.s32 v59, $0x18  }
0x14d: {  	[tilespmem:s0+$0xFFFFFFC0] =	vst v15;
	v38 =	vshra.s32 v38, $0x18;
	v39 =	vmul.f32 v39, v25;
	v63 =	vcvt.s32.f32 v41  }
0x14e: {  	v48 =	vshll.u32 v60, s25;
	[tilespmem:s0+$0xFFFFFF40] =	vst v19;
	v62 =	vld [tilespmem:s19+$0xFFFFFFD0];
	v19 =	vmul.f32 v58, v37;
	v38 =	vcvt.s32.f32 v38  }
0x14f: {  	v52 =	vshll.u32 v45, s3;
	v49 =	vshra.s32 v48, $0x18;
	v61 =	vld [tilespmem:s19+$0xFFFFFF50];
	[tilespmem:s0+$0xC0] =	vst v39;
	v46 =	vmul.f32 v63, v29  }
0x150: {  	[tilespmem:s0+$0x40] =	vst v19;
	v38 =	vmul.f32 v38, v40;
	v39 =	vld [tilespmem:s19+$0xD0];
	v19 =	vcvt.s32.f32 v49;
	v40 =	vshra.s32 v52, $0x18  }
0x151: {  	v36 =	vmul.f32 v36, v10;
	v49 =	vor.u32 $0x3, v9;
	v55 =	vcvt.s32.f32 v40;
	[tilespmem:s26+$0xFFFFFF30] =	vst v46  }
0x152: {  	v4 =	vperm.xlane v4, v49;
	[tilespmem:s26+$0xB0] =	vst v38;
	v19 =	vmul.f32 v19, v23;
	v46 =	vor.u32 $0x2, v24;
	v50 =	vld [tilespmem:s21+$0xFFFFFF40]  }
0x153: {  	v51 =	vshll.u32 v62, s28;
	v53 =	vld [tilespmem:s21+$0xC0];
	v58 =	vmul.f32 v55, v43;
	v62 =	vor.u32 $0x2, v21  }
0x154: {  	v15 =	vshll.u32 v61, s20;
	v38 =	vshra.s32 v51, $0x18;
	[tilespmem:s26+$0x30] =	vst v19;
	v19 =	vperm.xlane v20, v62  }
0x155: {  	v47 =	vld [tilespmem:s19+$0x50];
	v15 =	vshra.s32 v15, $0x18;
	v56 =	vcvt.s32.f32 v38;
	v57 =	vshll.u32 v39, s16  }
0x156: {  	v60 =	vld [tilespmem:s21+$0x40];
	[tilespmem:s26+$0xFFFFFFB0] =	vst v58;
	v58 =	vor.u32 $0x3, v8;
	v15 =	vcvt.s32.f32 v15;
	v38 =	vshra.s32 v57, $0x18  }
0x157: {  	v63 =	vld [tilespmem:s21+$0xFFFFFFC0];
	v44 =	vcvt.s32.f32 v38;
	v16 =	vmul.f32 v56, v16;
	v59 =	vshll.u32 v50, s15  }
0x158: {  	v15 =	vmul.f32 v15, v18;
	v61 =	vshll.u32 v53, s2;
	v22 =	vshra.s32 v59, $0x18  }
0x159: {  	v8 =	vperm.xlane v11, v13;
	v39 =	vshra.s32 v61, $0x18;
	[tilespmem:s0+$0xFFFFFFD0] =	vst v16;
	v22 =	vcvt.s32.f32 v22  }
0x15a: {  	v54 =	vshll.u32 v47, s29;
	v39 =	vcvt.s32.f32 v39;
	[tilespmem:s0+$0xFFFFFF50] =	vst v15;
	v15 =	vmul.f32 v44, v25;
	v16 =	vld [tilespmem:s19+$0xFFFFFFE0]  }
0x15b: {  	[tilespmem:s11+$0xE0] =	vst v36;
	v7 =	vperm.xlane v7, v58;
	v18 =	vshra.s32 v54, $0x18;
	v45 =	vld [tilespmem:s19+$0xFFFFFF60];
	v22 =	vmul.f32 v22, v32  }
0x15c: {  	v29 =	vshll.u32 v60, s25;
	v50 =	vshll.u32 v63, s3;
	v63 =	vld [tilespmem:s13+$0xF0];
	v39 =	vmul.f32 v39, v19;
	[tilespmem:s0+$0xD0] =	vst v15  }
0x15d: {  	v38 =	vcvt.s32.f32 v35;
	v18 =	vcvt.s32.f32 v18;
	v47 =	vshra.s32 v29, $0x18;
	v56 =	vld [tilespmem:s19+$0xE0];
	[tilespmem:s26+$0xFFFFFF40] =	vst v22  }
0x15e: {  	v25 =	vperm.xlane v27, v46;
	v53 =	vshra.s32 v50, $0x18;
	v22 =	vcvt.s32.f32 v47;
	[tilespmem:s26+$0xC0] =	vst v39;
	v48 =	vld [tilespmem:s21+$0xFFFFFF50]  }
0x15f: {  	v18 =	vmul.f32 v18, v37;
	v15 =	vcvt.s32.f32 v53;
	v51 =	vld [tilespmem:s21+$0xD0]  }
0x160: {  	[tilespmem:s11+$0xFFFFFF60] =	vst v12;
	v1 =	vmul.f32 v38, v1;
	v54 =	vmul.f32 v22, v25  }
0x161: {  	v57 =	vld [tilespmem:s13+$0xFFFFFF70];
	v29 =	vor.u32 $0x3, v21;
	[tilespmem:s0+$0x50] =	vst v18;
	v60 =	vmul.f32 v15, v26;
	v55 =	vshll.u32 v45, s20  }
0x162: {  	v52 =	vld [tilespmem:s19+$0x60];
	v50 =	vshll.u32 v16, s28;
	v18 =	vshll.u32 v63, s18;
	v59 =	vshra.s32 v55, $0x18;
	[tilespmem:s26+$0x40] =	vst v54  }
0x163: {  	[tilespmem:s26+$0xFFFFFFC0] =	vst v60;
	v18 =	vshra.s32 v18, $0x18;
	v11 =	vcvt.s32.f32 v59;
	v62 =	vld [tilespmem:s21+$0x50];
	v61 =	vshll.u32 v48, s15  }
0x164: {  	v42 =	vshll.u32 v56, s16;
	v43 =	vld [tilespmem:s21+$0xFFFFFFD0];
	v37 =	vshll.u32 v51, s2;
	v36 =	vshra.s32 v61, $0x18  }
0x165: {  	v18 =	vcvt.s32.f32 v18;
	v40 =	vshra.s32 v37, $0x18;
	v9 =	vcvt.s32.f32 v36  }
0x166: {  	[tilespmem:s11+$0x60] =	vst v14;
	v14 =	vshra.s32 v42, $0x18;
	v11 =	vmul.f32 v11, v8;
	v12 =	vcvt.s32.f32 v40  }
0x167: {  	v56 =	vshll.u32 v57, s22;
	v46 =	vcvt.s32.f32 v14;
	v9 =	vmul.f32 v9, v32  }
0x168: {  	v41 =	vshll.u32 v52, s29;
	[tilespmem:s0+$0xFFFFFF60] =	vst v11;
	v47 =	vshll.u32 v62, s25;
	v12 =	vmul.f32 v12, v19  }
0x169: {  	v45 =	vld [tilespmem:s13+$0xFFFFFFF0];
	v11 =	vmul.f32 v46, v4;
	v53 =	vshll.u32 v43, s3;
	v49 =	vshra.s32 v47, $0x18;
	[tilespmem:s26+$0xFFFFFF50] =	vst v9  }
0x16a: {  	v52 =	vshra.s32 v50, $0x18;
	v55 =	vshra.s32 v53, $0x18;
	v9 =	vcvt.s32.f32 v49;
	[tilespmem:s26+$0xD0] =	vst v12;
	v51 =	vld [tilespmem:s21+$0xFFFFFF60]  }
0x16b: {  	v13 =	vshra.s32 v41, $0x18;
	v10 =	vmul.f32 v18, v10;
	[tilespmem:s0+$0xE0] =	vst v11;
	v11 =	vcvt.s32.f32 v55;
	v54 =	vld [tilespmem:s21+$0xE0]  }
0x16c: {  	v14 =	vshra.s32 v56, $0x18;
	v13 =	vcvt.s32.f32 v13;
	v9 =	vmul.f32 v9, v25  }
0x16d: {  	v37 =	vor.u32 $0x3, v30;
	v14 =	vcvt.s32.f32 v14;
	v11 =	vmul.f32 v11, v26  }
0x16e: {  	v44 =	vld [tilespmem:s13+$0x70];
	v59 =	vshll.u32 v45, s17;
	v39 =	vperm.xlane v17, v37;
	v12 =	vcvt.s32.f32 v52;
	[tilespmem:s26+$0x50] =	vst v9  }
0x16f: {  	v40 =	vor.u32 $0x3, v24;
	v13 =	vmul.f32 v13, v7;
	[tilespmem:s26+$0xFFFFFFD0] =	vst v11;
	v63 =	vld [tilespmem:s21+$0x60];
	v62 =	vshll.u32 v51, s15  }
0x170: {  	v12 =	vmul.f32 v12, v3;
	v36 =	vld [tilespmem:s21+$0xFFFFFFE0];
	v19 =	vshll.u32 v54, s2;
	v15 =	vshra.s32 v62, $0x18  }
0x171: {  	v43 =	vperm.xlane v27, v40;
	v19 =	vshra.s32 v19, $0x18;
	v15 =	vcvt.s32.f32 v15  }
0x172: {  	v23 =	vshra.s32 v59, $0x18;
	v48 =	vld [tilespmem:s19+$0xFFFFFF70];
	[tilespmem:s0+$0xFFFFFFE0] =	vst v12;
	v12 =	vperm.xlane v20, v29;
	v19 =	vcvt.s32.f32 v19  }
0x173: {  	v58 =	vshll.u32 v44, s12;
	v23 =	vcvt.s32.f32 v23;
	v57 =	vld [tilespmem:s19+$0xF0];
	[tilespmem:s0+$0x60] =	vst v13;
	v15 =	vmul.f32 v15, v34  }
0x174: {  	[tilespmem:s1+$0x70] =	vst v33;
	v6 =	vmul.f32 v14, v6;
	v60 =	vld [tilespmem:s19+$0x70];
	v16 =	vshll.u32 v63, s25;
	v19 =	vmul.f32 v19, v12  }
0x175: {  	v13 =	vshra.s32 v58, $0x18;
	v45 =	vshll.u32 v36, s3;
	v41 =	vshra.s32 v16, $0x18;
	[tilespmem:s26+$0xFFFFFF60] =	vst v15  }
0x176: {  	v13 =	vcvt.s32.f32 v13;
	v32 =	vld [tilespmem:s19+$0xFFFFFFF0];
	v15 =	vcvt.s32.f32 v41;
	[tilespmem:s26+$0xE0] =	vst v19;
	v19 =	vshra.s32 v45, $0x18  }
0x177: {  	[tilespmem:s1+$0xFFFFFFF0] =	vst v1;
	v2 =	vmul.f32 v23, v2;
	v61 =	vshll.u32 v48, s20;
	v44 =	vld [tilespmem:s21+$0xFFFFFF70];
	v19 =	vcvt.s32.f32 v19  }
0x178: {  	[tilespmem:s11+$0xF0] =	vst v10;
	v5 =	vmul.f32 v13, v5;
	v22 =	vshll.u32 v57, s16;
	v15 =	vmul.f32 v15, v43  }
0x179: {  	[tilespmem:s11+$0xFFFFFF70] =	vst v6;
	v9 =	vshra.s32 v61, $0x18;
	v25 =	vshll.u32 v60, s29;
	v19 =	vmul.f32 v19, v39  }
0x17a: {  	v50 =	vcvt.s32.f32 v9;
	v51 =	vshra.s32 v22, $0x18;
	v52 =	vshra.s32 v25, $0x18;
	v46 =	vld [tilespmem:s21+$0xF0];
	[tilespmem:s26+$0x60] =	vst v15  }
0x17b: {  	v9 =	vcvt.s32.f32 v51;
	v53 =	vcvt.s32.f32 v52;
	v42 =	vshll.u32 v32, s28;
	v48 =	vld [tilespmem:s21+$0x70];
	[tilespmem:s26+$0xFFFFFFE0] =	vst v19  }
0x17c: {  	[tilespmem:s11+$0xFFFFFFF0] =	vst v2;
	v56 =	vmul.f32 v50, v8;
	v54 =	vshra.s32 v42, $0x18;
	v47 =	vshll.u32 v44, s15;
	v49 =	vld [tilespmem:s21+$0xFFFFFFF0]  }
0x17d: {  	[tilespmem:s11+$0x70] =	vst v5;
	v2 =	vmul.f32 v9, v4;
	v57 =	vcvt.s32.f32 v54;
	v59 =	vshra.s32 v47, $0x18  }
0x17e: {  	v58 =	vmul.f32 v53, v7;
	[tilespmem:s0+$0xFFFFFF70] =	vst v56;
	v60 =	vcvt.s32.f32 v59  }
0x17f: {  	[tilespmem:s0+$0xF0] =	vst v2;
	v3 =	vmul.f32 v57, v3;
	v1 =	vshll.u32 v46, s2  }
0x180: {  	[tilespmem:s0+$0x70] =	vst v58;
	v1 =	vshra.s32 v1, $0x18;
	v55 =	vshll.u32 v48, s25;
	v62 =	vmul.f32 v60, v34  }
0x181: {  	[tilespmem:s0+$0xFFFFFFF0] =	vst v3;
	v1 =	vcvt.s32.f32 v1;
	v2 =	vshra.s32 v55, $0x18;
	v61 =	vshll.u32 v49, s3  }
0x182: {  	s5 =	rddreg [dreg:$0xb];
	v2 =	vcvt.s32.f32 v2;
	v63 =	vshra.s32 v61, $0x18;
	[tilespmem:s26+$0xFFFFFF70] =	vst v62  }
0x183: {  	v1 =	vmul.f32 v1, v12;
	s25 =	sshll.u32 s5, $0x2;
	v3 =	vcvt.s32.f32 v63;
	s1 =	rddreg [dreg:$0x7]  }
0x184: {  	v2 =	vmul.f32 v2, v43;
	s0 =	sadd.s32 s1, s25  }
0x185: {  	[tilespmem:s26+$0xF0] =	vst v1;
	v1 =	vmul.f32 v3, v39;
	s1 =	smul.u32 $0x380, s0  }
0x186: {  	s0 =	smul.u32 $0x1C00, s0;
	[tilespmem:s26+$0x70] =	vst v2  }
0x187: {  	[tilespmem:s26+$0xFFFFFFF0] =	vst v1  }
0x188: {  	s4 =	simm.s32 $0xFB80;
	s0 =	sshrl.u32 s0, $0x3;
	s26 =	rddreg [dreg:$0x6]  }
0x189: {  	s28 =	simm.s32 $0x0;
	s1 =	sadd.s32 s26, s1;
	s0 =	sadd.s32 s26, s0  }
0x18a: {  	[hbm4b:s1+s28] =	stream.linear.scatter [tilespmem:s4], [sflag:$0x5], $0x1900, $0x38;
	[tilespmem:$0x16380] =	vst v63  }
0x18b: {  	s30 =	simm.s32 $0x2;
	s29 =	simm.s32 $0x11480;
	s0 =	sadd.s32 $0x380, s0  }
0x18c: {  	[hbm4b:s0+s28] =	stream.linear.scatter [tilespmem:s29], [sflag:$0x6], $0x1900, $0x38;
	[tilespmem:$0x16380] =	vst v63  }
0x18d: {  	p1 =	seq.s32 s5, $0x1F;
	_ =	swait.ge [sflag:s30], $0x3800  }
.Ltmp3:
0x18e: {  	[sflag:s30] =	ssyncset.done $0x0;
	(pc) =	sbr.rel @p1 .LBB2_12-.Ltmp3, $4  }
0x18f: {  	s31 =	simm.s32 $0x4;
	[sflag:s30] =	ssyncadd.s32 $0xFFFFC800  }
0x190: {  	_ =	swait.ge [sflag:s31], $0x3800  }
0x191: {  	[sflag:s31] =	ssyncset.done $0x0  }
0x192: {  	[sflag:s31] =	ssyncadd.s32 $0xFFFFC800  }
0x193: {  	s0 =	rddreg [dreg:$0x11]  }
0x194: {  	v1 =	vld [tilespmem:s0+$0xC8]  }
0x195: {  	v2 =	vld [tilespmem:s0+$0xD8];
	_ =	sdelay $0x1  }
0x196: {  	v3 =	vld [tilespmem:s0+$0xE8];
	_ =	sdelay $0x1  }
0x197: {  	v63 =	vld [tilespmem:s0+$0xF8];
	v4 =	vshra.s32 v1, $0x2;
	v1 =	vshra.s32 v1, $0x5  }
0x198: {  	[tilespmem:$0x1A80] =	vst v1;
	v1 =	vshra.s32 v2, $0x2  }
0x199: {  	[tilespmem:$0x1990] =	vst v1;
	v1 =	vshra.s32 v2, $0x5  }
0x19a: {  	[tilespmem:$0x1A90] =	vst v1;
	v1 =	vshra.s32 v3, $0x2  }
0x19b: {  	[tilespmem:$0x19A0] =	vst v1;
	v1 =	vshra.s32 v3, $0x5  }
0x19c: {  	[tilespmem:$0x1AA0] =	vst v1;
	v1 =	vshra.s32 v63, $0x2  }
0x19d: {  	s31 =	rddreg [dreg:$0xe];
	[tilespmem:$0x19B0] =	vst v1;
	v1 =	vshra.s32 v63, $0x5  }
0x19e: {  	[tilespmem:$0x1AB0] =	vst v1;
	v1 =	vmov s31;
	_ =	sdelay $0x2  }
0x19f: {  	s1 =	simm.s32 $0x0;
	[tilespmem:$0x1980] =	vst v4  }
.LBB2_10:
0x1a0: {  	s0 =	sshra.s32 s1, $0x2  }
0x1a1: {  	v2 =	vld.idx.msk [tilespmem:v1+s0+$0x0 ss:$0x1], $0xffff;
	_ =	sdelay $0x1  }
0x1a2: {  	p1 =	sne.s32 s1, $0x80  }
.Ltmp4:
0x1a3: {  	_ = 	snop;
	(pc) =	sbr.rel @p1 .LBB2_10-.Ltmp4, $4  }
0x1a4: {  	_ = 	snop  }
0x1a5: {  	v3 =	vshra.s32 v2, $0x2  }
0x1a6: {  	v2 =	vshra.s32 v2, $0x5;
	[tilespmem:s0+$0x19C0] =	vst v3  }
0x1a7: {  	s1 =	sadd.s32 $0x40, s1;
	[tilespmem:s0+$0x1AC0] =	vst v2  }
.Ltmp5:
0x1a8: {  	s0 =	rddreg [dreg:$0x1];
	(pc) =	sbr.rel @p0 .LBB2_13-.Ltmp5, $4  }
0x1a9: {  	s1 =	simm.s32 $0x70;
	s2 =	simm.s32 $0x1980;
	s3 =	simm.s32 $0x1B80  }
0x1aa: {  	[tilespmem:s3], [sflag:$0x1] =	stream.indirect.gather [hbm4b:s0+s1], $0x80, s2, s1, $0xb8;
	[tilespmem:$0x16380] =	vst v63  }
0x1ab: {  	s29 =	rddreg [dreg:$0x2];
	s30 =	simm.s32 $0x1A80;
	s31 =	simm.s32 $0x8B80  }
0x1ac: {  	[tilespmem:s31], [sflag:$0x3] =	stream.indirect.gather [hbm4b:s29+s1], $0x80, s30, s1, $0xb8;
	[tilespmem:$0x16380] =	vst v63  }
.LBB2_12:
0x1ad: {  	s0 =	simm.s32 $0x7  }
0x1ae: {  	_ =	swait.ge [sflag:s0], $0x1900  }
0x1af: {  	[sflag:s0] =	ssyncset.done $0x0  }
0x1b0: {  	s31 =	simm.s32 $0x8;
	[sflag:s0] =	ssyncadd.s32 $0xFFFFE700  }
0x1b1: {  	_ =	swait.ge [sflag:s31], $0x1900  }
0x1b2: {  	[sflag:s31] =	ssyncset.done $0x0  }
0x1b3: {  	[sflag:s31] =	ssyncadd.s32 $0xFFFFE700  }
.LBB2_13:
0x1b4: {  	s7 =	rddreg [dreg:$0xf]  }
0x1b5: {  	v1 =	vld [tilespmem:s7+$0x0]  }
0x1b6: {  	v2 =	vld [tilespmem:s7+$0xFFFFFFFF]  }
0x1b7: {  	v3 =	vld [tilespmem:s7+$0xFFFFFFFE]  }
0x1b8: {  	v4 =	vld [tilespmem:s7+$0xFFFFFFFD];
	_ =	sdelay $0x1  }
0x1b9: {  	(v2sf) =	vpush v1, $0x0  }
0x1ba: {  	(v2sf) =	vpush v2, $0x0  }
0x1bb: {  	(v2sf) =	vpush v3, $0x0  }
0x1bc: {  	(v2sf) =	vpush v4, $0x0;
	_ =	sdelay $0xb  }
0x1bd: {  	s0 =	spop (v2sf)  }
0x1be: {  	s4 =	spop (v2sf)  }
0x1bf: {  	s5 =	spop (v2sf)  }
0x1c0: {  	s1 =	spop (v2sf)  }
0x1c1: {  	s2 =	sshll.u32 s1, $0x2  }
0x1c2: {  	s23 =	simm.s32 $0x5480;
	s3 =	sand.u32 $0x7C, s2  }
0x1c3: {  	v1 =	vld [tilespmem:s23+$0xFFFFFF00];
	s6 =	smin.u32 s3, $0x70  }
0x1c4: {  	s19 =	sadd.s32 $0xC380, s6  }
0x1c5: {  	s1 =	sxor.u32 $0xFFFFFFFF, s1;
	v2 =	vld [tilespmem:s19+$0x0]  }
0x1c6: {  	s1 =	sshll.u32 s1, $0x3  }
0x1c7: {  	s2 =	sand.u32 $0x18, s1  }
0x1c8: {  	s20 =	ssub.s32 s3, s6;
	v1 =	vshll.u32 v1, s2  }
0x1c9: {  	v1 =	vshra.s32 v1, $0x18;
	v3 =	vmov s20  }
0x1ca: {  	v1 =	vcvt.s32.f32 v1;
	v4 =	vperm.xlane v2, v3;
	_ =	sdelay $0x1  }
0x1cb: {  	v1 =	vmul.f32 v1, v4  }
0x1cc: {  	s1 =	simm.s32 $0x13080  }
0x1cd: {  	[tilespmem:s1+$0xFFFFFF00] =	vst v1  }
0x1ce: {  	v1 =	vld [tilespmem:s23+$0xFFFFFF10];
	_ =	sdelay $0x4  }
0x1cf: {  	v1 =	vshll.u32 v1, s2  }
0x1d0: {  	v1 =	vshra.s32 v1, $0x18  }
0x1d1: {  	v1 =	vcvt.s32.f32 v1;
	_ =	sdelay $0x1  }
0x1d2: {  	s3 =	sadd.s32 $0x4, s7;
	v1 =	vmul.f32 v1, v4  }
0x1d3: {  	v5 =	vld [tilespmem:s3+$0x0]  }
0x1d4: {  	s8 =	sshll.u32 s4, $0x2;
	v4 =	vld [tilespmem:s3+$0xFFFFFFFF];
	[tilespmem:s1+$0xFFFFFF10] =	vst v1  }
0x1d5: {  	s8 =	sand.u32 $0x7C, s8;
	v1 =	vld [tilespmem:s23+$0xFFFFFF20]  }
0x1d6: {  	v6 =	vld [tilespmem:s23+$0x80];
	s11 =	smin.u32 s8, $0x70  }
0x1d7: {  	v7 =	vld [tilespmem:s23+$0xFFFFFF80];
	s25 =	sadd.s32 $0xC380, s11  }
0x1d8: {  	s21 =	sxor.u32 $0xFFFFFFFF, s0;
	s0 =	sshll.u32 s0, $0x2;
	v21 =	vld [tilespmem:s25+$0x100];
	(v2sf) =	vpush v5, $0x0  }
0x1d9: {  	s0 =	sand.u32 $0x7C, s0;
	v5 =	vld [tilespmem:s3+$0xFFFFFFFE]  }
0x1da: {  	s22 =	smin.u32 s0, $0x70;
	s9 =	sxor.u32 $0xFFFFFFFF, s5;
	s5 =	sshll.u32 s5, $0x2;
	v9 =	vld [tilespmem:s3+$0xFFFFFFFD];
	(v2sf) =	vpush v4, $0x0;
	v1 =	vshll.u32 v1, s2  }
0x1db: {  	s5 =	sand.u32 $0x7C, s5;
	s10 =	sadd.s32 $0xC380, s22;
	s6 =	sshll.u32 s21, $0x3;
	v8 =	vor.u32 $0x1, v3;
	v4 =	vld [tilespmem:s23+$0x0];
	v1 =	vshra.s32 v1, $0x18  }
0x1dc: {  	s0 =	ssub.s32 s0, s22;
	s12 =	smin.u32 s5, $0x70;
	v20 =	vld [tilespmem:s10+$0x180];
	s6 =	sand.u32 $0x18, s6;
	v10 =	vperm.xlane v2, v8;
	v1 =	vcvt.s32.f32 v1  }
0x1dd: {  	s4 =	sxor.u32 $0xFFFFFFFF, s4;
	v25 =	vmov s0;
	s26 =	sadd.s32 $0xC380, s12;
	v6 =	vshll.u32 v6, s6  }
0x1de: {  	s4 =	sshll.u32 s4, $0x3;
	s9 =	sshll.u32 s9, $0x3;
	s11 =	ssub.s32 s8, s11;
	v6 =	vshra.s32 v6, $0x18;
	v8 =	vld [tilespmem:s26+$0x80];
	(v2sf) =	vpush v5, $0x0;
	v1 =	vmul.f32 v1, v10  }
0x1df: {  	s24 =	sand.u32 $0x18, s9;
	v27 =	vmov s11;
	v6 =	vcvt.s32.f32 v6;
	s26 =	sand.u32 $0x18, s4;
	(v2sf) =	vpush v9, $0x0  }
0x1e0: {  	v11 =	vperm.xlane v21, v27;
	v5 =	vshll.u32 v7, s24;
	v4 =	vshll.u32 v4, s26;
	[tilespmem:s1+$0xFFFFFF20] =	vst v1  }
0x1e1: {  	s13 =	ssub.s32 s5, s12;
	v5 =	vshra.s32 v5, $0x18;
	v7 =	vshra.s32 v4, $0x18;
	v1 =	vperm.xlane v20, v25;
	v9 =	vld [tilespmem:s23+$0xFFFFFF30]  }
0x1e2: {  	v5 =	vcvt.s32.f32 v5;
	v4 =	vmov s13;
	v7 =	vcvt.s32.f32 v7  }
0x1e3: {  	v12 =	vperm.xlane v8, v4;
	v6 =	vmul.f32 v6, v1  }
0x1e4: {  	v7 =	vmul.f32 v7, v11  }
0x1e5: {  	v5 =	vmul.f32 v5, v12;
	[tilespmem:s1+$0x80] =	vst v6  }
0x1e6: {  	[tilespmem:s1+$0x0] =	vst v7;
	v6 =	vld [tilespmem:s23+$0x90];
	v7 =	vshll.u32 v9, s2  }
0x1e7: {  	s14 =	spop (v2sf);
	[tilespmem:s1+$0xFFFFFF80] =	vst v5;
	v9 =	vld [tilespmem:s23+$0x10];
	v5 =	vshra.s32 v7, $0x18  }
0x1e8: {  	s12 =	simm.s32 $0x5680;
	s15 =	sshll.u32 s14, $0x2;
	v7 =	vld [tilespmem:s23+$0xFFFFFF90];
	v5 =	vcvt.s32.f32 v5  }
0x1e9: {  	v13 =	vld [tilespmem:s12+$0x80];
	s4 =	sand.u32 $0x7C, s15;
	s16 =	spop (v2sf)  }
0x1ea: {  	v14 =	vld [tilespmem:s12+$0x0];
	s3 =	sadd.s32 $0x4, s3;
	s17 =	smin.u32 s4, $0x70;
	s18 =	sshll.u32 s16, $0x2;
	v10 =	vmul.f32 v5, v10  }
0x1eb: {  	v15 =	vld [tilespmem:s12+$0xFFFFFF00];
	s0 =	sxor.u32 $0xFFFFFFFF, s14;
	s19 =	sadd.s32 $0xC580, s17;
	s8 =	sand.u32 $0x7C, s18  }
0x1ec: {  	v17 =	vor.u32 $0x2, v3;
	s0 =	sshll.u32 s0, $0x3;
	s5 =	sxor.u32 $0xFFFFFFFF, s16;
	s21 =	smin.u32 s8, $0x70;
	v5 =	vld [tilespmem:s19+$0x180];
	v6 =	vshll.u32 v6, s6;
	v9 =	vshll.u32 v9, s26;
	[tilespmem:s1+$0xFFFFFF30] =	vst v10  }
0x1ed: {  	s20 =	spop (v2sf);
	s5 =	sshll.u32 s5, $0x3;
	s13 =	sadd.s32 $0xC580, s21;
	v6 =	vshra.s32 v6, $0x18;
	v7 =	vshll.u32 v7, s24;
	v9 =	vshra.s32 v9, $0x18;
	v16 =	vld [tilespmem:s23+$0xFFFFFF40]  }
0x1ee: {  	s30 =	sand.u32 $0x18, s0;
	s22 =	spop (v2sf);
	v6 =	vcvt.s32.f32 v6;
	v10 =	vshra.s32 v7, $0x18;
	v9 =	vcvt.s32.f32 v9;
	v7 =	vld [tilespmem:s13+$0x100];
	s13 =	sand.u32 $0x18, s5  }
0x1ef: {  	v22 =	vld [tilespmem:s3+$0xFFFFFFFF];
	s4 =	ssub.s32 s4, s17;
	s15 =	sshll.u32 s20, $0x2;
	s0 =	sshll.u32 s22, $0x2;
	v18 =	vcvt.s32.f32 v10;
	v10 =	vshll.u32 v13, s30;
	v14 =	vshll.u32 v14, s13  }
0x1f0: {  	s25 =	sxor.u32 $0xFFFFFFFF, s22;
	s11 =	ssub.s32 s8, s21;
	s0 =	sand.u32 $0x7C, s0;
	v13 =	vld [tilespmem:s3+$0x0];
	v6 =	vmul.f32 v6, v1;
	v1 =	vor.u32 $0x3, v4;
	v19 =	vmul.f32 v9, v11  }
0x1f1: {  	v23 =	vld [tilespmem:s3+$0xFFFFFFFE];
	s7 =	sshll.u32 s25, $0x3;
	s14 =	smin.u32 s0, $0x70;
	s5 =	sand.u32 $0x7C, s15;
	v9 =	vshra.s32 v10, $0x18;
	v10 =	vmov s4;
	v11 =	vmov s11  }
0x1f2: {  	v28 =	vld [tilespmem:s3+$0xFFFFFFFD];
	s16 =	sadd.s32 $0xC580, s14;
	s17 =	smin.u32 s5, $0x70;
	s11 =	sand.u32 $0x18, s7;
	v14 =	vshra.s32 v14, $0x18;
	v24 =	vperm.xlane v5, v10;
	v26 =	vcvt.s32.f32 v9  }
0x1f3: {  	s19 =	sadd.s32 $0xC580, s17;
	v15 =	vshll.u32 v15, s11;
	v9 =	vld [tilespmem:s16+$0x0];
	v14 =	vcvt.s32.f32 v14;
	v16 =	vshll.u32 v16, s2  }
0x1f4: {  	v33 =	vld [tilespmem:s19+$0x80];
	v26 =	vmul.f32 v26, v24;
	v30 =	vperm.xlane v7, v11;
	v16 =	vshra.s32 v16, $0x18  }
0x1f5: {  	s4 =	sadd.s32 $0x4, s3;
	[tilespmem:s1+$0x10] =	vst v19;
	v19 =	vld [tilespmem:s12+$0xFFFFFF80];
	(v2sf) =	vpush v13, $0x0;
	v13 =	vperm.xlane v2, v17;
	v16 =	vcvt.s32.f32 v16  }
0x1f6: {  	s0 =	ssub.s32 s0, s14;
	s14 =	simm.s32 $0x13280;
	v32 =	vld [tilespmem:s4+$0xFFFFFFFF];
	v15 =	vshra.s32 v15, $0x18;
	(v2sf) =	vpush v22, $0x0;
	v14 =	vmul.f32 v14, v30  }
0x1f7: {  	s9 =	sxor.u32 $0xFFFFFFFF, s20;
	v29 =	vld [tilespmem:s23+$0x20];
	v17 =	vmov s0;
	[tilespmem:s14+$0x80] =	vst v26;
	(v2sf) =	vpush v23, $0x0;
	v16 =	vmul.f32 v16, v13  }
0x1f8: {  	s20 =	sshll.u32 s9, $0x3;
	v15 =	vcvt.s32.f32 v15;
	v31 =	vperm.xlane v9, v17;
	(v2sf) =	vpush v28, $0x0;
	v28 =	vld [tilespmem:s4+$0x0];
	[tilespmem:s14+$0x0] =	vst v14  }
0x1f9: {  	s18 =	sand.u32 $0x18, s20;
	s21 =	ssub.s32 s5, s17;
	v1 =	vperm.xlane v8, v1;
	v12 =	vmul.f32 v18, v12;
	v22 =	vor.u32 $0x2, v4;
	v26 =	vld [tilespmem:s12+$0x10];
	[tilespmem:s1+$0xFFFFFF40] =	vst v16  }
0x1fa: {  	v23 =	vmov s21;
	v15 =	vmul.f32 v15, v31;
	v16 =	vshll.u32 v19, s18;
	v18 =	vld [tilespmem:s23+$0xFFFFFF50]  }
0x1fb: {  	v4 =	vor.u32 $0x1, v4;
	v36 =	vor.u32 $0x2, v23;
	v16 =	vshra.s32 v16, $0x18  }
0x1fc: {  	v61 =	vor.u32 $0x3, v23;
	[tilespmem:s14+$0xFFFFFF00] =	vst v15;
	v15 =	vld [tilespmem:s4+$0xFFFFFFFE];
	v14 =	vcvt.s32.f32 v16;
	v16 =	vperm.xlane v33, v23  }
0x1fd: {  	v29 =	vshll.u32 v29, s26;
	v19 =	vld [tilespmem:s12+$0x90];
	(v2sf) =	vpush v28, $0x0;
	v28 =	vor.u32 $0x1, v27  }
0x1fe: {  	[tilespmem:s1+$0xFFFFFF90] =	vst v12;
	v12 =	vmul.f32 v14, v16;
	v14 =	vld [tilespmem:s12+$0xFFFFFF10];
	(v2sf) =	vpush v32, $0x0;
	v26 =	vshll.u32 v26, s13  }
0x1ff: {  	v52 =	vld [tilespmem:s23+$0xFFFFFFA0];
	v34 =	vshll.u32 v18, s2;
	v18 =	vperm.xlane v21, v28;
	v28 =	vshra.s32 v29, $0x18  }
0x200: {  	v26 =	vshra.s32 v26, $0x18;
	[tilespmem:s14+$0xFFFFFF80] =	vst v12;
	v12 =	vshra.s32 v34, $0x18;
	v28 =	vcvt.s32.f32 v28  }
0x201: {  	(v2sf) =	vpush v15, $0x0;
	v15 =	vcvt.s32.f32 v26;
	v29 =	vld [tilespmem:s12+$0xFFFFFF90];
	v12 =	vcvt.s32.f32 v12  }
0x202: {  	v23 =	vor.u32 $0x1, v23;
	v19 =	vshll.u32 v19, s30;
	v28 =	vmul.f32 v28, v18  }
0x203: {  	v53 =	vld [tilespmem:s4+$0xFFFFFFFD];
	[tilespmem:s1+$0x90] =	vst v6;
	s19 =	simm.s32 $0x5880;
	v15 =	vmul.f32 v15, v30;
	v14 =	vshll.u32 v14, s11;
	v12 =	vmul.f32 v12, v13  }
0x204: {  	v38 =	vld [tilespmem:s19+$0x0];
	v30 =	vperm.xlane v8, v4;
	v13 =	vshll.u32 v52, s24;
	v14 =	vshra.s32 v14, $0x18;
	[tilespmem:s1+$0x20] =	vst v28  }
0x205: {  	s10 =	spop (v2sf);
	v14 =	vcvt.s32.f32 v14;
	v13 =	vshra.s32 v13, $0x18;
	[tilespmem:s1+$0xFFFFFF50] =	vst v12;
	v12 =	vshra.s32 v19, $0x18;
	v19 =	vld [tilespmem:s23+$0xA0]  }
0x206: {  	[tilespmem:s14+$0x10] =	vst v15;
	v15 =	vor.u32 $0x3, v3;
	s5 =	spop (v2sf);
	s22 =	sshll.u32 s10, $0x2;
	v4 =	vcvt.s32.f32 v13;
	v13 =	vshll.u32 v29, s18;
	v40 =	vld [tilespmem:s23+$0x30]  }
0x207: {  	s7 =	spop (v2sf);
	s15 =	sshll.u32 s5, $0x2;
	s5 =	sxor.u32 $0xFFFFFFFF, s5;
	v6 =	vld [tilespmem:s23+$0xFFFFFF60];
	v14 =	vmul.f32 v14, v31;
	v12 =	vcvt.s32.f32 v12;
	v13 =	vshra.s32 v13, $0x18  }
0x208: {  	(v2sf) =	vpush v53, $0x0;
	s0 =	sand.u32 $0x7C, s22;
	s9 =	spop (v2sf);
	v31 =	vperm.xlane v2, v15;
	s5 =	sshll.u32 s5, $0x3;
	v3 =	vcvt.s32.f32 v13  }
0x209: {  	s25 =	smin.u32 s0, $0x70;
	s16 =	sshll.u32 s7, $0x2;
	v4 =	vmul.f32 v4, v30;
	s29 =	sand.u32 $0x18, s5;
	[tilespmem:s14+$0xFFFFFF10] =	vst v14;
	v14 =	vor.u32 $0x1, v17;
	v34 =	vmul.f32 v12, v24  }
0x20a: {  	s15 =	sand.u32 $0x7C, s15;
	s7 =	sxor.u32 $0xFFFFFFFF, s7;
	v13 =	vld [tilespmem:s12+$0x20];
	s3 =	sadd.s32 $0xC780, s25;
	v24 =	vor.u32 $0x1, v11;
	v56 =	vshll.u32 v38, s29;
	v26 =	vmul.f32 v3, v16  }
0x20b: {  	s0 =	ssub.s32 s0, s25;
	s8 =	sand.u32 $0x7C, s16;
	s22 =	sshll.u32 s9, $0x2;
	[tilespmem:s1+$0xFFFFFFA0] =	vst v4;
	v3 =	vld [tilespmem:s3+$0x180];
	v32 =	vperm.xlane v7, v24;
	v28 =	vperm.xlane v9, v14;
	v16 =	vshll.u32 v19, s6  }
0x20c: {  	s20 =	smin.u32 s15, $0x70;
	s7 =	sshll.u32 s7, $0x3;
	s16 =	smin.u32 s8, $0x70;
	v24 =	vld [tilespmem:s19+$0xFFFFFF80];
	v40 =	vshll.u32 v40, s26;
	[tilespmem:s14+$0x90] =	vst v34;
	v34 =	vor.u32 $0x2, v11;
	v4 =	vshll.u32 v6, s2  }
0x20d: {  	s25 =	ssub.s32 s15, s20;
	s22 =	sand.u32 $0x7C, s22;
	s21 =	sadd.s32 $0xC780, s16;
	v6 =	vor.u32 $0x1, v25;
	v15 =	vshra.s32 v16, $0x18;
	v40 =	vshra.s32 v40, $0x18  }
0x20e: {  	s3 =	spop (v2sf);
	v16 =	vld [tilespmem:s21+$0x80];
	v19 =	vshra.s32 v4, $0x18;
	v4 =	vmov s0;
	s0 =	ssub.s32 s8, s16;
	v39 =	vperm.xlane v20, v6;
	s8 =	smin.u32 s22, $0x70  }
0x20f: {  	v35 =	vld [tilespmem:s23+$0xFFFFFFB0];
	s17 =	sshll.u32 s3, $0x2;
	s15 =	spop (v2sf);
	v6 =	vmov s25;
	v15 =	vcvt.s32.f32 v15;
	v13 =	vshll.u32 v13, s13;
	s22 =	ssub.s32 s22, s8  }
0x210: {  	s28 =	sand.u32 $0x18, s7;
	v12 =	vld [tilespmem:s12+$0xFFFFFF20];
	v2 =	vcvt.s32.f32 v19;
	s16 =	sand.u32 $0x7C, s17;
	s17 =	sshll.u32 s15, $0x2;
	v19 =	vmov s0;
	v29 =	vmov s22  }
0x211: {  	v37 =	vld [tilespmem:s19+$0x80];
	s31 =	smin.u32 s16, $0x70;
	s21 =	sand.u32 $0x7C, s17;
	v41 =	vmul.f32 v15, v39;
	v24 =	vshll.u32 v24, s28;
	v45 =	vperm.xlane v3, v4  }
0x212: {  	v2 =	vmul.f32 v2, v31;
	s16 =	ssub.s32 s16, s31;
	s25 =	smin.u32 s21, $0x70;
	v24 =	vshra.s32 v24, $0x18;
	v52 =	vor.u32 $0x1, v29  }
0x213: {  	s10 =	sxor.u32 $0xFFFFFFFF, s10;
	v14 =	vmov s16;
	s0 =	ssub.s32 s21, s25;
	[tilespmem:s1+$0xA0] =	vst v41;
	v24 =	vcvt.s32.f32 v24;
	v47 =	vperm.xlane v16, v19  }
0x214: {  	s10 =	sshll.u32 s10, $0x3;
	[tilespmem:s1+$0xFFFFFF60] =	vst v2;
	v2 =	vshra.s32 v13, $0x18;
	v13 =	vshll.u32 v35, s24;
	v15 =	vmov s0;
	v43 =	vld [tilespmem:s23+$0xB0]  }
0x215: {  	s21 =	sand.u32 $0x18, s10;
	v42 =	vcvt.s32.f32 v2;
	v2 =	vshll.u32 v12, s11;
	v12 =	vshra.s32 v13, $0x18;
	v13 =	vld [tilespmem:s19+$0xFFFFFF00]  }
0x216: {  	s20 =	sadd.s32 $0xC780, s20;
	s16 =	spop (v2sf);
	v37 =	vshll.u32 v37, s21;
	v35 =	vshra.s32 v56, $0x18;
	v56 =	vor.u32 $0x2, v27  }
0x217: {  	s22 =	sxor.u32 $0xFFFFFFFF, s9;
	s17 =	sshll.u32 s16, $0x2;
	v27 =	vor.u32 $0x3, v27;
	v2 =	vshra.s32 v2, $0x18;
	v55 =	vcvt.s32.f32 v12;
	v12 =	vld [tilespmem:s20+$0x100]  }
0x218: {  	s0 =	sand.u32 $0x7C, s17;
	s17 =	sshll.u32 s22, $0x3;
	v58 =	vmul.f32 v24, v47;
	v44 =	vcvt.s32.f32 v2;
	v2 =	vshra.s32 v37, $0x18  }
0x219: {  	s10 =	sadd.s32 $0xC780, s8;
	s8 =	simm.s32 $0x13480;
	v54 =	vld [tilespmem:s23+$0xFFFFFF70];
	s17 =	sand.u32 $0x18, s17;
	v41 =	vmul.f32 v55, v30;
	v2 =	vcvt.s32.f32 v2;
	v57 =	vshll.u32 v43, s6  }
0x21a: {  	v35 =	vcvt.s32.f32 v35;
	[tilespmem:s8+$0xFFFFFF80] =	vst v58;
	v46 =	vshll.u32 v13, s17;
	v13 =	vld [tilespmem:s10+$0x0];
	v43 =	vshra.s32 v57, $0x18  }
0x21b: {  	s9 =	spop (v2sf);
	v24 =	vor.u32 $0x3, v17;
	v50 =	vld [tilespmem:s19+$0xFFFFFF90];
	v2 =	vmul.f32 v2, v45;
	[tilespmem:s1+$0xFFFFFFB0] =	vst v41;
	v43 =	vcvt.s32.f32 v43  }
0x21c: {  	s20 =	sshll.u32 s9, $0x2;
	v58 =	vor.u32 $0x2, v25;
	v44 =	vmul.f32 v44, v28;
	v48 =	vperm.xlane v12, v6;
	v49 =	vld [tilespmem:s23+$0xFFFFFFC0]  }
0x21d: {  	s7 =	smin.u32 s0, $0x70;
	s22 =	sand.u32 $0x7C, s20;
	v46 =	vshra.s32 v46, $0x18;
	[tilespmem:s8+$0x80] =	vst v2;
	v2 =	vcvt.s32.f32 v40;
	v43 =	vmul.f32 v43, v39  }
0x21e: {  	s0 =	ssub.s32 s0, s7;
	v25 =	vor.u32 $0x3, v25;
	s5 =	smin.u32 s22, $0x70;
	v59 =	vcvt.s32.f32 v46;
	v35 =	vmul.f32 v35, v48  }
0x21f: {  	v30 =	vmov s0;
	s0 =	ssub.s32 s22, s5;
	v60 =	vld [tilespmem:s19+$0x90];
	v18 =	vmul.f32 v2, v18;
	v62 =	vperm.xlane v13, v29;
	[tilespmem:s1+$0xB0] =	vst v43  }
0x220: {  	v37 =	vshll.u32 v54, s2;
	v38 =	vmov s0;
	v39 =	vmul.f32 v42, v32;
	[tilespmem:s8+$0x0] =	vst v35;
	v51 =	vld [tilespmem:s23+$0xC0]  }
0x221: {  	v50 =	vshll.u32 v50, s28;
	v63 =	vld [tilespmem:s19+$0x10];
	[tilespmem:s1+$0x30] =	vst v18;
	v49 =	vshll.u32 v49, s24;
	v40 =	vmul.f32 v59, v62  }
0x222: {  	v2 =	vperm.xlane v33, v61;
	v50 =	vshra.s32 v50, $0x18;
	v53 =	vld [tilespmem:s23+$0x40];
	v49 =	vshra.s32 v49, $0x18  }
0x223: {  	v35 =	vor.u32 $0x2, v17;
	v57 =	vcvt.s32.f32 v49;
	v49 =	vperm.xlane v8, v22;
	[tilespmem:s8+$0xFFFFFF00] =	vst v40  }
0x224: {  	v43 =	vperm.xlane v21, v56;
	v50 =	vcvt.s32.f32 v50;
	v46 =	vshll.u32 v60, s21;
	v22 =	vld [tilespmem:s19+$0xFFFFFF10]  }
0x225: {  	v8 =	vshra.s32 v46, $0x18;
	v40 =	vmul.f32 v57, v49;
	v51 =	vshll.u32 v51, s6  }
0x226: {  	[tilespmem:s14+$0xFFFFFF90] =	vst v26;
	v46 =	vperm.xlane v20, v58;
	v26 =	vshll.u32 v63, s29;
	v51 =	vshra.s32 v51, $0x18  }
0x227: {  	v60 =	vld [tilespmem:s12+$0xFFFFFFA0];
	v59 =	vshll.u32 v53, s26;
	[tilespmem:s1+$0xFFFFFFC0] =	vst v40;
	v26 =	vshra.s32 v26, $0x18;
	v51 =	vcvt.s32.f32 v51  }
0x228: {  	v35 =	vperm.xlane v9, v35;
	v42 =	vshra.s32 v59, $0x18;
	v61 =	vld [tilespmem:s23+$0xFFFFFFD0];
	v26 =	vcvt.s32.f32 v26  }
0x229: {  	v42 =	vcvt.s32.f32 v42;
	v22 =	vshll.u32 v22, s17;
	v51 =	vmul.f32 v51, v46  }
0x22a: {  	v8 =	vcvt.s32.f32 v8;
	v26 =	vmul.f32 v26, v48;
	v22 =	vshra.s32 v22, $0x18  }
0x22b: {  	v17 =	vor.u32 $0x3, v29;
	v42 =	vmul.f32 v42, v43;
	v54 =	vcvt.s32.f32 v22;
	[tilespmem:s1+$0xC0] =	vst v51  }
0x22c: {  	v22 =	vor.u32 $0x2, v29;
	v29 =	vmul.f32 v8, v45;
	v8 =	vshll.u32 v60, s18;
	[tilespmem:s8+$0x10] =	vst v26;
	v63 =	vld [tilespmem:s23+$0xD0]  }
0x22d: {  	[tilespmem:s1+$0x40] =	vst v42;
	v53 =	vshll.u32 v61, s24;
	v8 =	vshra.s32 v8, $0x18;
	v55 =	vld [tilespmem:s19+$0x20];
	v62 =	vmul.f32 v54, v62  }
0x22e: {  	v40 =	vperm.xlane v33, v23;
	v54 =	vld [tilespmem:s23+$0x50];
	v23 =	vcvt.s32.f32 v8;
	v8 =	vshra.s32 v53, $0x18  }
0x22f: {  	v26 =	vor.u32 $0x3, v19;
	v42 =	vmul.f32 v50, v47;
	v57 =	vcvt.s32.f32 v8;
	[tilespmem:s8+$0xFFFFFF10] =	vst v62  }
0x230: {  	v8 =	vperm.xlane v16, v26;
	v26 =	vor.u32 $0x1, v6;
	v58 =	vmul.f32 v23, v40;
	v56 =	vld [tilespmem:s19+$0xFFFFFF20]  }
0x231: {  	s10 =	simm.s32 $0x5A80;
	v37 =	vshra.s32 v37, $0x18;
	v61 =	vld [tilespmem:s12+$0xA0];
	v23 =	vperm.xlane v12, v26;
	v49 =	vmul.f32 v57, v49  }
0x232: {  	v26 =	vperm.xlane v13, v52;
	v57 =	vor.u32 $0x1, v10;
	v41 =	vshll.u32 v63, s6;
	[tilespmem:s14+$0xFFFFFFA0] =	vst v58;
	v63 =	vld [tilespmem:s10+$0x80]  }
0x233: {  	v48 =	vshll.u32 v55, s29;
	v45 =	vshll.u32 v54, s26;
	v41 =	vshra.s32 v41, $0x18;
	v59 =	vld [tilespmem:s12+$0xFFFFFFB0];
	[tilespmem:s1+$0xFFFFFFD0] =	vst v49  }
0x234: {  	v48 =	vshra.s32 v48, $0x18;
	v45 =	vshra.s32 v45, $0x18;
	v41 =	vcvt.s32.f32 v41;
	v49 =	vld [tilespmem:s23+$0xFFFFFFE0]  }
0x235: {  	[tilespmem:s14+$0xFFFFFF20] =	vst v44;
	v60 =	vcvt.s32.f32 v48;
	v48 =	vperm.xlane v5, v57;
	v57 =	vld [tilespmem:s10+$0xFFFFFF00];
	v47 =	vshll.u32 v56, s17  }
0x236: {  	s22 =	sadd.s32 $0xC980, s31;
	v45 =	vcvt.s32.f32 v45;
	v41 =	vmul.f32 v41, v46;
	v56 =	vld [tilespmem:s12+$0xFFFFFF30];
	v47 =	vshra.s32 v47, $0x18  }
0x237: {  	s20 =	sxor.u32 $0xFFFFFFFF, s3;
	v18 =	vor.u32 $0x2, v19;
	v62 =	vcvt.s32.f32 v47;
	v47 =	vperm.xlane v20, v25;
	v20 =	vld [tilespmem:s22+$0x180]  }
0x238: {  	s0 =	sshll.u32 s20, $0x3;
	v45 =	vmul.f32 v45, v43;
	v25 =	vmul.f32 v60, v23;
	[tilespmem:s1+$0xD0] =	vst v41;
	v60 =	vshll.u32 v61, s30;
	v61 =	vld [tilespmem:s10+$0xFFFFFF80]  }
0x239: {  	[tilespmem:s14+$0x20] =	vst v39;
	v43 =	vperm.xlane v21, v27;
	v21 =	vshll.u32 v59, s18;
	s22 =	sand.u32 $0x18, s0;
	v27 =	vld [tilespmem:s23+$0xE0];
	v58 =	vshll.u32 v49, s24  }
0x23a: {  	s3 =	sadd.s32 $0xC980, s7;
	[tilespmem:s1+$0x50] =	vst v45;
	v50 =	vshra.s32 v21, $0x18;
	v45 =	vshra.s32 v60, $0x18;
	v46 =	vshll.u32 v63, s22;
	v63 =	vld [tilespmem:s12+$0x30]  }
0x23b: {  	s7 =	sxor.u32 $0xFFFFFFFF, s16;
	s31 =	smov.u32 s17;
	s17 =	sxor.u32 $0xFFFFFFFF, s9;
	v44 =	vmul.f32 v62, v26;
	v59 =	vld [tilespmem:s23+$0x60];
	v21 =	vshra.s32 v58, $0x18;
	v45 =	vcvt.s32.f32 v45  }
0x23c: {  	s16 =	sxor.u32 $0xFFFFFFFF, s15;
	s0 =	sshll.u32 s7, $0x3;
	s7 =	sshll.u32 s17, $0x3;
	v62 =	vld [tilespmem:s10+$0x0];
	v50 =	vcvt.s32.f32 v50;
	v46 =	vshra.s32 v46, $0x18;
	v51 =	vshll.u32 v56, s11  }
0x23d: {  	[tilespmem:s8+$0x20] =	vst v25;
	v25 =	vor.u32 $0x2, v30;
	v52 =	vcvt.s32.f32 v21;
	v21 =	vld [tilespmem:s3+$0x80];
	s3 =	sand.u32 $0x18, s0;
	s0 =	sshll.u32 s16, $0x3;
	s16 =	sand.u32 $0x18, s7;
	v51 =	vshra.s32 v51, $0x18  }
0x23e: {  	v45 =	vmul.f32 v45, v48;
	v40 =	vmul.f32 v50, v40;
	v58 =	vshll.u32 v57, s16  }
0x23f: {  	v41 =	vshll.u32 v61, s3;
	v51 =	vcvt.s32.f32 v51;
	v55 =	vperm.xlane v20, v14  }
0x240: {  	v27 =	vshll.u32 v27, s6;
	v41 =	vshra.s32 v41, $0x18;
	v53 =	vshll.u32 v63, s13  }
0x241: {  	s15 =	sand.u32 $0x18, s0;
	[tilespmem:s14+$0xA0] =	vst v45;
	v49 =	vshll.u32 v59, s26;
	v27 =	vshra.s32 v27, $0x18;
	v54 =	vcvt.s32.f32 v41  }
0x242: {  	v45 =	vld [tilespmem:s12+$0xB0];
	v51 =	vmul.f32 v51, v28;
	v28 =	vcvt.s32.f32 v46;
	v39 =	vshll.u32 v62, s15  }
0x243: {  	[tilespmem:s14+$0xFFFFFFB0] =	vst v40;
	v46 =	vshra.s32 v58, $0x18;
	v58 =	vcvt.s32.f32 v37;
	v27 =	vcvt.s32.f32 v27  }
0x244: {  	s25 =	sadd.s32 $0xC980, s25;
	[tilespmem:s8+$0xFFFFFF20] =	vst v44;
	v62 =	vld [tilespmem:s12+$0xFFFFFFC0];
	v49 =	vshra.s32 v49, $0x18;
	v41 =	vperm.xlane v21, v30;
	v56 =	vmul.f32 v28, v55  }
0x245: {  	v61 =	vshra.s32 v53, $0x18;
	v49 =	vcvt.s32.f32 v49;
	v28 =	vld [tilespmem:s25+$0x100];
	s25 =	simm.s32 $0x13680;
	[tilespmem:s14+$0xFFFFFF30] =	vst v51;
	v27 =	vmul.f32 v27, v47  }
0x246: {  	s20 =	sadd.s32 $0xC980, s5;
	v60 =	vcvt.s32.f32 v46;
	v39 =	vshra.s32 v39, $0x18;
	v54 =	vmul.f32 v54, v41;
	v51 =	vld [tilespmem:s12+$0xFFFFFF40];
	[tilespmem:s25+$0x80] =	vst v56  }
0x247: {  	v46 =	vcvt.s32.f32 v61;
	v49 =	vmul.f32 v49, v43;
	[tilespmem:s1+$0xE0] =	vst v27;
	v27 =	vld [tilespmem:s20+$0x0];
	v59 =	vshll.u32 v45, s30  }
0x248: {  	v44 =	vmul.f32 v58, v31;
	v31 =	vmul.f32 v52, v1;
	[tilespmem:s25+$0xFFFFFF80] =	vst v54;
	v50 =	vld [tilespmem:s23+$0xF0];
	v40 =	vshra.s32 v59, $0x18  }
0x249: {  	v37 =	vor.u32 $0x1, v38;
	v57 =	vcvt.s32.f32 v39;
	[tilespmem:s1+$0x60] =	vst v49;
	v61 =	vld [tilespmem:s10+$0xFFFFFF90];
	v40 =	vcvt.s32.f32 v40  }
0x24a: {  	v56 =	vmul.f32 v46, v32;
	[tilespmem:s1+$0xFFFFFFE0] =	vst v31;
	v31 =	vor.u32 $0x3, v38;
	v49 =	vshll.u32 v62, s18;
	v63 =	vld [tilespmem:s23+$0x70]  }
0x24b: {  	[tilespmem:s8+$0xFFFFFF90] =	vst v42;
	v42 =	vperm.xlane v28, v15;
	v52 =	vshra.s32 v49, $0x18;
	v40 =	vmul.f32 v40, v48;
	v48 =	vld [tilespmem:s10+$0x90]  }
0x24c: {  	[tilespmem:s1+$0xFFFFFF70] =	vst v44;
	v32 =	vor.u32 $0x2, v38;
	v44 =	vor.u32 $0x2, v10;
	v58 =	vcvt.s32.f32 v52  }
0x24d: {  	v62 =	vmul.f32 v57, v42;
	v39 =	vperm.xlane v27, v38;
	v50 =	vshll.u32 v50, s6  }
0x24e: {  	v57 =	vld [tilespmem:s23+$0xFFFFFFF0];
	[tilespmem:s14+$0xB0] =	vst v40;
	v40 =	vperm.xlane v33, v36;
	v61 =	vshll.u32 v61, s3;
	v50 =	vshra.s32 v50, $0x18  }
0x24f: {  	v45 =	vmul.f32 v60, v39;
	v60 =	vshll.u32 v63, s26;
	v50 =	vcvt.s32.f32 v50  }
0x250: {  	[tilespmem:s14+$0x30] =	vst v56;
	v63 =	vshra.s32 v60, $0x18;
	v60 =	vshll.u32 v51, s11;
	v48 =	vshll.u32 v48, s22  }
0x251: {  	[tilespmem:s25+$0x0] =	vst v62;
	v62 =	vmul.f32 v58, v40;
	v46 =	vcvt.s32.f32 v63;
	v59 =	vshra.s32 v48, $0x18  }
0x252: {  	[tilespmem:s25+$0xFFFFFF00] =	vst v45;
	v63 =	vshra.s32 v61, $0x18;
	v45 =	vld [tilespmem:s12+$0x40];
	v47 =	vmul.f32 v50, v47;
	v36 =	vcvt.s32.f32 v59  }
0x253: {  	s4 =	sadd.s32 $0x4, s4;
	s6 =	simm.s32 $0xC;
	v49 =	vshll.u32 v57, s24;
	v48 =	vcvt.s32.f32 v63;
	[tilespmem:s14+$0xFFFFFFC0] =	vst v62;
	v33 =	vmul.f32 v46, v43;
	v46 =	vld [tilespmem:s10+$0x10]  }
0x254: {  	s26 =	smov.u32 s11;
	s11 =	simm.s32 $0x5A80;
	s24 =	simm.s32 $0xC980;
	v43 =	vshra.s32 v60, $0x18;
	[tilespmem:s1+$0xF0] =	vst v47;
	v47 =	vld [tilespmem:s12+$0xC0];
	v38 =	vmul.f32 v36, v55;
	v36 =	vshra.s32 v49, $0x18  }
.LBB2_14:
0x255: {  	v51 =	vcvt.s32.f32 v43  }
0x256: {  	v49 =	vld [tilespmem:s10+$0xFFFFFF10];
	v43 =	vperm.xlane v5, v44;
	v36 =	vcvt.s32.f32 v36  }
0x257: {  	v50 =	vor.u32 $0x3, v30;
	v60 =	vld [tilespmem:s12+$0xFFFFFFD0];
	v52 =	vperm.xlane v7, v34;
	v58 =	vmul.f32 v48, v41  }
0x258: {  	v63 =	vld [tilespmem:s4+$0x0];
	v61 =	vperm.xlane v21, v50;
	v62 =	vmul.f32 v51, v35  }
0x259: {  	[tilespmem:s1+$0x70] =	vst v33;
	v48 =	vld [tilespmem:s19+$0xFFFFFFA0];
	v54 =	vmul.f32 v36, v1;
	v59 =	vshll.u32 v46, s15;
	v46 =	vor.u32 $0x1, v19  }
0x25a: {  	v34 =	vld [tilespmem:s4+$0xFFFFFFFF];
	v41 =	vshra.s32 v59, $0x18;
	[tilespmem:s14+$0xFFFFFF40] =	vst v62;
	v56 =	vshll.u32 v45, s13;
	v57 =	vshll.u32 v47, s30  }
0x25b: {  	v1 =	vmovc v2;
	[tilespmem:s25+$0xFFFFFF90] =	vst v58;
	v55 =	vcvt.s32.f32 v41;
	v58 =	vld [tilespmem:s12+$0xFFFFFF50];
	v41 =	vshra.s32 v56, $0x18;
	v45 =	vshra.s32 v57, $0x18  }
0x25c: {  	v2 =	vmovc v8;
	v8 =	vmovc v61;
	v36 =	vshll.u32 v60, s18;
	v61 =	vshll.u32 v49, s16;
	v45 =	vcvt.s32.f32 v45  }
0x25d: {  	v19 =	vmovc v30;
	[tilespmem:s1+$0xFFFFFFF0] =	vst v54;
	(v2sf) =	vpush v63, $0x0;
	v59 =	vcvt.s32.f32 v41;
	v30 =	vmul.f32 v55, v42  }
0x25e: {  	v60 =	vld [tilespmem:s4+$0xFFFFFFFE];
	v62 =	vshll.u32 v48, s28;
	v42 =	vshra.s32 v61, $0x18;
	v45 =	vmul.f32 v45, v43  }
0x25f: {  	s1 =	smov.u32 s14;
	v54 =	vld [tilespmem:s4+$0xFFFFFFFD];
	(v2sf) =	vpush v34, $0x0;
	v63 =	vcvt.s32.f32 v42;
	[tilespmem:s25+$0x10] =	vst v30;
	v30 =	vmul.f32 v59, v52  }
0x260: {  	v36 =	vshra.s32 v36, $0x18;
	v55 =	vor.u32 $0x1, v15;
	v53 =	vld [tilespmem:s10+$0x20];
	v47 =	vshll.u32 v58, s26;
	[tilespmem:s1+$0xC0] =	vst v45  }
0x261: {  	v61 =	vcvt.s32.f32 v36;
	v39 =	vmul.f32 v63, v39;
	[tilespmem:s1+$0x40] =	vst v30;
	v56 =	vshra.s32 v47, $0x18;
	v58 =	vld [tilespmem:s12+$0xD0]  }
0x262: {  	v44 =	vshra.s32 v62, $0x18;
	v33 =	vperm.xlane v28, v55;
	v57 =	vld [tilespmem:s12+$0x50];
	v34 =	vcvt.s32.f32 v56  }
0x263: {  	v59 =	vcvt.s32.f32 v44;
	(v2sf) =	vpush v60, $0x0;
	[tilespmem:s25+$0xFFFFFF10] =	vst v39;
	v39 =	vperm.xlane v16, v46  }
0x264: {  	s14 =	smov.u32 s8;
	v63 =	vor.u32 $0x3, v10;
	v10 =	vmovc v4;
	v4 =	vmovc v14;
	v14 =	vmul.f32 v61, v40;
	v60 =	vld [tilespmem:s10+$0xFFFFFF20];
	v34 =	vmul.f32 v34, v35  }
0x265: {  	v30 =	vperm.xlane v27, v37;
	(v2sf) =	vpush v54, $0x0;
	[tilespmem:s14+$0x90] =	vst v29;
	v41 =	vmul.f32 v59, v39  }
0x266: {  	v40 =	vperm.xlane v5, v63;
	v29 =	vmovc v38;
	v38 =	vperm.xlane v9, v24;
	v42 =	vshll.u32 v53, s15;
	[tilespmem:s1+$0xFFFFFF50] =	vst v34  }
0x267: {  	v62 =	vshra.s32 v42, $0x18;
	[tilespmem:s14+$0xFFFFFFA0] =	vst v41;
	v53 =	vshll.u32 v58, s30;
	v49 =	vshll.u32 v57, s13;
	v51 =	vld [tilespmem:s12+$0xFFFFFF60]  }
0x268: {  	v5 =	vmovc v3;
	v3 =	vmovc v20;
	v50 =	vcvt.s32.f32 v62;
	v54 =	vld [tilespmem:s19+$0xFFFFFFB0];
	[tilespmem:s1+$0xFFFFFFD0] =	vst v14;
	v14 =	vor.u32 $0x3, v11;
	v55 =	vshra.s32 v53, $0x18  }
0x269: {  	v9 =	vmovc v13;
	v13 =	vmovc v27;
	v27 =	vld [tilespmem:s19+$0xFFFFFF30];
	v34 =	vshra.s32 v49, $0x18;
	v20 =	vshll.u32 v60, s16;
	v36 =	vperm.xlane v7, v14  }
0x26a: {  	s10 =	sadd.s32 $0x200, s10;
	v11 =	vmovc v6;
	v6 =	vmovc v15;
	v56 =	vld [tilespmem:s12+$0xFFFFFFE0];
	v14 =	vcvt.s32.f32 v55;
	v57 =	vcvt.s32.f32 v34;
	v15 =	vshra.s32 v20, $0x18  }
0x26b: {  	v58 =	vld [tilespmem:s10+$0x80];
	v35 =	vmul.f32 v50, v33;
	v15 =	vcvt.s32.f32 v15  }
0x26c: {  	v7 =	vmovc v12;
	v12 =	vmov v28;
	v20 =	vld [tilespmem:s19+$0xA0];
	v14 =	vmul.f32 v14, v43;
	v28 =	vmul.f32 v57, v52  }
0x26d: {  	s0 =	spop (v2sf);
	[tilespmem:s25+$0x20] =	vst v35;
	v59 =	vshll.u32 v51, s26;
	v15 =	vmul.f32 v15, v30;
	v37 =	vshll.u32 v54, s28  }
0x26e: {  	s5 =	sxor.u32 $0xFFFFFFFF, s0;
	v27 =	vshll.u32 v27, s31;
	v41 =	vshra.s32 v59, $0x18;
	[tilespmem:s1+$0x50] =	vst v28;
	v28 =	vor.u32 $0x1, v10  }
0x26f: {  	[tilespmem:s1+$0xD0] =	vst v14;
	s5 =	sshll.u32 s5, $0x3;
	v60 =	vshll.u32 v56, s18;
	v14 =	vshra.s32 v37, $0x18;
	v27 =	vshra.s32 v27, $0x18;
	v61 =	vld [tilespmem:s12+$0x60]  }
0x270: {  	s24 =	sadd.s32 $0x200, s24;
	s2 =	smov.u32 s26;
	v24 =	vmovc v17;
	v17 =	vmovc v31;
	s7 =	sand.u32 $0x18, s5;
	v31 =	vcvt.s32.f32 v41;
	[tilespmem:s25+$0xFFFFFF20] =	vst v15;
	v42 =	vperm.xlane v5, v28;
	v15 =	vshra.s32 v60, $0x18;
	v28 =	vld [tilespmem:s12+$0xE0]  }
0x271: {  	s23 =	smov.u32 s18;
	s0 =	sshll.u32 s0, $0x2;
	s17 =	spop (v2sf);
	v37 =	vld [tilespmem:s10+$0x0];
	v20 =	vshll.u32 v20, s21;
	v35 =	vshll.u32 v58, s7;
	v14 =	vcvt.s32.f32 v14  }
0x272: {  	s0 =	sand.u32 $0x7C, s0;
	s9 =	sxor.u32 $0xFFFFFFFF, s17;
	s8 =	sshll.u32 s17, $0x2;
	v52 =	vld [tilespmem:s19+$0x30];
	v27 =	vcvt.s32.f32 v27;
	v63 =	vshra.s32 v35, $0x18;
	v35 =	vperm.xlane v9, v22  }
0x273: {  	s17 =	smov.u32 s13;
	s13 =	smov.u32 s30;
	s5 =	smin.u32 s0, $0x70;
	v20 =	vshra.s32 v20, $0x18;
	v62 =	vmul.f32 v31, v38;
	v31 =	vcvt.s32.f32 v15  }
0x274: {  	s18 =	smov.u32 s31;
	s9 =	sshll.u32 s9, $0x3;
	s20 =	spop (v2sf);
	v53 =	vcvt.s32.f32 v20;
	v39 =	vmul.f32 v14, v39  }
0x275: {  	v34 =	vor.u32 $0x2, v11;
	s31 =	sadd.s32 s5, s24;
	v15 =	vld [tilespmem:s10+$0xFFFFFF80];
	s30 =	sxor.u32 $0xFFFFFFFF, s20;
	s26 =	sshll.u32 s20, $0x2;
	v27 =	vmul.f32 v27, v26;
	v44 =	vcvt.s32.f32 v63  }
0x276: {  	s9 =	sand.u32 $0x18, s9;
	v20 =	vld [tilespmem:s31+$0x180];
	s30 =	sshll.u32 s30, $0x3;
	s26 =	sand.u32 $0x7C, s26;
	[tilespmem:s1+$0xFFFFFF60] =	vst v62;
	v55 =	vmul.f32 v53, v42;
	v31 =	vmul.f32 v31, v1;
	v14 =	vshll.u32 v61, s17  }
0x277: {  	s0 =	ssub.s32 s0, s5;
	s5 =	sand.u32 $0x18, s30;
	s30 =	smin.u32 s26, $0x70;
	v54 =	vld [tilespmem:s12+$0xFFFFFF70];
	v28 =	vshll.u32 v28, s13;
	v59 =	vshll.u32 v52, s29;
	v37 =	vshll.u32 v37, s9  }
0x278: {  	[tilespmem:s14+$0xFFFFFFB0] =	vst v39;
	v57 =	vld [tilespmem:s10+$0xFFFFFF00];
	s26 =	ssub.s32 s26, s30;
	v56 =	vshra.s32 v14, $0x18;
	v14 =	vmov s0;
	v28 =	vshra.s32 v28, $0x18  }
0x279: {  	v22 =	vmovc v32;
	v26 =	vmovc v30;
	s31 =	sadd.s32 s30, s24;
	v63 =	vld [tilespmem:s19+$0xFFFFFFC0];
	v30 =	vmov s26;
	v32 =	vshra.s32 v59, $0x18;
	v37 =	vshra.s32 v37, $0x18  }
0x27a: {  	s8 =	sand.u32 $0x7C, s8;
	s0 =	spop (v2sf);
	v47 =	vld [tilespmem:s31+$0x80];
	v58 =	vcvt.s32.f32 v56;
	v15 =	vshll.u32 v15, s5;
	v28 =	vcvt.s32.f32 v28  }
0x27b: {  	s31 =	smin.u32 s8, $0x70;
	[tilespmem:s14+$0xA0] =	vst v55;
	s20 =	sxor.u32 $0xFFFFFFFF, s0;
	s0 =	sshll.u32 s0, $0x2;
	v49 =	vperm.xlane v20, v14;
	v32 =	vcvt.s32.f32 v32;
	v15 =	vshra.s32 v15, $0x18  }
0x27c: {  	s8 =	ssub.s32 s8, s31;
	v60 =	vld [tilespmem:s19+$0xB0];
	v53 =	vor.u32 $0x2, v30;
	v59 =	vcvt.s32.f32 v37;
	s20 =	sshll.u32 s20, $0x3;
	s0 =	sand.u32 $0x7C, s0;
	v61 =	vcvt.s32.f32 v15  }
0x27d: {  	s30 =	sadd.s32 s31, s24;
	v15 =	vmov s8;
	s8 =	sand.u32 $0x18, s20;
	s20 =	smin.u32 s0, $0x70;
	v62 =	vmul.f32 v28, v40;
	v39 =	vmul.f32 v58, v36  }
0x27e: {  	[tilespmem:s14+$0xFFFFFF30] =	vst v27;
	v28 =	vld [tilespmem:s30+$0x100];
	v44 =	vmul.f32 v44, v49;
	s0 =	ssub.s32 s0, s20;
	s20 =	sadd.s32 s20, s24;
	v43 =	vshll.u32 v57, s8;
	v46 =	vshll.u32 v54, s2  }
0x27f: {  	v51 =	vshll.u32 v63, s28;
	v63 =	vmul.f32 v32, v23;
	v27 =	vld [tilespmem:s20+$0x0];
	v41 =	vperm.xlane v47, v30;
	[tilespmem:s1+$0xE0] =	vst v62  }
0x280: {  	v43 =	vshra.s32 v43, $0x18;
	[tilespmem:s1+$0x60] =	vst v39;
	v52 =	vmov s0;
	v58 =	vshra.s32 v46, $0x18;
	v50 =	vld [tilespmem:s12+$0xF0]  }
0x281: {  	[dreg:$0x5] =	wrdreg s3;
	s3 =	smov.u32 s25;
	s25 =	sadd.s32 $0x200, s25;
	v51 =	vshra.s32 v51, $0x18;
	v45 =	vshll.u32 v60, s21;
	v43 =	vcvt.s32.f32 v43;
	v57 =	vld [tilespmem:s12+$0x70]  }
0x282: {  	[tilespmem:s25+$0x80] =	vst v44;
	v54 =	vcvt.s32.f32 v58;
	v51 =	vcvt.s32.f32 v51;
	v45 =	vshra.s32 v45, $0x18  }
0x283: {  	v37 =	vor.u32 $0x1, v52;
	v48 =	vmul.f32 v61, v41;
	v55 =	vld [tilespmem:s10+$0x90];
	v45 =	vcvt.s32.f32 v45  }
0x284: {  	v32 =	vor.u32 $0x2, v52;
	v61 =	vld [tilespmem:s19+$0xFFFFFF40];
	v38 =	vmul.f32 v54, v38;
	v39 =	vperm.xlane v27, v52  }
0x285: {  	[tilespmem:s25+$0xFFFFFF80] =	vst v48;
	v45 =	vmul.f32 v45, v42;
	v42 =	vperm.xlane v28, v15;
	v50 =	vshll.u32 v50, s13  }
0x286: {  	s6 =	sadd.s32 $0x4, s6;
	v62 =	vld [tilespmem:s10+$0xFFFFFF90];
	[tilespmem:s1+$0xFFFFFFE0] =	vst v31;
	v31 =	vor.u32 $0x3, v52;
	v44 =	vshll.u32 v57, s17;
	v60 =	vshra.s32 v50, $0x18  }
0x287: {  	s30 =	smov.u32 s21;
	s21 =	smov.u32 s22;
	s22 =	smov.u32 s7;
	v56 =	vld [tilespmem:s12+$0xFFFFFFF0];
	[tilespmem:s14+$0xB0] =	vst v45;
	v46 =	vmul.f32 v59, v42;
	v44 =	vshra.s32 v44, $0x18;
	v45 =	vcvt.s32.f32 v60  }
0x288: {  	p0 =	slt.u32 s6, $0x60;
	s26 =	smov.u32 s18;
	[tilespmem:s1+$0xFFFFFF70] =	vst v38;
	v43 =	vmul.f32 v43, v39;
	v58 =	vshll.u32 v55, s22;
	v57 =	vcvt.s32.f32 v44  }
.Ltmp6:
0x289: {  	s4 =	sadd.s32 $0x4, s4;
	s18 =	smov.u32 s28;
	v60 =	vshll.u32 v61, s26;
	[tilespmem:s25+$0x0] =	vst v46;
	v45 =	vmul.f32 v45, v40;
	v40 =	vperm.xlane v16, v18;
	(pc) =	sbr.rel @p0 .LBB2_14-.Ltmp6, $4  }
0x28a: {  	s31 =	smov.u32 s16;
	s16 =	smov.u32 s8;
	s8 =	smov.u32 s3;
	v44 =	vor.u32 $0x2, v10;
	v59 =	vshra.s32 v58, $0x18;
	[tilespmem:s25+$0xFFFFFF00] =	vst v43;
	v43 =	vshra.s32 v60, $0x18  }
0x28b: {  	v23 =	vmovc v33;
	s3 =	smov.u32 s5;
	s13 =	smov.u32 s29;
	s12 =	smov.u32 s19;
	v46 =	vld [tilespmem:s10+$0x10];
	v61 =	vshll.u32 v62, s5;
	v62 =	vcvt.s32.f32 v59;
	[tilespmem:s14+$0x30] =	vst v63;
	v51 =	vmul.f32 v51, v40  }
0x28c: {  	s29 =	smov.u32 s15;
	s15 =	smov.u32 s9;
	v16 =	vmovc v21;
	v21 =	vmovc v47;
	v33 =	vmul.f32 v57, v36;
	v36 =	vshra.s32 v61, $0x18;
	v63 =	vshll.u32 v56, s23;
	s23 =	rddreg [dreg:$0x5];
	[tilespmem:s1+$0xF0] =	vst v45;
	v45 =	vld [tilespmem:s12+$0x40]  }
0x28d: {  	s19 =	smov.u32 s11;
	s11 =	smov.u32 s10;
	v18 =	vmovc v25;
	v25 =	vmovc v53;
	s28 =	smov.u32 s23;
	v48 =	vcvt.s32.f32 v36;
	v38 =	vmul.f32 v62, v49;
	v36 =	vshra.s32 v63, $0x18;
	v47 =	vld [tilespmem:s12+$0xC0];
	[tilespmem:s14+$0xFFFFFFC0] =	vst v51  }
0x28e: {  	v43 =	vcvt.s32.f32 v43  }
0x28f: {  	v50 =	vor.u32 $0x3, v30;
	v51 =	vperm.xlane v7, v34;
	v44 =	vperm.xlane v5, v44  }
0x290: {  	v49 =	vld [tilespmem:s10+$0xFFFFFF10];
	v63 =	vor.u32 $0x1, v19;
	v53 =	vor.u32 $0x1, v15;
	v37 =	vperm.xlane v27, v37  }
0x291: {  	v54 =	vld [tilespmem:s12+$0xFFFFFFD0];
	v10 =	vor.u32 $0x3, v10;
	v9 =	vperm.xlane v9, v24;
	v22 =	vperm.xlane v13, v22  }
0x292: {  	v55 =	vld [tilespmem:s19+$0xFFFFFFA0];
	v11 =	vor.u32 $0x3, v11;
	v41 =	vmul.f32 v48, v41;
	v19 =	vperm.xlane v28, v53  }
0x293: {  	v5 =	vperm.xlane v5, v10;
	v7 =	vperm.xlane v7, v11;
	v46 =	vshll.u32 v46, s15  }
0x294: {  	[tilespmem:s8+$0x90] =	vst v29;
	v43 =	vmul.f32 v43, v35;
	v46 =	vshra.s32 v46, $0x18;
	v45 =	vshll.u32 v45, s13  }
0x295: {  	v29 =	vld [tilespmem:s19+$0xA0];
	[tilespmem:s25+$0x90] =	vst v38;
	v46 =	vcvt.s32.f32 v46;
	v56 =	vshll.u32 v47, s30;
	v45 =	vshra.s32 v45, $0x18  }
0x296: {  	v38 =	vld [tilespmem:s11+$0xA0];
	[tilespmem:s14+$0xFFFFFF40] =	vst v43;
	v34 =	vshra.s32 v56, $0x18;
	v45 =	vcvt.s32.f32 v45;
	v58 =	vshll.u32 v49, s16  }
0x297: {  	v57 =	vld [tilespmem:s12+$0xFFFFFF50];
	v48 =	vshll.u32 v54, s18;
	v52 =	vshll.u32 v55, s28;
	v42 =	vmul.f32 v46, v42  }
0x298: {  	v59 =	vcvt.s32.f32 v34;
	v34 =	vperm.xlane v21, v50;
	v47 =	vshra.s32 v58, $0x18  }
0x299: {  	v56 =	vshra.s32 v52, $0x18;
	v60 =	vmul.f32 v45, v51;
	v61 =	vcvt.s32.f32 v47  }
0x29a: {  	v48 =	vshra.s32 v48, $0x18;
	v52 =	vld [tilespmem:s19+$0xFFFFFF30];
	v46 =	vcvt.s32.f32 v56;
	[tilespmem:s25+$0x10] =	vst v42;
	v49 =	vmul.f32 v59, v44  }
0x29b: {  	v29 =	vshll.u32 v29, s21;
	v48 =	vcvt.s32.f32 v48;
	v62 =	vld [tilespmem:s10+$0x20];
	[tilespmem:s14+$0x40] =	vst v60;
	v39 =	vmul.f32 v61, v39  }
0x29c: {  	v29 =	vshra.s32 v29, $0x18;
	v38 =	vshll.u32 v38, s22;
	v54 =	vshll.u32 v57, s26;
	v55 =	vld [tilespmem:s12+$0x50];
	[tilespmem:s14+$0xC0] =	vst v49  }
0x29d: {  	v40 =	vmul.f32 v48, v40;
	v57 =	vshra.s32 v54, $0x18;
	v58 =	vld [tilespmem:s12+$0xD0];
	[tilespmem:s25+$0xFFFFFF10] =	vst v39;
	v39 =	vperm.xlane v16, v63  }
0x29e: {  	v29 =	vcvt.s32.f32 v29;
	v38 =	vshra.s32 v38, $0x18;
	v42 =	vcvt.s32.f32 v57;
	v59 =	vld [tilespmem:s10+$0xFFFFFF20]  }
0x29f: {  	v45 =	vor.u32 $0x2, v6;
	v38 =	vcvt.s32.f32 v38;
	[tilespmem:s14+$0xFFFFFFD0] =	vst v40;
	v46 =	vmul.f32 v46, v39  }
0x2a0: {  	v24 =	vshll.u32 v52, s31;
	v49 =	vld [tilespmem:s12+$0xFFFFFFE0];
	v47 =	vshll.u32 v62, s15;
	v60 =	vmul.f32 v42, v35  }
0x2a1: {  	v16 =	vperm.xlane v16, v18;
	v61 =	vshra.s32 v47, $0x18;
	v62 =	vshll.u32 v55, s13;
	[tilespmem:s8+$0xFFFFFFA0] =	vst v46  }
0x2a2: {  	[tilespmem:s14+$0xFFFFFF50] =	vst v60;
	v42 =	vcvt.s32.f32 v61;
	v43 =	vshll.u32 v58, s30;
	v35 =	vshra.s32 v62, $0x18;
	v46 =	vld [tilespmem:s19+$0xFFFFFFB0]  }
0x2a3: {  	v63 =	vld [tilespmem:s12+$0xFFFFFF60];
	v43 =	vshra.s32 v43, $0x18;
	v48 =	vshll.u32 v59, s16;
	v35 =	vcvt.s32.f32 v35  }
0x2a4: {  	v40 =	vmul.f32 v42, v19;
	v10 =	vshra.s32 v48, $0x18;
	v50 =	vcvt.s32.f32 v43  }
0x2a5: {  	v42 =	vshll.u32 v49, s18;
	v10 =	vcvt.s32.f32 v10;
	v35 =	vmul.f32 v35, v51  }
0x2a6: {  	[tilespmem:s25+$0xFFFFFF90] =	vst v41;
	v55 =	vor.u32 $0x1, v4;
	v59 =	vshra.s32 v42, $0x18;
	v11 =	vmul.f32 v50, v44  }
0x2a7: {  	v60 =	vld [tilespmem:s11+$0xFFFFFFA0];
	v44 =	vmul.f32 v10, v37;
	v54 =	vshll.u32 v46, s28;
	[tilespmem:s14+$0x50] =	vst v35;
	v35 =	vperm.xlane v3, v55  }
0x2a8: {  	v50 =	vld [tilespmem:s19+$0x30];
	v53 =	vshll.u32 v63, s26;
	v58 =	vshra.s32 v54, $0x18;
	v63 =	vshra.s32 v24, $0x18  }
0x2a9: {  	v24 =	vcvt.s32.f32 v59;
	v59 =	vor.u32 $0x1, v14;
	v62 =	vcvt.s32.f32 v58  }
0x2aa: {  	v57 =	vld [tilespmem:s12+$0x60];
	[tilespmem:s14+$0xD0] =	vst v11;
	v43 =	vshra.s32 v53, $0x18;
	v47 =	vcvt.s32.f32 v63;
	v29 =	vmul.f32 v29, v35  }
0x2ab: {  	v52 =	vor.u32 $0x1, v30;
	v61 =	vld [tilespmem:s12+$0xE0];
	v46 =	vperm.xlane v20, v59;
	v56 =	vcvt.s32.f32 v43  }
0x2ac: {  	v49 =	vshll.u32 v60, s3;
	[tilespmem:s25+$0xFFFFFF20] =	vst v44;
	v39 =	vmul.f32 v62, v39;
	v11 =	vmul.f32 v47, v26  }
0x2ad: {  	v44 =	vld [tilespmem:s11+$0xFFFFFF30];
	[tilespmem:s8+$0xA0] =	vst v29;
	v26 =	vshra.s32 v49, $0x18;
	v29 =	vperm.xlane v21, v52;
	v42 =	vshll.u32 v50, s29  }
0x2ae: {  	v38 =	vmul.f32 v38, v46;
	v54 =	vld [tilespmem:s19+$0xB0];
	v55 =	vcvt.s32.f32 v26;
	v42 =	vshra.s32 v42, $0x18;
	[tilespmem:s8+$0xFFFFFF30] =	vst v11  }
0x2af: {  	v10 =	vmul.f32 v56, v9;
	v48 =	vshll.u32 v57, s13;
	[tilespmem:s8+$0xFFFFFFB0] =	vst v39;
	v42 =	vcvt.s32.f32 v42;
	v56 =	vld [tilespmem:s19+$0xFFFFFF40]  }
0x2b0: {  	[tilespmem:s25+$0xA0] =	vst v38;
	v41 =	vshra.s32 v48, $0x18;
	v51 =	vshll.u32 v61, s30;
	v57 =	vld [tilespmem:s19+$0xFFFFFFC0];
	v58 =	vmul.f32 v55, v29  }
0x2b1: {  	[tilespmem:s25+$0x20] =	vst v40;
	v24 =	vmul.f32 v24, v2;
	v63 =	vld [tilespmem:s11+$0xB0];
	v53 =	vshra.s32 v51, $0x18;
	v26 =	vcvt.s32.f32 v41  }
0x2b2: {  	v48 =	vld [tilespmem:s11+$0x30];
	v23 =	vmul.f32 v42, v23;
	v51 =	vor.u32 $0x2, v4;
	v30 =	vcvt.s32.f32 v53;
	[tilespmem:s25+$0xFFFFFFA0] =	vst v58  }
0x2b3: {  	v53 =	vshll.u32 v44, s16;
	v60 =	vshll.u32 v54, s21;
	v61 =	vld [tilespmem:s11+$0xFFFFFFB0];
	v26 =	vmul.f32 v26, v7  }
0x2b4: {  	v11 =	vmul.f32 v30, v5;
	v30 =	vshra.s32 v60, $0x18;
	v39 =	vshll.u32 v56, s31  }
0x2b5: {  	[tilespmem:s8+$0x30] =	vst v23;
	v30 =	vcvt.s32.f32 v30;
	v41 =	vshll.u32 v57, s28;
	v39 =	vshra.s32 v39, $0x18  }
0x2b6: {  	v52 =	vld [tilespmem:s19+$0x40];
	v56 =	vshra.s32 v53, $0x18;
	v62 =	vshra.s32 v41, $0x18;
	v39 =	vcvt.s32.f32 v39  }
0x2b7: {  	v40 =	vshll.u32 v63, s22;
	v30 =	vmul.f32 v30, v35;
	v47 =	vcvt.s32.f32 v62  }
0x2b8: {  	v58 =	vshll.u32 v48, s15;
	v50 =	vshll.u32 v61, s3;
	v49 =	vmul.f32 v39, v22  }
0x2b9: {  	[tilespmem:s8+$0xB0] =	vst v30;
	v23 =	vshra.s32 v50, $0x18;
	v35 =	vmul.f32 v47, v16;
	v30 =	vperm.xlane v3, v51  }
0x2ba: {  	v59 =	vshra.s32 v40, $0x18;
	v54 =	vld [tilespmem:s19+$0xC0];
	v55 =	vcvt.s32.f32 v23;
	v23 =	vcvt.s32.f32 v56;
	[tilespmem:s8+$0xFFFFFF40] =	vst v49  }
0x2bb: {  	v39 =	vshll.u32 v52, s29;
	v52 =	vor.u32 $0x2, v15;
	[tilespmem:s8+$0xFFFFFFC0] =	vst v35;
	v35 =	vcvt.s32.f32 v59;
	v57 =	vld [tilespmem:s19+$0xFFFFFF50]  }
0x2bc: {  	v18 =	vmul.f32 v55, v29;
	v60 =	vld [tilespmem:s19+$0xFFFFFFD0];
	v23 =	vmul.f32 v23, v37;
	v29 =	vshra.s32 v58, $0x18  }
0x2bd: {  	v39 =	vshra.s32 v39, $0x18;
	v37 =	vperm.xlane v12, v45;
	v61 =	vcvt.s32.f32 v29  }
0x2be: {  	v58 =	vor.u32 $0x2, v14;
	v35 =	vmul.f32 v35, v46;
	v46 =	vcvt.s32.f32 v39  }
0x2bf: {  	v55 =	vperm.xlane v27, v32;
	v41 =	vperm.xlane v20, v58;
	[tilespmem:s25+$0xFFFFFFB0] =	vst v18;
	v62 =	vshll.u32 v54, s21  }
0x2c0: {  	[tilespmem:s25+$0xFFFFFF30] =	vst v23;
	v63 =	vld [tilespmem:s11+$0xFFFFFFC0];
	v18 =	vmul.f32 v61, v19;
	v19 =	vmul.f32 v46, v37;
	v29 =	vshra.s32 v62, $0x18  }
0x2c1: {  	v45 =	vld [tilespmem:s11+$0xFFFFFF40];
	[tilespmem:s25+$0xB0] =	vst v35;
	v44 =	vshll.u32 v57, s31;
	v29 =	vcvt.s32.f32 v29;
	v48 =	vshll.u32 v60, s28  }
0x2c2: {  	[tilespmem:s8+$0x40] =	vst v19;
	v19 =	vperm.xlane v28, v52;
	v60 =	vperm.xlane v21, v25;
	v25 =	vor.u32 $0x3, v14  }
0x2c3: {  	v50 =	vld [tilespmem:s11+$0xC0];
	[tilespmem:s25+$0x30] =	vst v18;
	v47 =	vshra.s32 v44, $0x18;
	v35 =	vshra.s32 v48, $0x18;
	v14 =	vperm.xlane v20, v25  }
0x2c4: {  	v51 =	vld [tilespmem:s11+$0x40];
	v44 =	vor.u32 $0x3, v4;
	v49 =	vcvt.s32.f32 v47;
	v29 =	vmul.f32 v29, v30  }
0x2c5: {  	v35 =	vcvt.s32.f32 v35;
	v4 =	vperm.xlane v3, v44;
	v23 =	vshll.u32 v63, s3  }
0x2c6: {  	[tilespmem:s14+$0xFFFFFFE0] =	vst v24;
	v53 =	vshll.u32 v45, s16;
	v45 =	vor.u32 $0x3, v6;
	v22 =	vmul.f32 v49, v22  }
0x2c7: {  	v24 =	vld [tilespmem:s12+$0xFFFFFFF0];
	v23 =	vshra.s32 v23, $0x18;
	v56 =	vshra.s32 v53, $0x18;
	v16 =	vmul.f32 v35, v16  }
0x2c8: {  	v54 =	vld [tilespmem:s19+$0x50];
	[tilespmem:s8+$0xC0] =	vst v29;
	v18 =	vshll.u32 v50, s22;
	v3 =	vperm.xlane v12, v45;
	v32 =	vcvt.s32.f32 v56  }
0x2c9: {  	v23 =	vcvt.s32.f32 v23;
	v57 =	vld [tilespmem:s19+$0xD0];
	v18 =	vshra.s32 v18, $0x18;
	v39 =	vshll.u32 v51, s15;
	[tilespmem:s8+$0xFFFFFF50] =	vst v22  }
0x2ca: {  	v18 =	vcvt.s32.f32 v18;
	[tilespmem:s8+$0xFFFFFFD0] =	vst v16;
	v32 =	vmul.f32 v32, v55;
	v39 =	vshra.s32 v39, $0x18;
	v61 =	vld [tilespmem:s19+$0xFFFFFF60]  }
0x2cb: {  	v23 =	vmul.f32 v23, v60;
	v48 =	vld [tilespmem:s19+$0xFFFFFFE0];
	v39 =	vcvt.s32.f32 v39  }
0x2cc: {  	v24 =	vshll.u32 v24, s18;
	v12 =	vperm.xlane v13, v17;
	v18 =	vmul.f32 v18, v41;
	[tilespmem:s25+$0xFFFFFF40] =	vst v32  }
0x2cd: {  	v29 =	vor.u32 $0x3, v15;
	v59 =	vshll.u32 v54, s29;
	[tilespmem:s25+$0xFFFFFFC0] =	vst v23;
	v62 =	vmul.f32 v39, v19;
	v63 =	vld [tilespmem:s11+$0xFFFFFF50]  }
0x2ce: {  	v35 =	vperm.xlane v27, v31;
	v22 =	vshra.s32 v59, $0x18;
	v38 =	vshll.u32 v57, s21;
	[tilespmem:s25+$0xC0] =	vst v18;
	v47 =	vld [tilespmem:s11+$0xFFFFFFD0]  }
0x2cf: {  	v15 =	vperm.xlane v28, v29;
	v22 =	vcvt.s32.f32 v22;
	v38 =	vshra.s32 v38, $0x18;
	v42 =	vld [tilespmem:s11+$0xD0];
	[tilespmem:s25+$0x40] =	vst v62  }
0x2d0: {  	v40 =	vcvt.s32.f32 v38;
	v49 =	vshll.u32 v61, s31;
	v54 =	vshll.u32 v48, s28;
	v43 =	vld [tilespmem:s11+$0x50]  }
0x2d1: {  	[tilespmem:s14+$0x60] =	vst v26;
	v22 =	vmul.f32 v22, v37;
	v6 =	vshra.s32 v49, $0x18;
	v57 =	vshra.s32 v54, $0x18  }
0x2d2: {  	v32 =	vld [tilespmem:s12+$0x70];
	v46 =	vmul.f32 v40, v30;
	v6 =	vcvt.s32.f32 v6;
	v51 =	vshll.u32 v63, s16  }
0x2d3: {  	[tilespmem:s8+$0x50] =	vst v22;
	v21 =	vcvt.s32.f32 v57;
	v18 =	vshll.u32 v47, s3;
	v16 =	vshra.s32 v51, $0x18  }
0x2d4: {  	[tilespmem:s14+$0xE0] =	vst v11;
	v50 =	vld [tilespmem:s19+$0x60];
	v53 =	vshll.u32 v42, s22;
	v18 =	vshra.s32 v18, $0x18;
	v16 =	vcvt.s32.f32 v16  }
0x2d5: {  	v30 =	vld [tilespmem:s12+$0xF0];
	[tilespmem:s8+$0xD0] =	vst v46;
	v22 =	vshra.s32 v53, $0x18;
	v18 =	vcvt.s32.f32 v18;
	v23 =	vshll.u32 v43, s15  }
0x2d6: {  	v52 =	vld [tilespmem:s19+$0xE0];
	v22 =	vcvt.s32.f32 v22;
	v23 =	vshra.s32 v23, $0x18;
	v16 =	vmul.f32 v16, v55  }
0x2d7: {  	[tilespmem:s14+$0xFFFFFF60] =	vst v10;
	v20 =	vshll.u32 v32, s13;
	v18 =	vmul.f32 v18, v60;
	v23 =	vcvt.s32.f32 v23  }
0x2d8: {  	v62 =	vld [tilespmem:s12+$0xFFFFFF70];
	v20 =	vshra.s32 v20, $0x18;
	v6 =	vmul.f32 v6, v12;
	v22 =	vmul.f32 v22, v41;
	[tilespmem:s25+$0xFFFFFF50] =	vst v16  }
0x2d9: {  	v63 =	vmul.f32 v21, v8;
	v13 =	vshll.u32 v50, s29;
	[tilespmem:s25+$0xFFFFFFD0] =	vst v18;
	v55 =	vmul.f32 v23, v19;
	v56 =	vld [tilespmem:s11+$0xFFFFFF60]  }
0x2da: {  	v50 =	vcvt.s32.f32 v36;
	v13 =	vshra.s32 v13, $0x18;
	v21 =	vshll.u32 v30, s30;
	[tilespmem:s25+$0xD0] =	vst v22;
	v61 =	vld [tilespmem:s11+$0xFFFFFFE0]  }
0x2db: {  	v13 =	vcvt.s32.f32 v13;
	v21 =	vshra.s32 v21, $0x18;
	v17 =	vshll.u32 v52, s21;
	v58 =	vld [tilespmem:s11+$0xE0];
	[tilespmem:s25+$0x50] =	vst v55  }
0x2dc: {  	v1 =	vmul.f32 v50, v1;
	v21 =	vcvt.s32.f32 v21;
	v17 =	vshra.s32 v17, $0x18;
	v59 =	vld [tilespmem:s11+$0x60]  }
0x2dd: {  	v51 =	vcvt.s32.f32 v20;
	v48 =	vshll.u32 v62, s26;
	[tilespmem:s8+$0xFFFFFF60] =	vst v6;
	v17 =	vcvt.s32.f32 v17  }
0x2de: {  	v13 =	vmul.f32 v13, v3;
	[tilespmem:s1+$0xFFFFFFF0] =	vst v1;
	v1 =	vmul.f32 v21, v5;
	v19 =	vshll.u32 v56, s16  }
0x2df: {  	v38 =	vld [tilespmem:s19+$0xFFFFFF70];
	v60 =	vmul.f32 v17, v4;
	v39 =	vshll.u32 v61, s3;
	v19 =	vshra.s32 v19, $0x18  }
0x2e0: {  	[tilespmem:s8+$0x60] =	vst v13;
	v16 =	vshll.u32 v58, s22;
	v10 =	vshra.s32 v39, $0x18;
	v37 =	vcvt.s32.f32 v19  }
0x2e1: {  	v43 =	vld [tilespmem:s19+$0x70];
	[tilespmem:s8+$0xE0] =	vst v60;
	v16 =	vshra.s32 v16, $0x18;
	v10 =	vcvt.s32.f32 v10;
	v18 =	vshll.u32 v59, s15  }
0x2e2: {  	[tilespmem:s8+$0xFFFFFFE0] =	vst v63;
	v41 =	vld [tilespmem:s19+$0xF0];
	v16 =	vcvt.s32.f32 v16;
	v40 =	vshra.s32 v18, $0x18;
	v6 =	vmul.f32 v37, v35  }
0x2e3: {  	v52 =	vshra.s32 v24, $0x18;
	[tilespmem:s14+$0xF0] =	vst v1;
	v10 =	vmul.f32 v10, v34;
	v42 =	vcvt.s32.f32 v40  }
0x2e4: {  	v45 =	vld [tilespmem:s19+$0xFFFFFFF0];
	v53 =	vcvt.s32.f32 v52;
	v19 =	vshll.u32 v38, s31;
	v44 =	vmul.f32 v16, v14;
	[tilespmem:s25+$0xFFFFFF60] =	vst v6  }
0x2e5: {  	v7 =	vmul.f32 v51, v7;
	v19 =	vshra.s32 v19, $0x18;
	[tilespmem:s25+$0xFFFFFFE0] =	vst v10;
	v46 =	vmul.f32 v42, v15;
	v47 =	vld [tilespmem:s11+$0xFFFFFF70]  }
0x2e6: {  	v1 =	vmul.f32 v53, v2;
	v17 =	vshll.u32 v43, s29;
	v54 =	vcvt.s32.f32 v19;
	[tilespmem:s25+$0xE0] =	vst v44;
	v49 =	vld [tilespmem:s11+$0xFFFFFFF0]  }
0x2e7: {  	v56 =	vshra.s32 v17, $0x18;
	v10 =	vshra.s32 v48, $0x18;
	v18 =	vshll.u32 v41, s21;
	v11 =	vld [tilespmem:s11+$0xF0];
	[tilespmem:s25+$0x60] =	vst v46  }
0x2e8: {  	v5 =	vcvt.s32.f32 v56;
	v10 =	vcvt.s32.f32 v10;
	v55 =	vshra.s32 v18, $0x18;
	v6 =	vld [tilespmem:s11+$0x70]  }
0x2e9: {  	[tilespmem:s1+$0x70] =	vst v33;
	v16 =	vshll.u32 v45, s28;
	v57 =	vmul.f32 v54, v12;
	v2 =	vcvt.s32.f32 v55  }
0x2ea: {  	[tilespmem:s14+$0x70] =	vst v7;
	v58 =	vshra.s32 v16, $0x18;
	v3 =	vmul.f32 v5, v3;
	v9 =	vmul.f32 v10, v9  }
0x2eb: {  	[tilespmem:s14+$0xFFFFFFF0] =	vst v1;
	v1 =	vmul.f32 v2, v4;
	v2 =	vcvt.s32.f32 v58;
	v13 =	vshll.u32 v47, s16  }
0x2ec: {  	[tilespmem:s8+$0xFFFFFF70] =	vst v57;
	v22 =	vshll.u32 v49, s3;
	v11 =	vshll.u32 v11, s22;
	v59 =	vshra.s32 v13, $0x18  }
0x2ed: {  	[tilespmem:s8+$0x70] =	vst v3;
	v4 =	vcvt.s32.f32 v59;
	v60 =	vshra.s32 v11, $0x18;
	v6 =	vshll.u32 v6, s15  }
0x2ee: {  	[tilespmem:s8+$0xF0] =	vst v1;
	v1 =	vmul.f32 v2, v8;
	v2 =	vcvt.s32.f32 v60;
	v61 =	vshra.s32 v6, $0x18  }
0x2ef: {  	[tilespmem:s14+$0xFFFFFF70] =	vst v9;
	v63 =	vshra.s32 v22, $0x18;
	v3 =	vmul.f32 v4, v35;
	v62 =	vcvt.s32.f32 v61  }
0x2f0: {  	[tilespmem:s8+$0xFFFFFFF0] =	vst v1;
	v1 =	vmul.f32 v2, v14;
	v2 =	vcvt.s32.f32 v63  }
0x2f1: {  	s0 =	rddreg [dreg:$0x10];
	[tilespmem:s25+$0xFFFFFF70] =	vst v3;
	v3 =	vmul.f32 v62, v15  }
0x2f2: {  	s1 =	rddreg [dreg:$0x7];
	[tilespmem:s25+$0xF0] =	vst v1;
	v1 =	vmul.f32 v2, v34  }
0x2f3: {  	s0 =	sshll.u32 s0, $0x1;
	[tilespmem:s25+$0x70] =	vst v3  }
0x2f4: {  	s0 =	sadd.s32 s1, s0;
	[tilespmem:s25+$0xFFFFFFF0] =	vst v1  }
0x2f5: {  	s1 =	smul.u32 $0x380, s0;
	s25 =	rddreg [dreg:$0x6]  }
0x2f6: {  	s2 =	simm.s32 $0x0;
	s0 =	smul.u32 $0x1C00, s0;
	s30 =	rddreg [dreg:$0xb]  }
0x2f7: {  	s4 =	simm.s32 $0x12F80;
	s26 =	simm.s32 $0x14880;
	s28 =	rddreg [dreg:$0xc]  }
0x2f8: {  	s1 =	sadd.s32 s25, s1;
	s0 =	sshrl.u32 s0, $0x3;
	s30 =	sadd.s32 $0x1, s30  }
0x2f9: {  	[hbm4b:s1+s2] =	stream.linear.scatter [tilespmem:s4], [sflag:$0x7], $0x1900, $0x38;
	[tilespmem:$0x16380] =	vst v63  }
0x2fa: {  	s5 =	rddreg [dreg:$0xd];
	s0 =	sadd.s32 s25, s0;
	p0 =	sne.s32 s30, $0x20  }
.Ltmp7:
0x2fb: {  	s29 =	rddreg [dreg:$0xe];
	s0 =	sadd.s32 $0x380, s0;
	(pc) =	sbr.rel @p0 .LBB2_4-.Ltmp7, $4  }
0x2fc: {  	[hbm4b:s0+s2] =	stream.linear.scatter [tilespmem:s26], [sflag:$0x8], $0x1900, $0x38;
	[tilespmem:$0x16380] =	vst v63  }
0x2fd: {  	s31 =	rddreg [dreg:$0xf];
	s0 =	sadd.s32 $0xC8, s29  }
0x2fe: {  	s5 =	sadd.s32 $0xC8, s5;
	[dreg:$0xe] =	wrdreg s0;
	s0 =	sadd.s32 $0xC8, s31  }
0x2ff: {  	s4 =	simm.s32 $0x0;
	s2 =	sadd.s32 $0xC8, s28;
	[dreg:$0xf] =	wrdreg s0  }
0x300: {  	s0 =	simm.s32 $0x5  }
0x301: {  	_ =	swait.ge [sflag:s0], $0x1900  }
0x302: {  	[sflag:s0] =	ssyncset.done $0x0  }
0x303: {  	s29 =	simm.s32 $0x6;
	[sflag:s0] =	ssyncadd.s32 $0xFFFFE700  }
0x304: {  	_ =	swait.ge [sflag:s29], $0x1900  }
0x305: {  	[sflag:s29] =	ssyncset.done $0x0  }
0x306: {  	s30 =	simm.s32 $0x7;
	[sflag:s29] =	ssyncadd.s32 $0xFFFFE700  }
0x307: {  	_ =	swait.ge [sflag:s30], $0x1900  }
0x308: {  	[sflag:s30] =	ssyncset.done $0x0  }
0x309: {  	s1 =	simm.s32 $0x8;
	[sflag:s30] =	ssyncadd.s32 $0xFFFFE700  }
0x30a: {  	_ =	swait.ge [sflag:s1], $0x1900  }
0x30b: {  	s2 =	rddreg [dreg:$0xa]  }
0x30c: {  	s31 =	rddreg [dreg:$0x9];
	s2 =	sadd.s32 $0x1, s2  }
0x30d: {  	p0 =	sne.s32 s2, s31  }
.Ltmp8:
0x30e: {  	_ = 	snop;
	(pc) =	sbr.rel @p0 .LBB2_1-.Ltmp8, $3  }
0x30f: {  	_ =	sdelay $0x1  }
0x310: {  	[sflag:s1] =	ssyncset.done $0x0  }
0x311: {  	[sflag:s1] =	ssyncadd.s32 $0xFFFFE700  }
0x312: {  	_ =	sfence.sel $0x180000  }
0x313: {  	[bflag:$0x0] =	sbarrier.arrive $0xFFFF  }
0x314: {  	_ =	strace $0x90000047  }
0x315: {  	s0 =	stileid.u32;
	[bflag:$0x2] =	sbarrier.arrive $0xFFFF  }
0x316: {  	p0 =	sne.s32 s0, $0x0;
	s0 =	rddreg [dreg:$0x3]  }
0x317: {  	s0 =	sadd.s32 @!p0 $0x100000, s0  }
0x318: {  	[sflag:s0] =	ssyncadd.tile.s32 @!p0 $0x1;
	_ =	shalt  }
.Lfunc_end2:
_tile_overlayer_lowered:
.L_overlay_start_2:
0x319: {  	(tag) =	ssettag $0x2  }
0x31a: {  	s0 =	rddreg [dreg:$0x0];
	s2 =	stileid.u32  }
0x31b: {  	s1 =	rddreg [dreg:$0x1];
	p0 =	sne.s32 s2, $0x0  }
0x31c: {  	s3 =	rddreg [dreg:$0x2];
	[bflag:$0x3] =	sbarrier.arrive $0xFFFF;
	s2 =	simm.s32 @!p0 $0x1C09  }
0x31d: {  	[timem:s3], [sflag:s2] =	dma.local @!p0 [hbm:s0], s1  }
0x31e: {  	s0 =	simm.s32 @!p0 $0x9  }
0x31f: {  	_ =	swait.ge @!p0 [sflag:s0], s1  }
0x320: {  	s1 =	ssub.s32 @!p0 $0x0, s1;
	[sflag:s0] =	ssyncset.done @!p0 $0x0  }
0x321: {  	[sflag:s0] =	ssyncadd.s32 @!p0 s1  }
0x322: {  	[bflag:$0x3] =	sbarrier.arrive $0xFFFF  }
0x323: {  	_ =	shalt  }

</sc_bundles>
